<compile_context>
chip_gen: v7x
topology: tpu7x:2x2x1
jax: 0.10.2.dev20260603
libtpu: 0.0.44.dev20260713+nightly
codegen_flags: <defaults>
</compile_context>

<pallas_src>
import functools

import numpy as np
import jax
import jax.numpy as jnp
from jax import lax
from jax.experimental import pallas as pl
from jax.experimental.pallas import tpu as pltpu
from jax.experimental.pallas import tpu_sc as plsc

_T = 0.1
_K = 16
_B = 128
_N = 32768
_ROWS = 32
_LANES = 16
_NVREG = _N // _LANES
_SC_WORKERS = 32
_ROWS_PER_W = _B // _SC_WORKERS

_EPS = float(np.finfo(np.float32).eps)
_NEG = float(np.float32(-np.inf))


def _threefry2x32(ks0, ks1, x0, x1):
    rot = (np.array([13, 15, 26, 6], np.uint32), np.array([17, 29, 16, 24], np.uint32))
    ks2 = np.uint32(ks0 ^ ks1 ^ np.uint32(0x1BD11BDA))
    ks = (np.uint32(ks0), np.uint32(ks1), ks2)

    def rotl(v, d):
        return (v << np.uint32(d)) | (v >> np.uint32(32 - d))

    def rnds(x0, x1, ds):
        for d in ds:
            x0 = x0 + x1
            x1 = rotl(x1, d)
            x1 = x0 ^ x1
        return x0, x1

    x0 = x0 + ks[0]
    x1 = x1 + ks[1]
    x0, x1 = rnds(x0, x1, rot[0])
    x0 = x0 + ks[1]
    x1 = x1 + ks[2] + np.uint32(1)
    x0, x1 = rnds(x0, x1, rot[1])
    x0 = x0 + ks[2]
    x1 = x1 + ks[0] + np.uint32(2)
    x0, x1 = rnds(x0, x1, rot[0])
    x0 = x0 + ks[0]
    x1 = x1 + ks[1] + np.uint32(3)
    x0, x1 = rnds(x0, x1, rot[1])
    x0 = x0 + ks[1]
    x1 = x1 + ks[2] + np.uint32(4)
    x0, x1 = rnds(x0, x1, rot[0])
    x0 = x0 + ks[2]
    x1 = x1 + ks[0] + np.uint32(5)
    return x0, x1


def _gumbel_noise():
    size = _B * _N
    with np.errstate(over="ignore"):
        x0, x1 = _threefry2x32(
            np.uint32(0), np.uint32(42),
            np.zeros(size, np.uint32), np.arange(size, dtype=np.uint32))
    bits = x0 ^ x1
    u = ((bits >> np.uint32(9)) | np.uint32(0x3F800000)).view(np.float32) - np.float32(1.0)
    u = np.maximum(np.float32(0.0), u)
    u = np.clip(u, _EPS, 1.0 - _EPS).astype(np.float32)
    return (-np.log(-np.log(u))).reshape(_B, _N)


_NOISE_CONST = _gumbel_noise()



_GV = 8
_NG = _NVREG // _GV


def _sc_topk_body(x_hbm, d_hbm, row_v, out_v, sum_v):
    wid = lax.axis_index("s") * 2 + lax.axis_index("c")
    idx15 = jnp.full((_LANES,), _LANES - 1, jnp.int32)

    for rr in range(_ROWS_PER_W):
        r = wid * _ROWS_PER_W + rr
        pltpu.sync_copy(x_hbm.at[r], row_v)

        def p1(g, _):
            base = g * (_GV * _LANES)
            gm = row_v[pl.ds(base, _LANES)]
            for j in range(1, _GV):
                gm = jnp.maximum(gm, row_v[pl.ds(base + j * _LANES, _LANES)])
            sum_v[pl.ds(g * _LANES, _LANES)] = gm
            return 0

        lax.fori_loop(0, _NG, p1, 0)

        def p2(g, carry):
            cand, cmin = carry
            v = sum_v[pl.ds(g * _LANES, _LANES)]

            def merge(args):
                cand, _ = args
                vs = plsc.sort_key_val(v, v)[0]
                m = jnp.maximum(cand, vs)
                cand2 = plsc.sort_key_val(m, m, descending=True)[0]
                return cand2, jnp.take(cand2, idx15)

            def skip(args):
                return args

            return lax.cond(jnp.any(v >= cmin), merge, skip, (cand, cmin))

        cand0 = jnp.full((_LANES,), _NEG, jnp.float32)
        _, c16 = lax.fori_loop(0, _NG, p2,
                               (cand0, jnp.full((_LANES,), _NEG, jnp.float32)))

        def p3(g, cand):
            gm = sum_v[pl.ds(g * _LANES, _LANES)]

            def hit(cand):
                base = g * (_GV * _LANES)
                for j in range(_GV):
                    v = row_v[pl.ds(base + j * _LANES, _LANES)]
                    vs = plsc.sort_key_val(v, v)[0]
                    m = jnp.maximum(cand, vs)
                    cand = plsc.sort_key_val(m, m, descending=True)[0]
                return cand

            def skip(cand):
                return cand

            return lax.cond(jnp.any(gm >= c16), hit, skip, cand)

        cande = lax.fori_loop(0, _NG, p3, cand0)
        thr = jnp.take(cande, idx15)

        def p4(g, _):
            base = g * (_GV * _LANES)
            for j in range(_GV):
                sl = pl.ds(base + j * _LANES, _LANES)
                out_v[sl] = jnp.where(row_v[sl] >= thr,
                                      jnp.float32(1.0), jnp.float32(0.0))
            return 0

        lax.fori_loop(0, _NG, p4, 0)
        pltpu.sync_copy(out_v, d_hbm.at[r])


def _sc_topk(x):
    mesh = plsc.VectorSubcoreMesh(core_axis_name="c", subcore_axis_name="s")
    fn = functools.partial(
        pl.kernel,
        mesh=mesh,
        out_type=jax.ShapeDtypeStruct((_B, _N), jnp.float32),
        scratch_types=[
            pltpu.VMEM((_N,), jnp.float32),
            pltpu.VMEM((_N,), jnp.float32),
            pltpu.VMEM((_NG * _LANES,), jnp.float32),
        ],
        compiler_params=pltpu.CompilerParams(needs_layout_passes=False),
    )(_sc_topk_body)
    return fn(x)



def _soft_sub_kernel(x_ref, z_ref, c_ref, w_ref):
    w0 = x_ref[...] + z_ref[...]
    w_ref[...] = w0
    c_ref[...] = jnp.zeros((_ROWS, _N), jnp.float32)
    mw0 = jnp.max(w0, axis=1, keepdims=True)

    def cbody(_, mw):
        mws = mw / _T
        w = w_ref[...]
        s = jnp.sum(jnp.exp(w / _T - mws), axis=1, keepdims=True)
        rs = 1.0 / s
        w2 = w_ref[...]
        oh = jnp.exp(w2 / _T - mws) * rs
        c_ref[...] = c_ref[...] + oh
        wn = w2 + jnp.log(jnp.clip(1.0 - oh, _EPS, 1.0 - _EPS))
        w_ref[...] = wn
        return jnp.max(wn, axis=1, keepdims=True)

    jax.lax.fori_loop(0, _K, cbody, mw0)


def _tc_relax(x, z):
    grid = (_B // _ROWS,)
    return pl.pallas_call(
        _soft_sub_kernel,
        grid=grid,
        in_specs=[
            pl.BlockSpec((_ROWS, _N), lambda i: (i, 0)),
            pl.BlockSpec((_ROWS, _N), lambda i: (i, 0)),
        ],
        out_specs=pl.BlockSpec((_ROWS, _N), lambda i: (i, 0)),
        out_shape=jax.ShapeDtypeStruct((_B, _N), jnp.float32),
        scratch_shapes=[
            pltpu.VMEM((_ROWS, _N), jnp.float32),
        ],
    )(x, z)


def kernel(logits):
    x = logits.reshape(_B, _N)
    z = jnp.asarray(_NOISE_CONST)
    dsamples = _sc_topk(x)
    csamples = _tc_relax(x, z)
    return dsamples, csamples

# --- scband reference (transcript-rebuilt; emitter-appended) ---
"""Pipeline reference for scband-soft-sub-sampler-1726576854732 (READ-ONLY COPY).

The authoritative reference and input builder live on the scoring server;
editing this copy changes nothing except your own understanding.
"""

import jax, jax.numpy as jnp
import numpy as np

T = 0.1
K = 16

def clamp_probs(p):
    eps = jnp.finfo(p.dtype).eps
    return jnp.clip(p, eps, 1.0 - eps)

def setup_inputs(seed: int = 0) -> dict:
    key = jax.random.key(seed)
    logits = jax.random.normal(key, (128, 1, 32768), dtype=jnp.float32)
    return {"logits": logits}

def reference(logits):
    # discrete top-k mask (sample_discrete)
    vals = jax.lax.top_k(logits, K)[0]              # [B,1,K], sorted desc
    threshold = vals[..., -1]                        # [B,1]
    dsamples = (jnp.squeeze(logits, axis=1) >= threshold).astype(jnp.float32)  # [B,N]
    # continuous relaxed top-k (training path): inject gumbel noise then iterative softmax
    u = clamp_probs(jax.random.uniform(jax.random.key(42), logits.shape, dtype=jnp.float32))
    z = -jnp.log(-jnp.log(u))
    w = logits + z
    onehot_approx = jnp.zeros_like(w)
    khot = jnp.zeros_like(w)
    for _ in range(K):
        khot_mask = clamp_probs(1.0 - onehot_approx)
        w = w + jnp.log(khot_mask)
        onehot_approx = jax.nn.softmax(w / T, axis=-1)
        khot = khot + onehot_approx
    csamples = jnp.squeeze(khot, axis=1)             # [B,N]
    return (dsamples, csamples)

if __name__ == "__main__":
    import jax
    _d = setup_inputs()
    print(jax.jit(kernel)(*tuple(_d.values())))

</pallas_src>

<mosaic_0001>
#map = affine_map<(d0, d1) -> (0, 0)>
module attributes {stable_mosaic.version = 14 : i64} {
  func.func @_sc_topk_body(%arg0: i32, %arg1: i32, %arg2: memref<128x32768xf32, #tpu.memory_space<hbm>>, %arg3: memref<128x32768xf32, #tpu.memory_space<hbm>>, %arg4: memref<32768xf32, #tpu.memory_space<vmem>>, %arg5: memref<32768xf32, #tpu.memory_space<vmem>>, %arg6: memref<4096xf32, #tpu.memory_space<vmem>>) attributes {dimension_semantics = [#tpu.dimension_semantics<core_parallel>, #tpu.dimension_semantics<subcore_parallel>], iteration_bounds = array<i64: 2, 16>, scalar_prefetch = 0 : i64, scratch_operands = 3 : i64, tpu.core_type = #tpu.core_type<sc_vector_subcore>, window_params = [{transform_indices = #map}, {transform_indices = #map}]} {
    %mul3A = arith.constant 2 : i32
    %mul3A_0 = arith.muli %arg1, %mul3A : i32
    %add3A = arith.addi %mul3A_0, %arg0 : i32
    %broadcast_in_dim3A = arith.constant 15 : i32
    %broadcast_in_dim3A_1 = vector.broadcast %broadcast_in_dim3A : i32 to vector<16xi32>
    %mul3A_2 = arith.constant 4 : i32
    %mul3A_3 = arith.muli %add3A, %mul3A_2 : i32
    %add3A_4 = arith.constant 0 : i32
    %add3A_5 = arith.addi %mul3A_3, %add3A_4 : i32
    "tpu.region"() ({
      %run_scoped3A = tpu.sem_alloc : memref<!tpu.dma_semaphore, #tpu.memory_space<semaphore_mem>>
      %dma_start3A = arith.constant 0 : i32
      %dma_start3A_174 = tpu.memref_slice %arg2[%add3A_5, %dma_start3A] : memref<128x32768xf32, #tpu.memory_space<hbm>> -> memref<1x32768xf32, #tpu.memory_space<hbm>>
      %dma_start3A_175 = tpu.memref_squeeze %dma_start3A_174 : memref<1x32768xf32, #tpu.memory_space<hbm>> -> memref<32768xf32, #tpu.memory_space<hbm>>
      %dma_start3A_176 = arith.constant 0 : i32
      %dma_start3A_177 = tpu.memref_slice %arg2[%add3A_5, %dma_start3A_176] : memref<128x32768xf32, #tpu.memory_space<hbm>> -> memref<1x32768xf32, #tpu.memory_space<hbm>>
      %dma_start3A_178 = tpu.memref_squeeze %dma_start3A_177 : memref<1x32768xf32, #tpu.memory_space<hbm>> -> memref<32768xf32, #tpu.memory_space<hbm>>
      tpu.enqueue_dma source(%dma_start3A_178 : memref<32768xf32, #tpu.memory_space<hbm>>) target(%arg4 : memref<32768xf32, #tpu.memory_space<vmem>>) target_semaphore(%run_scoped3A : memref<!tpu.dma_semaphore, #tpu.memory_space<semaphore_mem>>)
      %dma_wait3A = arith.constant 0 : i32
      %dma_wait3A_179 = tpu.memref_slice %arg2[%add3A_5, %dma_wait3A] : memref<128x32768xf32, #tpu.memory_space<hbm>> -> memref<1x32768xf32, #tpu.memory_space<hbm>>
      %dma_wait3A_180 = tpu.memref_squeeze %dma_wait3A_179 : memref<1x32768xf32, #tpu.memory_space<hbm>> -> memref<32768xf32, #tpu.memory_space<hbm>>
      %dma_wait3A_181 = arith.constant 0 : i32
      %dma_wait3A_182 = tpu.memref_slice %arg2[%add3A_5, %dma_wait3A_181] : memref<128x32768xf32, #tpu.memory_space<hbm>> -> memref<1x32768xf32, #tpu.memory_space<hbm>>
      %dma_wait3A_183 = tpu.memref_squeeze %dma_wait3A_182 : memref<1x32768xf32, #tpu.memory_space<hbm>> -> memref<32768xf32, #tpu.memory_space<hbm>>
      tpu.wait_dma2 semaphore(%run_scoped3A : memref<!tpu.dma_semaphore, #tpu.memory_space<semaphore_mem>>) src(%dma_wait3A_183 : memref<32768xf32, #tpu.memory_space<hbm>>) dst(%arg4 : memref<32768xf32, #tpu.memory_space<vmem>>)
      tpu.yield
    }) : () -> ()
    %scan3A = arith.constant 0 : i32
    %scan3A_6 = arith.constant 0 : i32
    %scan3A_7 = arith.constant 256 : i32
    %scan3A_8 = arith.addi %scan3A_6, %scan3A_7 : i32
    %scan3A_9 = arith.constant 1 : i32
    %scan3A_10 = scf.for %scan3A_174 = %scan3A_6 to %scan3A_8 step %scan3A_9 iter_args(%scan3A_175 = %scan3A) -> (i32)  : i32 {
      %mul3A_176 = arith.constant 128 : i32
      %mul3A_177 = arith.muli %scan3A_174, %mul3A_176 : i32
      %get3A = arith.index_cast %mul3A_177 : i32 to index
      %get3A_178 = tpu.vector_load %arg4[%get3A] {strides = array<i32>} : memref<32768xf32, #tpu.memory_space<vmem>>, vector<16xf32>,
      %add3A_179 = arith.constant 16 : i32
      %add3A_180 = arith.addi %mul3A_177, %add3A_179 : i32
      %get3A_181 = arith.index_cast %add3A_180 : i32 to index
      %get3A_182 = tpu.vector_load %arg4[%get3A_181] {strides = array<i32>} : memref<32768xf32, #tpu.memory_space<vmem>>, vector<16xf32>,
      %max3A = arith.maximumf %get3A_178, %get3A_182 : vector<16xf32>
      %add3A_183 = arith.constant 32 : i32
      %add3A_184 = arith.addi %mul3A_177, %add3A_183 : i32
      %get3A_185 = arith.index_cast %add3A_184 : i32 to index
      %get3A_186 = tpu.vector_load %arg4[%get3A_185] {strides = array<i32>} : memref<32768xf32, #tpu.memory_space<vmem>>, vector<16xf32>,
      %max3A_187 = arith.maximumf %max3A, %get3A_186 : vector<16xf32>
      %add3A_188 = arith.constant 48 : i32
      %add3A_189 = arith.addi %mul3A_177, %add3A_188 : i32
      %get3A_190 = arith.index_cast %add3A_189 : i32 to index
      %get3A_191 = tpu.vector_load %arg4[%get3A_190] {strides = array<i32>} : memref<32768xf32, #tpu.memory_space<vmem>>, vector<16xf32>,
      %max3A_192 = arith.maximumf %max3A_187, %get3A_191 : vector<16xf32>
      %add3A_193 = arith.constant 64 : i32
      %add3A_194 = arith.addi %mul3A_177, %add3A_193 : i32
      %get3A_195 = arith.index_cast %add3A_194 : i32 to index
      %get3A_196 = tpu.vector_load %arg4[%get3A_195] {strides = array<i32>} : memref<32768xf32, #tpu.memory_space<vmem>>, vector<16xf32>,
      %max3A_197 = arith.maximumf %max3A_192, %get3A_196 : vector<16xf32>
      %add3A_198 = arith.constant 80 : i32
      %add3A_199 = arith.addi %mul3A_177, %add3A_198 : i32
      %get3A_200 = arith.index_cast %add3A_199 : i32 to index
      %get3A_201 = tpu.vector_load %arg4[%get3A_200] {strides = array<i32>} : memref<32768xf32, #tpu.memory_space<vmem>>, vector<16xf32>,
      %max3A_202 = arith.maximumf %max3A_197, %get3A_201 : vector<16xf32>
      %add3A_203 = arith.constant 96 : i32
      %add3A_204 = arith.addi %mul3A_177, %add3A_203 : i32
      %get3A_205 = arith.index_cast %add3A_204 : i32 to index
      %get3A_206 = tpu.vector_load %arg4[%get3A_205] {strides = array<i32>} : memref<32768xf32, #tpu.memory_space<vmem>>, vector<16xf32>,
      %max3A_207 = arith.maximumf %max3A_202, %get3A_206 : vector<16xf32>
      %add3A_208 = arith.constant 112 : i32
      %add3A_209 = arith.addi %mul3A_177, %add3A_208 : i32
      %get3A_210 = arith.index_cast %add3A_209 : i32 to index
      %get3A_211 = tpu.vector_load %arg4[%get3A_210] {strides = array<i32>} : memref<32768xf32, #tpu.memory_space<vmem>>, vector<16xf32>,
      %max3A_212 = arith.maximumf %max3A_207, %get3A_211 : vector<16xf32>
      %mul3A_213 = arith.constant 16 : i32
      %mul3A_214 = arith.muli %scan3A_174, %mul3A_213 : i32
      %swap3A = arith.index_cast %mul3A_214 : i32 to index
      %swap3A_215 = tpu.vector_load %arg6[%swap3A] {strides = array<i32>} : memref<4096xf32, #tpu.memory_space<vmem>>, vector<16xf32>,
      tpu.vector_store %arg6[%swap3A], %max3A_212 {strides = array<i32>} : memref<4096xf32, #tpu.memory_space<vmem>>, vector<16xf32>,
      %scan3A_216 = arith.constant 0 : i32
      scf.yield %scan3A_216 : i32
    }
    %scan3A_11 = arith.constant 256 : i32
    %broadcast_in_dim3A_12 = arith.constant 0xFF800000 : f32
    %broadcast_in_dim3A_13 = vector.broadcast %broadcast_in_dim3A_12 : f32 to vector<16xf32>
    %broadcast_in_dim3A_14 = arith.constant 0xFF800000 : f32
    %broadcast_in_dim3A_15 = vector.broadcast %broadcast_in_dim3A_14 : f32 to vector<16xf32>
    %scan3A_16 = arith.constant 0 : i32
    %scan3A_17 = arith.constant 256 : i32
    %scan3A_18 = arith.addi %scan3A_16, %scan3A_17 : i32
    %scan3A_19 = arith.constant 1 : i32
    %scan3A_20:2 = scf.for %scan3A_174 = %scan3A_16 to %scan3A_18 step %scan3A_19 iter_args(%scan3A_175 = %broadcast_in_dim3A_13, %scan3A_176 = %broadcast_in_dim3A_15) -> (vector<16xf32>, vector<16xf32>)  : i32 {
      %mul3A_177 = arith.constant 16 : i32
      %mul3A_178 = arith.muli %scan3A_174, %mul3A_177 : i32
      %get3A = arith.index_cast %mul3A_178 : i32 to index
      %get3A_179 = tpu.vector_load %arg6[%get3A] {strides = array<i32>} : memref<4096xf32, #tpu.memory_space<vmem>>, vector<16xf32>,
      %ge3A = arith.cmpf oge, %get3A_179, %scan3A_176 : vector<16xf32>
      %reduce_or3A = arith.constant 1.000000e+00 : f32
      %reduce_or3A_180 = arith.constant 0.000000e+00 : f32
      %reduce_or3A_181 = vector.broadcast %reduce_or3A : f32 to vector<16xf32>
      %reduce_or3A_182 = vector.broadcast %reduce_or3A_180 : f32 to vector<16xf32>
      %reduce_or3A_183 = arith.select %ge3A, %reduce_or3A_181, %reduce_or3A_182 : vector<16xi1>, vector<16xf32>
      %reduce_or3A_184 = arith.constant true
      %reduce_or3A_185 = vector.broadcast %reduce_or3A_184 : i1 to vector<16xi1>
      %reduce_or3A_186 = tpu.scan <max>, %reduce_or3A_183 masked %reduce_or3A_185 : vector<16xf32>, vector<16xi1> -> vector<16xf32>
      %reduce_or3A_187 = vector.extract %reduce_or3A_186[15] : f32 from vector<16xf32>
      %reduce_or3A_188 = arith.constant 0.000000e+00 : f32
      %reduce_or3A_189 = arith.cmpf ogt, %reduce_or3A_187, %reduce_or3A_188 : f32
      %convert_element_type3A = arith.extui %reduce_or3A_189 : i1 to i32
      %cond3A = arith.constant 0 : i32
      %cond3A_190 = arith.cmpi ne, %convert_element_type3A, %cond3A : i32
      %cond3A_191:2 = scf.if %cond3A_190 -> (vector<16xf32>, vector<16xf32>) {
        %masked_sort3A = arith.constant dense<true> : vector<16xi1>
        %masked_sort3A_192, %masked_sort3A_193, %masked_sort3A_194 = tpu.sort %get3A_179, %get3A_179 masked %masked_sort3A : (vector<16xf32>, vector<16xf32>, vector<16xi1>) -> (vector<16xi1>, vector<16xf32>, vector<16xf32>)
        %max3A = arith.maximumf %scan3A_175, %masked_sort3A_193 : vector<16xf32>
        %masked_sort3A_195 = arith.constant dense<true> : vector<16xi1>
        %masked_sort3A_196, %masked_sort3A_197, %masked_sort3A_198 = tpu.sort %max3A, %max3A masked %masked_sort3A_195 {descending = true} : (vector<16xf32>, vector<16xf32>, vector<16xi1>) -> (vector<16xi1>, vector<16xf32>, vector<16xf32>)
        %lt3A_199 = arith.constant 0 : i32
        %lt3A_200 = vector.broadcast %lt3A_199 : i32 to vector<16xi32>
        %lt3A_201 = arith.cmpi slt, %broadcast_in_dim3A_1, %lt3A_200 : vector<16xi32>
        %add3A_202 = arith.constant 16 : i32
        %add3A_203 = vector.broadcast %add3A_202 : i32 to vector<16xi32>
        %add3A_204 = arith.addi %broadcast_in_dim3A_1, %add3A_203 : vector<16xi32>
        %select_n3A_205 = arith.select %lt3A_201, %add3A_204, %broadcast_in_dim3A_1 : vector<16xi1>, vector<16xi32>
        %broadcast_in_dim3A_206 = vector.shape_cast %select_n3A_205 : vector<16xi32> to vector<16x1xi32>
        %gather3A_207 = vector.shape_cast %broadcast_in_dim3A_206 : vector<16x1xi32> to vector<16xi32>
        %gather3A_208 = tpu.dynamic_gather %masked_sort3A_197[%gather3A_207] in [0] : vector<16xf32>, vector<16xi32> -> vector<16xf32>
        scf.yield %masked_sort3A_197, %gather3A_208 : vector<16xf32>, vector<16xf32>
      } else {
        scf.yield %scan3A_175, %scan3A_176 : vector<16xf32>, vector<16xf32>
      }
      scf.yield %cond3A_191#0, %cond3A_191#1 : vector<16xf32>, vector<16xf32>
    }
    %scan3A_21 = arith.constant 256 : i32
    %scan3A_22 = arith.constant 0 : i32
    %scan3A_23 = arith.constant 256 : i32
    %scan3A_24 = arith.addi %scan3A_22, %scan3A_23 : i32
    %scan3A_25 = arith.constant 1 : i32
    %scan3A_26 = scf.for %scan3A_174 = %scan3A_22 to %scan3A_24 step %scan3A_25 iter_args(%scan3A_175 = %broadcast_in_dim3A_13) -> (vector<16xf32>)  : i32 {
      %mul3A_176 = arith.constant 16 : i32
      %mul3A_177 = arith.muli %scan3A_174, %mul3A_176 : i32
      %get3A = arith.index_cast %mul3A_177 : i32 to index
      %get3A_178 = tpu.vector_load %arg6[%get3A] {strides = array<i32>} : memref<4096xf32, #tpu.memory_space<vmem>>, vector<16xf32>,
      %ge3A = arith.cmpf oge, %get3A_178, %scan3A_20#1 : vector<16xf32>
      %reduce_or3A = arith.constant 1.000000e+00 : f32
      %reduce_or3A_179 = arith.constant 0.000000e+00 : f32
      %reduce_or3A_180 = vector.broadcast %reduce_or3A : f32 to vector<16xf32>
      %reduce_or3A_181 = vector.broadcast %reduce_or3A_179 : f32 to vector<16xf32>
      %reduce_or3A_182 = arith.select %ge3A, %reduce_or3A_180, %reduce_or3A_181 : vector<16xi1>, vector<16xf32>
      %reduce_or3A_183 = arith.constant true
      %reduce_or3A_184 = vector.broadcast %reduce_or3A_183 : i1 to vector<16xi1>
      %reduce_or3A_185 = tpu.scan <max>, %reduce_or3A_182 masked %reduce_or3A_184 : vector<16xf32>, vector<16xi1> -> vector<16xf32>
      %reduce_or3A_186 = vector.extract %reduce_or3A_185[15] : f32 from vector<16xf32>
      %reduce_or3A_187 = arith.constant 0.000000e+00 : f32
      %reduce_or3A_188 = arith.cmpf ogt, %reduce_or3A_186, %reduce_or3A_187 : f32
      %convert_element_type3A = arith.extui %reduce_or3A_188 : i1 to i32
      %cond3A = arith.constant 0 : i32
      %cond3A_189 = arith.cmpi ne, %convert_element_type3A, %cond3A : i32
      %cond3A_190 = scf.if %cond3A_189 -> (vector<16xf32>) {
        %mul3A_191 = arith.constant 128 : i32
        %mul3A_192 = arith.muli %scan3A_174, %mul3A_191 : i32
        %add3A_193 = arith.constant 0 : i32
        %add3A_194 = arith.addi %mul3A_192, %add3A_193 : i32
        %get3A_195 = arith.index_cast %add3A_194 : i32 to index
        %get3A_196 = tpu.vector_load %arg4[%get3A_195] {strides = array<i32>} : memref<32768xf32, #tpu.memory_space<vmem>>, vector<16xf32>,
        %masked_sort3A = arith.constant dense<true> : vector<16xi1>
        %masked_sort3A_197, %masked_sort3A_198, %masked_sort3A_199 = tpu.sort %get3A_196, %get3A_196 masked %masked_sort3A : (vector<16xf32>, vector<16xf32>, vector<16xi1>) -> (vector<16xi1>, vector<16xf32>, vector<16xf32>)
        %max3A = arith.maximumf %scan3A_175, %masked_sort3A_198 : vector<16xf32>
        %masked_sort3A_200 = arith.constant dense<true> : vector<16xi1>
        %masked_sort3A_201, %masked_sort3A_202, %masked_sort3A_203 = tpu.sort %max3A, %max3A masked %masked_sort3A_200 {descending = true} : (vector<16xf32>, vector<16xf32>, vector<16xi1>) -> (vector<16xi1>, vector<16xf32>, vector<16xf32>)
        %add3A_204 = arith.constant 16 : i32
        %add3A_205 = arith.addi %mul3A_192, %add3A_204 : i32
        %get3A_206 = arith.index_cast %add3A_205 : i32 to index
        %get3A_207 = tpu.vector_load %arg4[%get3A_206] {strides = array<i32>} : memref<32768xf32, #tpu.memory_space<vmem>>, vector<16xf32>,
        %masked_sort3A_208 = arith.constant dense<true> : vector<16xi1>
        %masked_sort3A_209, %masked_sort3A_210, %masked_sort3A_211 = tpu.sort %get3A_207, %get3A_207 masked %masked_sort3A_208 : (vector<16xf32>, vector<16xf32>, vector<16xi1>) -> (vector<16xi1>, vector<16xf32>, vector<16xf32>)
        %max3A_212 = arith.maximumf %masked_sort3A_202, %masked_sort3A_210 : vector<16xf32>
        %masked_sort3A_213 = arith.constant dense<true> : vector<16xi1>
        %masked_sort3A_214, %masked_sort3A_215, %masked_sort3A_216 = tpu.sort %max3A_212, %max3A_212 masked %masked_sort3A_213 {descending = true} : (vector<16xf32>, vector<16xf32>, vector<16xi1>) -> (vector<16xi1>, vector<16xf32>, vector<16xf32>)
        %add3A_217 = arith.constant 32 : i32
        %add3A_218 = arith.addi %mul3A_192, %add3A_217 : i32
        %get3A_219 = arith.index_cast %add3A_218 : i32 to index
        %get3A_220 = tpu.vector_load %arg4[%get3A_219] {strides = array<i32>} : memref<32768xf32, #tpu.memory_space<vmem>>, vector<16xf32>,
        %masked_sort3A_221 = arith.constant dense<true> : vector<16xi1>
        %masked_sort3A_222, %masked_sort3A_223, %masked_sort3A_224 = tpu.sort %get3A_220, %get3A_220 masked %masked_sort3A_221 : (vector<16xf32>, vector<16xf32>, vector<16xi1>) -> (vector<16xi1>, vector<16xf32>, vector<16xf32>)
        %max3A_225 = arith.maximumf %masked_sort3A_215, %masked_sort3A_223 : vector<16xf32>
        %masked_sort3A_226 = arith.constant dense<true> : vector<16xi1>
        %masked_sort3A_227, %masked_sort3A_228, %masked_sort3A_229 = tpu.sort %max3A_225, %max3A_225 masked %masked_sort3A_226 {descending = true} : (vector<16xf32>, vector<16xf32>, vector<16xi1>) -> (vector<16xi1>, vector<16xf32>, vector<16xf32>)
        %add3A_230 = arith.constant 48 : i32
        %add3A_231 = arith.addi %mul3A_192, %add3A_230 : i32
        %get3A_232 = arith.index_cast %add3A_231 : i32 to index
        %get3A_233 = tpu.vector_load %arg4[%get3A_232] {strides = array<i32>} : memref<32768xf32, #tpu.memory_space<vmem>>, vector<16xf32>,
        %masked_sort3A_234 = arith.constant dense<true> : vector<16xi1>
        %masked_sort3A_235, %masked_sort3A_236, %masked_sort3A_237 = tpu.sort %get3A_233, %get3A_233 masked %masked_sort3A_234 : (vector<16xf32>, vector<16xf32>, vector<16xi1>) -> (vector<16xi1>, vector<16xf32>, vector<16xf32>)
        %max3A_238 = arith.maximumf %masked_sort3A_228, %masked_sort3A_236 : vector<16xf32>
        %masked_sort3A_239 = arith.constant dense<true> : vector<16xi1>
        %masked_sort3A_240, %masked_sort3A_241, %masked_sort3A_242 = tpu.sort %max3A_238, %max3A_238 masked %masked_sort3A_239 {descending = true} : (vector<16xf32>, vector<16xf32>, vector<16xi1>) -> (vector<16xi1>, vector<16xf32>, vector<16xf32>)
        %add3A_243 = arith.constant 64 : i32
        %add3A_244 = arith.addi %mul3A_192, %add3A_243 : i32
        %get3A_245 = arith.index_cast %add3A_244 : i32 to index
        %get3A_246 = tpu.vector_load %arg4[%get3A_245] {strides = array<i32>} : memref<32768xf32, #tpu.memory_space<vmem>>, vector<16xf32>,
        %masked_sort3A_247 = arith.constant dense<true> : vector<16xi1>
        %masked_sort3A_248, %masked_sort3A_249, %masked_sort3A_250 = tpu.sort %get3A_246, %get3A_246 masked %masked_sort3A_247 : (vector<16xf32>, vector<16xf32>, vector<16xi1>) -> (vector<16xi1>, vector<16xf32>, vector<16xf32>)
        %max3A_251 = arith.maximumf %masked_sort3A_241, %masked_sort3A_249 : vector<16xf32>
        %masked_sort3A_252 = arith.constant dense<true> : vector<16xi1>
        %masked_sort3A_253, %masked_sort3A_254, %masked_sort3A_255 = tpu.sort %max3A_251, %max3A_251 masked %masked_sort3A_252 {descending = true} : (vector<16xf32>, vector<16xf32>, vector<16xi1>) -> (vector<16xi1>, vector<16xf32>, vector<16xf32>)
        %add3A_256 = arith.constant 80 : i32
        %add3A_257 = arith.addi %mul3A_192, %add3A_256 : i32
        %get3A_258 = arith.index_cast %add3A_257 : i32 to index
        %get3A_259 = tpu.vector_load %arg4[%get3A_258] {strides = array<i32>} : memref<32768xf32, #tpu.memory_space<vmem>>, vector<16xf32>,
        %masked_sort3A_260 = arith.constant dense<true> : vector<16xi1>
        %masked_sort3A_261, %masked_sort3A_262, %masked_sort3A_263 = tpu.sort %get3A_259, %get3A_259 masked %masked_sort3A_260 : (vector<16xf32>, vector<16xf32>, vector<16xi1>) -> (vector<16xi1>, vector<16xf32>, vector<16xf32>)
        %max3A_264 = arith.maximumf %masked_sort3A_254, %masked_sort3A_262 : vector<16xf32>
        %masked_sort3A_265 = arith.constant dense<true> : vector<16xi1>
        %masked_sort3A_266, %masked_sort3A_267, %masked_sort3A_268 = tpu.sort %max3A_264, %max3A_264 masked %masked_sort3A_265 {descending = true} : (vector<16xf32>, vector<16xf32>, vector<16xi1>) -> (vector<16xi1>, vector<16xf32>, vector<16xf32>)
        %add3A_269 = arith.constant 96 : i32
        %add3A_270 = arith.addi %mul3A_192, %add3A_269 : i32
        %get3A_271 = arith.index_cast %add3A_270 : i32 to index
        %get3A_272 = tpu.vector_load %arg4[%get3A_271] {strides = array<i32>} : memref<32768xf32, #tpu.memory_space<vmem>>, vector<16xf32>,
        %masked_sort3A_273 = arith.constant dense<true> : vector<16xi1>
        %masked_sort3A_274, %masked_sort3A_275, %masked_sort3A_276 = tpu.sort %get3A_272, %get3A_272 masked %masked_sort3A_273 : (vector<16xf32>, vector<16xf32>, vector<16xi1>) -> (vector<16xi1>, vector<16xf32>, vector<16xf32>)
        %max3A_277 = arith.maximumf %masked_sort3A_267, %masked_sort3A_275 : vector<16xf32>
        %masked_sort3A_278 = arith.constant dense<true> : vector<16xi1>
        %masked_sort3A_279, %masked_sort3A_280, %masked_sort3A_281 = tpu.sort %max3A_277, %max3A_277 masked %masked_sort3A_278 {descending = true} : (vector<16xf32>, vector<16xf32>, vector<16xi1>) -> (vector<16xi1>, vector<16xf32>, vector<16xf32>)
        %add3A_282 = arith.constant 112 : i32
        %add3A_283 = arith.addi %mul3A_192, %add3A_282 : i32
        %get3A_284 = arith.index_cast %add3A_283 : i32 to index
        %get3A_285 = tpu.vector_load %arg4[%get3A_284] {strides = array<i32>} : memref<32768xf32, #tpu.memory_space<vmem>>, vector<16xf32>,
        %masked_sort3A_286 = arith.constant dense<true> : vector<16xi1>
        %masked_sort3A_287, %masked_sort3A_288, %masked_sort3A_289 = tpu.sort %get3A_285, %get3A_285 masked %masked_sort3A_286 : (vector<16xf32>, vector<16xf32>, vector<16xi1>) -> (vector<16xi1>, vector<16xf32>, vector<16xf32>)
        %max3A_290 = arith.maximumf %masked_sort3A_280, %masked_sort3A_288 : vector<16xf32>
        %masked_sort3A_291 = arith.constant dense<true> : vector<16xi1>
        %masked_sort3A_292, %masked_sort3A_293, %masked_sort3A_294 = tpu.sort %max3A_290, %max3A_290 masked %masked_sort3A_291 {descending = true} : (vector<16xf32>, vector<16xf32>, vector<16xi1>) -> (vector<16xi1>, vector<16xf32>, vector<16xf32>)
        scf.yield %masked_sort3A_293 : vector<16xf32>
      } else {
        scf.yield %scan3A_175 : vector<16xf32>
      }
      scf.yield %cond3A_190 : vector<16xf32>
    }
    %scan3A_27 = arith.constant 256 : i32
    %lt3A = arith.constant 0 : i32
    %lt3A_28 = vector.broadcast %lt3A : i32 to vector<16xi32>
    %lt3A_29 = arith.cmpi slt, %broadcast_in_dim3A_1, %lt3A_28 : vector<16xi32>
    %add3A_30 = arith.constant 16 : i32
    %add3A_31 = vector.broadcast %add3A_30 : i32 to vector<16xi32>
    %add3A_32 = arith.addi %broadcast_in_dim3A_1, %add3A_31 : vector<16xi32>
    %select_n3A = arith.select %lt3A_29, %add3A_32, %broadcast_in_dim3A_1 : vector<16xi1>, vector<16xi32>
    %broadcast_in_dim3A_33 = vector.shape_cast %select_n3A : vector<16xi32> to vector<16x1xi32>
    %gather3A = vector.shape_cast %broadcast_in_dim3A_33 : vector<16x1xi32> to vector<16xi32>
    %gather3A_34 = tpu.dynamic_gather %scan3A_26[%gather3A] in [0] : vector<16xf32>, vector<16xi32> -> vector<16xf32>
    %scan3A_35 = arith.constant 0 : i32
    %scan3A_36 = arith.constant 0 : i32
    %scan3A_37 = arith.constant 256 : i32
    %scan3A_38 = arith.addi %scan3A_36, %scan3A_37 : i32
    %scan3A_39 = arith.constant 1 : i32
    %scan3A_40 = scf.for %scan3A_174 = %scan3A_36 to %scan3A_38 step %scan3A_39 iter_args(%scan3A_175 = %scan3A_35) -> (i32)  : i32 {
      %mul3A_176 = arith.constant 128 : i32
      %mul3A_177 = arith.muli %scan3A_174, %mul3A_176 : i32
      %add3A_178 = arith.constant 0 : i32
      %add3A_179 = arith.addi %mul3A_177, %add3A_178 : i32
      %get3A = arith.index_cast %add3A_179 : i32 to index
      %get3A_180 = tpu.vector_load %arg4[%get3A] {strides = array<i32>} : memref<32768xf32, #tpu.memory_space<vmem>>, vector<16xf32>,
      %ge3A = arith.cmpf oge, %get3A_180, %gather3A_34 : vector<16xf32>
      %jit3A = arith.constant 1.000000e+00 : f32
      %jit3A_181 = arith.constant 0.000000e+00 : f32
      %broadcast_in_dim3A_182 = vector.broadcast %jit3A : f32 to vector<16xf32>
      %broadcast_in_dim3A_183 = vector.broadcast %jit3A_181 : f32 to vector<16xf32>
      %select_n3A_184 = arith.select %ge3A, %broadcast_in_dim3A_182, %broadcast_in_dim3A_183 : vector<16xi1>, vector<16xf32>
      %swap3A = arith.index_cast %add3A_179 : i32 to index
      %swap3A_185 = tpu.vector_load %arg5[%swap3A] {strides = array<i32>} : memref<32768xf32, #tpu.memory_space<vmem>>, vector<16xf32>,
      tpu.vector_store %arg5[%swap3A], %select_n3A_184 {strides = array<i32>} : memref<32768xf32, #tpu.memory_space<vmem>>, vector<16xf32>,
      %add3A_186 = arith.constant 16 : i32
      %add3A_187 = arith.addi %mul3A_177, %add3A_186 : i32
      %get3A_188 = arith.index_cast %add3A_187 : i32 to index
      %get3A_189 = tpu.vector_load %arg4[%get3A_188] {strides = array<i32>} : memref<32768xf32, #tpu.memory_space<vmem>>, vector<16xf32>,
      %ge3A_190 = arith.cmpf oge, %get3A_189, %gather3A_34 : vector<16xf32>
      %jit3A_191 = arith.constant 1.000000e+00 : f32
      %jit3A_192 = arith.constant 0.000000e+00 : f32
      %broadcast_in_dim3A_193 = vector.broadcast %jit3A_191 : f32 to vector<16xf32>
      %broadcast_in_dim3A_194 = vector.broadcast %jit3A_192 : f32 to vector<16xf32>
      %select_n3A_195 = arith.select %ge3A_190, %broadcast_in_dim3A_193, %broadcast_in_dim3A_194 : vector<16xi1>, vector<16xf32>
      %swap3A_196 = arith.index_cast %add3A_187 : i32 to index
      %swap3A_197 = tpu.vector_load %arg5[%swap3A_196] {strides = array<i32>} : memref<32768xf32, #tpu.memory_space<vmem>>, vector<16xf32>,
      tpu.vector_store %arg5[%swap3A_196], %select_n3A_195 {strides = array<i32>} : memref<32768xf32, #tpu.memory_space<vmem>>, vector<16xf32>,
      %add3A_198 = arith.constant 32 : i32
      %add3A_199 = arith.addi %mul3A_177, %add3A_198 : i32
      %get3A_200 = arith.index_cast %add3A_199 : i32 to index
      %get3A_201 = tpu.vector_load %arg4[%get3A_200] {strides = array<i32>} : memref<32768xf32, #tpu.memory_space<vmem>>, vector<16xf32>,
      %ge3A_202 = arith.cmpf oge, %get3A_201, %gather3A_34 : vector<16xf32>
      %jit3A_203 = arith.constant 1.000000e+00 : f32
      %jit3A_204 = arith.constant 0.000000e+00 : f32
      %broadcast_in_dim3A_205 = vector.broadcast %jit3A_203 : f32 to vector<16xf32>
      %broadcast_in_dim3A_206 = vector.broadcast %jit3A_204 : f32 to vector<16xf32>
      %select_n3A_207 = arith.select %ge3A_202, %broadcast_in_dim3A_205, %broadcast_in_dim3A_206 : vector<16xi1>, vector<16xf32>
      %swap3A_208 = arith.index_cast %add3A_199 : i32 to index
      %swap3A_209 = tpu.vector_load %arg5[%swap3A_208] {strides = array<i32>} : memref<32768xf32, #tpu.memory_space<vmem>>, vector<16xf32>,
      tpu.vector_store %arg5[%swap3A_208], %select_n3A_207 {strides = array<i32>} : memref<32768xf32, #tpu.memory_space<vmem>>, vector<16xf32>,
      %add3A_210 = arith.constant 48 : i32
      %add3A_211 = arith.addi %mul3A_177, %add3A_210 : i32
      %get3A_212 = arith.index_cast %add3A_211 : i32 to index
      %get3A_213 = tpu.vector_load %arg4[%get3A_212] {strides = array<i32>} : memref<32768xf32, #tpu.memory_space<vmem>>, vector<16xf32>,
      %ge3A_214 = arith.cmpf oge, %get3A_213, %gather3A_34 : vector<16xf32>
      %jit3A_215 = arith.constant 1.000000e+00 : f32
      %jit3A_216 = arith.constant 0.000000e+00 : f32
      %broadcast_in_dim3A_217 = vector.broadcast %jit3A_215 : f32 to vector<16xf32>
      %broadcast_in_dim3A_218 = vector.broadcast %jit3A_216 : f32 to vector<16xf32>
      %select_n3A_219 = arith.select %ge3A_214, %broadcast_in_dim3A_217, %broadcast_in_dim3A_218 : vector<16xi1>, vector<16xf32>
      %swap3A_220 = arith.index_cast %add3A_211 : i32 to index
      %swap3A_221 = tpu.vector_load %arg5[%swap3A_220] {strides = array<i32>} : memref<32768xf32, #tpu.memory_space<vmem>>, vector<16xf32>,
      tpu.vector_store %arg5[%swap3A_220], %select_n3A_219 {strides = array<i32>} : memref<32768xf32, #tpu.memory_space<vmem>>, vector<16xf32>,
      %add3A_222 = arith.constant 64 : i32
      %add3A_223 = arith.addi %mul3A_177, %add3A_222 : i32
      %get3A_224 = arith.index_cast %add3A_223 : i32 to index
      %get3A_225 = tpu.vector_load %arg4[%get3A_224] {strides = array<i32>} : memref<32768xf32, #tpu.memory_space<vmem>>, vector<16xf32>,
      %ge3A_226 = arith.cmpf oge, %get3A_225, %gather3A_34 : vector<16xf32>
      %jit3A_227 = arith.constant 1.000000e+00 : f32
      %jit3A_228 = arith.constant 0.000000e+00 : f32
      %broadcast_in_dim3A_229 = vector.broadcast %jit3A_227 : f32 to vector<16xf32>
      %broadcast_in_dim3A_230 = vector.broadcast %jit3A_228 : f32 to vector<16xf32>
      %select_n3A_231 = arith.select %ge3A_226, %broadcast_in_dim3A_229, %broadcast_in_dim3A_230 : vector<16xi1>, vector<16xf32>
      %swap3A_232 = arith.index_cast %add3A_223 : i32 to index
      %swap3A_233 = tpu.vector_load %arg5[%swap3A_232] {strides = array<i32>} : memref<32768xf32, #tpu.memory_space<vmem>>, vector<16xf32>,
      tpu.vector_store %arg5[%swap3A_232], %select_n3A_231 {strides = array<i32>} : memref<32768xf32, #tpu.memory_space<vmem>>, vector<16xf32>,
      %add3A_234 = arith.constant 80 : i32
      %add3A_235 = arith.addi %mul3A_177, %add3A_234 : i32
      %get3A_236 = arith.index_cast %add3A_235 : i32 to index
      %get3A_237 = tpu.vector_load %arg4[%get3A_236] {strides = array<i32>} : memref<32768xf32, #tpu.memory_space<vmem>>, vector<16xf32>,
      %ge3A_238 = arith.cmpf oge, %get3A_237, %gather3A_34 : vector<16xf32>
      %jit3A_239 = arith.constant 1.000000e+00 : f32
      %jit3A_240 = arith.constant 0.000000e+00 : f32
      %broadcast_in_dim3A_241 = vector.broadcast %jit3A_239 : f32 to vector<16xf32>
      %broadcast_in_dim3A_242 = vector.broadcast %jit3A_240 : f32 to vector<16xf32>
      %select_n3A_243 = arith.select %ge3A_238, %broadcast_in_dim3A_241, %broadcast_in_dim3A_242 : vector<16xi1>, vector<16xf32>
      %swap3A_244 = arith.index_cast %add3A_235 : i32 to index
      %swap3A_245 = tpu.vector_load %arg5[%swap3A_244] {strides = array<i32>} : memref<32768xf32, #tpu.memory_space<vmem>>, vector<16xf32>,
      tpu.vector_store %arg5[%swap3A_244], %select_n3A_243 {strides = array<i32>} : memref<32768xf32, #tpu.memory_space<vmem>>, vector<16xf32>,
      %add3A_246 = arith.constant 96 : i32
      %add3A_247 = arith.addi %mul3A_177, %add3A_246 : i32
      %get3A_248 = arith.index_cast %add3A_247 : i32 to index
      %get3A_249 = tpu.vector_load %arg4[%get3A_248] {strides = array<i32>} : memref<32768xf32, #tpu.memory_space<vmem>>, vector<16xf32>,
      %ge3A_250 = arith.cmpf oge, %get3A_249, %gather3A_34 : vector<16xf32>
      %jit3A_251 = arith.constant 1.000000e+00 : f32
      %jit3A_252 = arith.constant 0.000000e+00 : f32
      %broadcast_in_dim3A_253 = vector.broadcast %jit3A_251 : f32 to vector<16xf32>
      %broadcast_in_dim3A_254 = vector.broadcast %jit3A_252 : f32 to vector<16xf32>
      %select_n3A_255 = arith.select %ge3A_250, %broadcast_in_dim3A_253, %broadcast_in_dim3A_254 : vector<16xi1>, vector<16xf32>
      %swap3A_256 = arith.index_cast %add3A_247 : i32 to index
      %swap3A_257 = tpu.vector_load %arg5[%swap3A_256] {strides = array<i32>} : memref<32768xf32, #tpu.memory_space<vmem>>, vector<16xf32>,
      tpu.vector_store %arg5[%swap3A_256], %select_n3A_255 {strides = array<i32>} : memref<32768xf32, #tpu.memory_space<vmem>>, vector<16xf32>,
      %add3A_258 = arith.constant 112 : i32
      %add3A_259 = arith.addi %mul3A_177, %add3A_258 : i32
      %get3A_260 = arith.index_cast %add3A_259 : i32 to index
      %get3A_261 = tpu.vector_load %arg4[%get3A_260] {strides = array<i32>} : memref<32768xf32, #tpu.memory_space<vmem>>, vector<16xf32>,
      %ge3A_262 = arith.cmpf oge, %get3A_261, %gather3A_34 : vector<16xf32>
      %jit3A_263 = arith.constant 1.000000e+00 : f32
      %jit3A_264 = arith.constant 0.000000e+00 : f32
      %broadcast_in_dim3A_265 = vector.broadcast %jit3A_263 : f32 to vector<16xf32>
      %broadcast_in_dim3A_266 = vector.broadcast %jit3A_264 : f32 to vector<16xf32>
      %select_n3A_267 = arith.select %ge3A_262, %broadcast_in_dim3A_265, %broadcast_in_dim3A_266 : vector<16xi1>, vector<16xf32>
      %swap3A_268 = arith.index_cast %add3A_259 : i32 to index
      %swap3A_269 = tpu.vector_load %arg5[%swap3A_268] {strides = array<i32>} : memref<32768xf32, #tpu.memory_space<vmem>>, vector<16xf32>,
      tpu.vector_store %arg5[%swap3A_268], %select_n3A_267 {strides = array<i32>} : memref<32768xf32, #tpu.memory_space<vmem>>, vector<16xf32>,
      %scan3A_270 = arith.constant 0 : i32
      scf.yield %scan3A_270 : i32
    }
    %scan3A_41 = arith.constant 256 : i32
    "tpu.region"() ({
      %run_scoped3A = tpu.sem_alloc : memref<!tpu.dma_semaphore, #tpu.memory_space<semaphore_mem>>
      %dma_start3A = arith.constant 0 : i32
      %dma_start3A_174 = tpu.memref_slice %arg3[%add3A_5, %dma_start3A] : memref<128x32768xf32, #tpu.memory_space<hbm>> -> memref<1x32768xf32, #tpu.memory_space<hbm>>
      %dma_start3A_175 = tpu.memref_squeeze %dma_start3A_174 : memref<1x32768xf32, #tpu.memory_space<hbm>> -> memref<32768xf32, #tpu.memory_space<hbm>>
      %dma_start3A_176 = arith.constant 0 : i32
      %dma_start3A_177 = tpu.memref_slice %arg3[%add3A_5, %dma_start3A_176] : memref<128x32768xf32, #tpu.memory_space<hbm>> -> memref<1x32768xf32, #tpu.memory_space<hbm>>
      %dma_start3A_178 = tpu.memref_squeeze %dma_start3A_177 : memref<1x32768xf32, #tpu.memory_space<hbm>> -> memref<32768xf32, #tpu.memory_space<hbm>>
      tpu.enqueue_dma source(%arg5 : memref<32768xf32, #tpu.memory_space<vmem>>) target(%dma_start3A_178 : memref<32768xf32, #tpu.memory_space<hbm>>) target_semaphore(%run_scoped3A : memref<!tpu.dma_semaphore, #tpu.memory_space<semaphore_mem>>)
      %dma_wait3A = arith.constant 0 : i32
      %dma_wait3A_179 = tpu.memref_slice %arg3[%add3A_5, %dma_wait3A] : memref<128x32768xf32, #tpu.memory_space<hbm>> -> memref<1x32768xf32, #tpu.memory_space<hbm>>
      %dma_wait3A_180 = tpu.memref_squeeze %dma_wait3A_179 : memref<1x32768xf32, #tpu.memory_space<hbm>> -> memref<32768xf32, #tpu.memory_space<hbm>>
      %dma_wait3A_181 = arith.constant 0 : i32
      %dma_wait3A_182 = tpu.memref_slice %arg3[%add3A_5, %dma_wait3A_181] : memref<128x32768xf32, #tpu.memory_space<hbm>> -> memref<1x32768xf32, #tpu.memory_space<hbm>>
      %dma_wait3A_183 = tpu.memref_squeeze %dma_wait3A_182 : memref<1x32768xf32, #tpu.memory_space<hbm>> -> memref<32768xf32, #tpu.memory_space<hbm>>
      tpu.wait_dma2 semaphore(%run_scoped3A : memref<!tpu.dma_semaphore, #tpu.memory_space<semaphore_mem>>) src(%arg5 : memref<32768xf32, #tpu.memory_space<vmem>>) dst(%dma_wait3A_183 : memref<32768xf32, #tpu.memory_space<hbm>>)
      tpu.yield
    }) : () -> ()
    %mul3A_42 = arith.constant 4 : i32
    %mul3A_43 = arith.muli %add3A, %mul3A_42 : i32
    %add3A_44 = arith.constant 1 : i32
    %add3A_45 = arith.addi %mul3A_43, %add3A_44 : i32
    "tpu.region"() ({
      %run_scoped3A = tpu.sem_alloc : memref<!tpu.dma_semaphore, #tpu.memory_space<semaphore_mem>>
      %dma_start3A = arith.constant 0 : i32
      %dma_start3A_174 = tpu.memref_slice %arg2[%add3A_45, %dma_start3A] : memref<128x32768xf32, #tpu.memory_space<hbm>> -> memref<1x32768xf32, #tpu.memory_space<hbm>>
      %dma_start3A_175 = tpu.memref_squeeze %dma_start3A_174 : memref<1x32768xf32, #tpu.memory_space<hbm>> -> memref<32768xf32, #tpu.memory_space<hbm>>
      %dma_start3A_176 = arith.constant 0 : i32
      %dma_start3A_177 = tpu.memref_slice %arg2[%add3A_45, %dma_start3A_176] : memref<128x32768xf32, #tpu.memory_space<hbm>> -> memref<1x32768xf32, #tpu.memory_space<hbm>>
      %dma_start3A_178 = tpu.memref_squeeze %dma_start3A_177 : memref<1x32768xf32, #tpu.memory_space<hbm>> -> memref<32768xf32, #tpu.memory_space<hbm>>
      tpu.enqueue_dma source(%dma_start3A_178 : memref<32768xf32, #tpu.memory_space<hbm>>) target(%arg4 : memref<32768xf32, #tpu.memory_space<vmem>>) target_semaphore(%run_scoped3A : memref<!tpu.dma_semaphore, #tpu.memory_space<semaphore_mem>>)
      %dma_wait3A = arith.constant 0 : i32
      %dma_wait3A_179 = tpu.memref_slice %arg2[%add3A_45, %dma_wait3A] : memref<128x32768xf32, #tpu.memory_space<hbm>> -> memref<1x32768xf32, #tpu.memory_space<hbm>>
      %dma_wait3A_180 = tpu.memref_squeeze %dma_wait3A_179 : memref<1x32768xf32, #tpu.memory_space<hbm>> -> memref<32768xf32, #tpu.memory_space<hbm>>
      %dma_wait3A_181 = arith.constant 0 : i32
      %dma_wait3A_182 = tpu.memref_slice %arg2[%add3A_45, %dma_wait3A_181] : memref<128x32768xf32, #tpu.memory_space<hbm>> -> memref<1x32768xf32, #tpu.memory_space<hbm>>
      %dma_wait3A_183 = tpu.memref_squeeze %dma_wait3A_182 : memref<1x32768xf32, #tpu.memory_space<hbm>> -> memref<32768xf32, #tpu.memory_space<hbm>>
      tpu.wait_dma2 semaphore(%run_scoped3A : memref<!tpu.dma_semaphore, #tpu.memory_space<semaphore_mem>>) src(%dma_wait3A_183 : memref<32768xf32, #tpu.memory_space<hbm>>) dst(%arg4 : memref<32768xf32, #tpu.memory_space<vmem>>)
      tpu.yield
    }) : () -> ()
    %scan3A_46 = arith.constant 0 : i32
    %scan3A_47 = arith.constant 0 : i32
    %scan3A_48 = arith.constant 256 : i32
    %scan3A_49 = arith.addi %scan3A_47, %scan3A_48 : i32
    %scan3A_50 = arith.constant 1 : i32
    %scan3A_51 = scf.for %scan3A_174 = %scan3A_47 to %scan3A_49 step %scan3A_50 iter_args(%scan3A_175 = %scan3A_46) -> (i32)  : i32 {
      %mul3A_176 = arith.constant 128 : i32
      %mul3A_177 = arith.muli %scan3A_174, %mul3A_176 : i32
      %get3A = arith.index_cast %mul3A_177 : i32 to index
      %get3A_178 = tpu.vector_load %arg4[%get3A] {strides = array<i32>} : memref<32768xf32, #tpu.memory_space<vmem>>, vector<16xf32>,
      %add3A_179 = arith.constant 16 : i32
      %add3A_180 = arith.addi %mul3A_177, %add3A_179 : i32
      %get3A_181 = arith.index_cast %add3A_180 : i32 to index
      %get3A_182 = tpu.vector_load %arg4[%get3A_181] {strides = array<i32>} : memref<32768xf32, #tpu.memory_space<vmem>>, vector<16xf32>,
      %max3A = arith.maximumf %get3A_178, %get3A_182 : vector<16xf32>
      %add3A_183 = arith.constant 32 : i32
      %add3A_184 = arith.addi %mul3A_177, %add3A_183 : i32
      %get3A_185 = arith.index_cast %add3A_184 : i32 to index
      %get3A_186 = tpu.vector_load %arg4[%get3A_185] {strides = array<i32>} : memref<32768xf32, #tpu.memory_space<vmem>>, vector<16xf32>,
      %max3A_187 = arith.maximumf %max3A, %get3A_186 : vector<16xf32>
      %add3A_188 = arith.constant 48 : i32
      %add3A_189 = arith.addi %mul3A_177, %add3A_188 : i32
      %get3A_190 = arith.index_cast %add3A_189 : i32 to index
      %get3A_191 = tpu.vector_load %arg4[%get3A_190] {strides = array<i32>} : memref<32768xf32, #tpu.memory_space<vmem>>, vector<16xf32>,
      %max3A_192 = arith.maximumf %max3A_187, %get3A_191 : vector<16xf32>
      %add3A_193 = arith.constant 64 : i32
      %add3A_194 = arith.addi %mul3A_177, %add3A_193 : i32
      %get3A_195 = arith.index_cast %add3A_194 : i32 to index
      %get3A_196 = tpu.vector_load %arg4[%get3A_195] {strides = array<i32>} : memref<32768xf32, #tpu.memory_space<vmem>>, vector<16xf32>,
      %max3A_197 = arith.maximumf %max3A_192, %get3A_196 : vector<16xf32>
      %add3A_198 = arith.constant 80 : i32
      %add3A_199 = arith.addi %mul3A_177, %add3A_198 : i32
      %get3A_200 = arith.index_cast %add3A_199 : i32 to index
      %get3A_201 = tpu.vector_load %arg4[%get3A_200] {strides = array<i32>} : memref<32768xf32, #tpu.memory_space<vmem>>, vector<16xf32>,
      %max3A_202 = arith.maximumf %max3A_197, %get3A_201 : vector<16xf32>
      %add3A_203 = arith.constant 96 : i32
      %add3A_204 = arith.addi %mul3A_177, %add3A_203 : i32
      %get3A_205 = arith.index_cast %add3A_204 : i32 to index
      %get3A_206 = tpu.vector_load %arg4[%get3A_205] {strides = array<i32>} : memref<32768xf32, #tpu.memory_space<vmem>>, vector<16xf32>,
      %max3A_207 = arith.maximumf %max3A_202, %get3A_206 : vector<16xf32>
      %add3A_208 = arith.constant 112 : i32
      %add3A_209 = arith.addi %mul3A_177, %add3A_208 : i32
      %get3A_210 = arith.index_cast %add3A_209 : i32 to index
      %get3A_211 = tpu.vector_load %arg4[%get3A_210] {strides = array<i32>} : memref<32768xf32, #tpu.memory_space<vmem>>, vector<16xf32>,
      %max3A_212 = arith.maximumf %max3A_207, %get3A_211 : vector<16xf32>
      %mul3A_213 = arith.constant 16 : i32
      %mul3A_214 = arith.muli %scan3A_174, %mul3A_213 : i32
      %swap3A = arith.index_cast %mul3A_214 : i32 to index
      %swap3A_215 = tpu.vector_load %arg6[%swap3A] {strides = array<i32>} : memref<4096xf32, #tpu.memory_space<vmem>>, vector<16xf32>,
      tpu.vector_store %arg6[%swap3A], %max3A_212 {strides = array<i32>} : memref<4096xf32, #tpu.memory_space<vmem>>, vector<16xf32>,
      %scan3A_216 = arith.constant 0 : i32
      scf.yield %scan3A_216 : i32
    }
    %scan3A_52 = arith.constant 256 : i32
    %broadcast_in_dim3A_53 = arith.constant 0xFF800000 : f32
    %broadcast_in_dim3A_54 = vector.broadcast %broadcast_in_dim3A_53 : f32 to vector<16xf32>
    %broadcast_in_dim3A_55 = arith.constant 0xFF800000 : f32
    %broadcast_in_dim3A_56 = vector.broadcast %broadcast_in_dim3A_55 : f32 to vector<16xf32>
    %scan3A_57 = arith.constant 0 : i32
    %scan3A_58 = arith.constant 256 : i32
    %scan3A_59 = arith.addi %scan3A_57, %scan3A_58 : i32
    %scan3A_60 = arith.constant 1 : i32
    %scan3A_61:2 = scf.for %scan3A_174 = %scan3A_57 to %scan3A_59 step %scan3A_60 iter_args(%scan3A_175 = %broadcast_in_dim3A_54, %scan3A_176 = %broadcast_in_dim3A_56) -> (vector<16xf32>, vector<16xf32>)  : i32 {
      %mul3A_177 = arith.constant 16 : i32
      %mul3A_178 = arith.muli %scan3A_174, %mul3A_177 : i32
      %get3A = arith.index_cast %mul3A_178 : i32 to index
      %get3A_179 = tpu.vector_load %arg6[%get3A] {strides = array<i32>} : memref<4096xf32, #tpu.memory_space<vmem>>, vector<16xf32>,
      %ge3A = arith.cmpf oge, %get3A_179, %scan3A_176 : vector<16xf32>
      %reduce_or3A = arith.constant 1.000000e+00 : f32
      %reduce_or3A_180 = arith.constant 0.000000e+00 : f32
      %reduce_or3A_181 = vector.broadcast %reduce_or3A : f32 to vector<16xf32>
      %reduce_or3A_182 = vector.broadcast %reduce_or3A_180 : f32 to vector<16xf32>
      %reduce_or3A_183 = arith.select %ge3A, %reduce_or3A_181, %reduce_or3A_182 : vector<16xi1>, vector<16xf32>
      %reduce_or3A_184 = arith.constant true
      %reduce_or3A_185 = vector.broadcast %reduce_or3A_184 : i1 to vector<16xi1>
      %reduce_or3A_186 = tpu.scan <max>, %reduce_or3A_183 masked %reduce_or3A_185 : vector<16xf32>, vector<16xi1> -> vector<16xf32>
      %reduce_or3A_187 = vector.extract %reduce_or3A_186[15] : f32 from vector<16xf32>
      %reduce_or3A_188 = arith.constant 0.000000e+00 : f32
      %reduce_or3A_189 = arith.cmpf ogt, %reduce_or3A_187, %reduce_or3A_188 : f32
      %convert_element_type3A = arith.extui %reduce_or3A_189 : i1 to i32
      %cond3A = arith.constant 0 : i32
      %cond3A_190 = arith.cmpi ne, %convert_element_type3A, %cond3A : i32
      %cond3A_191:2 = scf.if %cond3A_190 -> (vector<16xf32>, vector<16xf32>) {
        %masked_sort3A = arith.constant dense<true> : vector<16xi1>
        %masked_sort3A_192, %masked_sort3A_193, %masked_sort3A_194 = tpu.sort %get3A_179, %get3A_179 masked %masked_sort3A : (vector<16xf32>, vector<16xf32>, vector<16xi1>) -> (vector<16xi1>, vector<16xf32>, vector<16xf32>)
        %max3A = arith.maximumf %scan3A_175, %masked_sort3A_193 : vector<16xf32>
        %masked_sort3A_195 = arith.constant dense<true> : vector<16xi1>
        %masked_sort3A_196, %masked_sort3A_197, %masked_sort3A_198 = tpu.sort %max3A, %max3A masked %masked_sort3A_195 {descending = true} : (vector<16xf32>, vector<16xf32>, vector<16xi1>) -> (vector<16xi1>, vector<16xf32>, vector<16xf32>)
        %lt3A_199 = arith.constant 0 : i32
        %lt3A_200 = vector.broadcast %lt3A_199 : i32 to vector<16xi32>
        %lt3A_201 = arith.cmpi slt, %broadcast_in_dim3A_1, %lt3A_200 : vector<16xi32>
        %add3A_202 = arith.constant 16 : i32
        %add3A_203 = vector.broadcast %add3A_202 : i32 to vector<16xi32>
        %add3A_204 = arith.addi %broadcast_in_dim3A_1, %add3A_203 : vector<16xi32>
        %select_n3A_205 = arith.select %lt3A_201, %add3A_204, %broadcast_in_dim3A_1 : vector<16xi1>, vector<16xi32>
        %broadcast_in_dim3A_206 = vector.shape_cast %select_n3A_205 : vector<16xi32> to vector<16x1xi32>
        %gather3A_207 = vector.shape_cast %broadcast_in_dim3A_206 : vector<16x1xi32> to vector<16xi32>
        %gather3A_208 = tpu.dynamic_gather %masked_sort3A_197[%gather3A_207] in [0] : vector<16xf32>, vector<16xi32> -> vector<16xf32>
        scf.yield %masked_sort3A_197, %gather3A_208 : vector<16xf32>, vector<16xf32>
      } else {
        scf.yield %scan3A_175, %scan3A_176 : vector<16xf32>, vector<16xf32>
      }
      scf.yield %cond3A_191#0, %cond3A_191#1 : vector<16xf32>, vector<16xf32>
    }
    %scan3A_62 = arith.constant 256 : i32
    %scan3A_63 = arith.constant 0 : i32
    %scan3A_64 = arith.constant 256 : i32
    %scan3A_65 = arith.addi %scan3A_63, %scan3A_64 : i32
    %scan3A_66 = arith.constant 1 : i32
    %scan3A_67 = scf.for %scan3A_174 = %scan3A_63 to %scan3A_65 step %scan3A_66 iter_args(%scan3A_175 = %broadcast_in_dim3A_54) -> (vector<16xf32>)  : i32 {
      %mul3A_176 = arith.constant 16 : i32
      %mul3A_177 = arith.muli %scan3A_174, %mul3A_176 : i32
      %get3A = arith.index_cast %mul3A_177 : i32 to index
      %get3A_178 = tpu.vector_load %arg6[%get3A] {strides = array<i32>} : memref<4096xf32, #tpu.memory_space<vmem>>, vector<16xf32>,
      %ge3A = arith.cmpf oge, %get3A_178, %scan3A_61#1 : vector<16xf32>
      %reduce_or3A = arith.constant 1.000000e+00 : f32
      %reduce_or3A_179 = arith.constant 0.000000e+00 : f32
      %reduce_or3A_180 = vector.broadcast %reduce_or3A : f32 to vector<16xf32>
      %reduce_or3A_181 = vector.broadcast %reduce_or3A_179 : f32 to vector<16xf32>
      %reduce_or3A_182 = arith.select %ge3A, %reduce_or3A_180, %reduce_or3A_181 : vector<16xi1>, vector<16xf32>
      %reduce_or3A_183 = arith.constant true
      %reduce_or3A_184 = vector.broadcast %reduce_or3A_183 : i1 to vector<16xi1>
      %reduce_or3A_185 = tpu.scan <max>, %reduce_or3A_182 masked %reduce_or3A_184 : vector<16xf32>, vector<16xi1> -> vector<16xf32>
      %reduce_or3A_186 = vector.extract %reduce_or3A_185[15] : f32 from vector<16xf32>
      %reduce_or3A_187 = arith.constant 0.000000e+00 : f32
      %reduce_or3A_188 = arith.cmpf ogt, %reduce_or3A_186, %reduce_or3A_187 : f32
      %convert_element_type3A = arith.extui %reduce_or3A_188 : i1 to i32
      %cond3A = arith.constant 0 : i32
      %cond3A_189 = arith.cmpi ne, %convert_element_type3A, %cond3A : i32
      %cond3A_190 = scf.if %cond3A_189 -> (vector<16xf32>) {
        %mul3A_191 = arith.constant 128 : i32
        %mul3A_192 = arith.muli %scan3A_174, %mul3A_191 : i32
        %add3A_193 = arith.constant 0 : i32
        %add3A_194 = arith.addi %mul3A_192, %add3A_193 : i32
        %get3A_195 = arith.index_cast %add3A_194 : i32 to index
        %get3A_196 = tpu.vector_load %arg4[%get3A_195] {strides = array<i32>} : memref<32768xf32, #tpu.memory_space<vmem>>, vector<16xf32>,
        %masked_sort3A = arith.constant dense<true> : vector<16xi1>
        %masked_sort3A_197, %masked_sort3A_198, %masked_sort3A_199 = tpu.sort %get3A_196, %get3A_196 masked %masked_sort3A : (vector<16xf32>, vector<16xf32>, vector<16xi1>) -> (vector<16xi1>, vector<16xf32>, vector<16xf32>)
        %max3A = arith.maximumf %scan3A_175, %masked_sort3A_198 : vector<16xf32>
        %masked_sort3A_200 = arith.constant dense<true> : vector<16xi1>
        %masked_sort3A_201, %masked_sort3A_202, %masked_sort3A_203 = tpu.sort %max3A, %max3A masked %masked_sort3A_200 {descending = true} : (vector<16xf32>, vector<16xf32>, vector<16xi1>) -> (vector<16xi1>, vector<16xf32>, vector<16xf32>)
        %add3A_204 = arith.constant 16 : i32
        %add3A_205 = arith.addi %mul3A_192, %add3A_204 : i32
        %get3A_206 = arith.index_cast %add3A_205 : i32 to index
        %get3A_207 = tpu.vector_load %arg4[%get3A_206] {strides = array<i32>} : memref<32768xf32, #tpu.memory_space<vmem>>, vector<16xf32>,
        %masked_sort3A_208 = arith.constant dense<true> : vector<16xi1>
        %masked_sort3A_209, %masked_sort3A_210, %masked_sort3A_211 = tpu.sort %get3A_207, %get3A_207 masked %masked_sort3A_208 : (vector<16xf32>, vector<16xf32>, vector<16xi1>) -> (vector<16xi1>, vector<16xf32>, vector<16xf32>)
        %max3A_212 = arith.maximumf %masked_sort3A_202, %masked_sort3A_210 : vector<16xf32>
        %masked_sort3A_213 = arith.constant dense<true> : vector<16xi1>
        %masked_sort3A_214, %masked_sort3A_215, %masked_sort3A_216 = tpu.sort %max3A_212, %max3A_212 masked %masked_sort3A_213 {descending = true} : (vector<16xf32>, vector<16xf32>, vector<16xi1>) -> (vector<16xi1>, vector<16xf32>, vector<16xf32>)
        %add3A_217 = arith.constant 32 : i32
        %add3A_218 = arith.addi %mul3A_192, %add3A_217 : i32
        %get3A_219 = arith.index_cast %add3A_218 : i32 to index
        %get3A_220 = tpu.vector_load %arg4[%get3A_219] {strides = array<i32>} : memref<32768xf32, #tpu.memory_space<vmem>>, vector<16xf32>,
        %masked_sort3A_221 = arith.constant dense<true> : vector<16xi1>
        %masked_sort3A_222, %masked_sort3A_223, %masked_sort3A_224 = tpu.sort %get3A_220, %get3A_220 masked %masked_sort3A_221 : (vector<16xf32>, vector<16xf32>, vector<16xi1>) -> (vector<16xi1>, vector<16xf32>, vector<16xf32>)
        %max3A_225 = arith.maximumf %masked_sort3A_215, %masked_sort3A_223 : vector<16xf32>
        %masked_sort3A_226 = arith.constant dense<true> : vector<16xi1>
        %masked_sort3A_227, %masked_sort3A_228, %masked_sort3A_229 = tpu.sort %max3A_225, %max3A_225 masked %masked_sort3A_226 {descending = true} : (vector<16xf32>, vector<16xf32>, vector<16xi1>) -> (vector<16xi1>, vector<16xf32>, vector<16xf32>)
        %add3A_230 = arith.constant 48 : i32
        %add3A_231 = arith.addi %mul3A_192, %add3A_230 : i32
        %get3A_232 = arith.index_cast %add3A_231 : i32 to index
        %get3A_233 = tpu.vector_load %arg4[%get3A_232] {strides = array<i32>} : memref<32768xf32, #tpu.memory_space<vmem>>, vector<16xf32>,
        %masked_sort3A_234 = arith.constant dense<true> : vector<16xi1>
        %masked_sort3A_235, %masked_sort3A_236, %masked_sort3A_237 = tpu.sort %get3A_233, %get3A_233 masked %masked_sort3A_234 : (vector<16xf32>, vector<16xf32>, vector<16xi1>) -> (vector<16xi1>, vector<16xf32>, vector<16xf32>)
        %max3A_238 = arith.maximumf %masked_sort3A_228, %masked_sort3A_236 : vector<16xf32>
        %masked_sort3A_239 = arith.constant dense<true> : vector<16xi1>
        %masked_sort3A_240, %masked_sort3A_241, %masked_sort3A_242 = tpu.sort %max3A_238, %max3A_238 masked %masked_sort3A_239 {descending = true} : (vector<16xf32>, vector<16xf32>, vector<16xi1>) -> (vector<16xi1>, vector<16xf32>, vector<16xf32>)
        %add3A_243 = arith.constant 64 : i32
        %add3A_244 = arith.addi %mul3A_192, %add3A_243 : i32
        %get3A_245 = arith.index_cast %add3A_244 : i32 to index
        %get3A_246 = tpu.vector_load %arg4[%get3A_245] {strides = array<i32>} : memref<32768xf32, #tpu.memory_space<vmem>>, vector<16xf32>,
        %masked_sort3A_247 = arith.constant dense<true> : vector<16xi1>
        %masked_sort3A_248, %masked_sort3A_249, %masked_sort3A_250 = tpu.sort %get3A_246, %get3A_246 masked %masked_sort3A_247 : (vector<16xf32>, vector<16xf32>, vector<16xi1>) -> (vector<16xi1>, vector<16xf32>, vector<16xf32>)
        %max3A_251 = arith.maximumf %masked_sort3A_241, %masked_sort3A_249 : vector<16xf32>
        %masked_sort3A_252 = arith.constant dense<true> : vector<16xi1>
        %masked_sort3A_253, %masked_sort3A_254, %masked_sort3A_255 = tpu.sort %max3A_251, %max3A_251 masked %masked_sort3A_252 {descending = true} : (vector<16xf32>, vector<16xf32>, vector<16xi1>) -> (vector<16xi1>, vector<16xf32>, vector<16xf32>)
        %add3A_256 = arith.constant 80 : i32
        %add3A_257 = arith.addi %mul3A_192, %add3A_256 : i32
        %get3A_258 = arith.index_cast %add3A_257 : i32 to index
        %get3A_259 = tpu.vector_load %arg4[%get3A_258] {strides = array<i32>} : memref<32768xf32, #tpu.memory_space<vmem>>, vector<16xf32>,
        %masked_sort3A_260 = arith.constant dense<true> : vector<16xi1>
        %masked_sort3A_261, %masked_sort3A_262, %masked_sort3A_263 = tpu.sort %get3A_259, %get3A_259 masked %masked_sort3A_260 : (vector<16xf32>, vector<16xf32>, vector<16xi1>) -> (vector<16xi1>, vector<16xf32>, vector<16xf32>)
        %max3A_264 = arith.maximumf %masked_sort3A_254, %masked_sort3A_262 : vector<16xf32>
        %masked_sort3A_265 = arith.constant dense<true> : vector<16xi1>
        %masked_sort3A_266, %masked_sort3A_267, %masked_sort3A_268 = tpu.sort %max3A_264, %max3A_264 masked %masked_sort3A_265 {descending = true} : (vector<16xf32>, vector<16xf32>, vector<16xi1>) -> (vector<16xi1>, vector<16xf32>, vector<16xf32>)
        %add3A_269 = arith.constant 96 : i32
        %add3A_270 = arith.addi %mul3A_192, %add3A_269 : i32
        %get3A_271 = arith.index_cast %add3A_270 : i32 to index
        %get3A_272 = tpu.vector_load %arg4[%get3A_271] {strides = array<i32>} : memref<32768xf32, #tpu.memory_space<vmem>>, vector<16xf32>,
        %masked_sort3A_273 = arith.constant dense<true> : vector<16xi1>
        %masked_sort3A_274, %masked_sort3A_275, %masked_sort3A_276 = tpu.sort %get3A_272, %get3A_272 masked %masked_sort3A_273 : (vector<16xf32>, vector<16xf32>, vector<16xi1>) -> (vector<16xi1>, vector<16xf32>, vector<16xf32>)
        %max3A_277 = arith.maximumf %masked_sort3A_267, %masked_sort3A_275 : vector<16xf32>
        %masked_sort3A_278 = arith.constant dense<true> : vector<16xi1>
        %masked_sort3A_279, %masked_sort3A_280, %masked_sort3A_281 = tpu.sort %max3A_277, %max3A_277 masked %masked_sort3A_278 {descending = true} : (vector<16xf32>, vector<16xf32>, vector<16xi1>) -> (vector<16xi1>, vector<16xf32>, vector<16xf32>)
        %add3A_282 = arith.constant 112 : i32
        %add3A_283 = arith.addi %mul3A_192, %add3A_282 : i32
        %get3A_284 = arith.index_cast %add3A_283 : i32 to index
        %get3A_285 = tpu.vector_load %arg4[%get3A_284] {strides = array<i32>} : memref<32768xf32, #tpu.memory_space<vmem>>, vector<16xf32>,
        %masked_sort3A_286 = arith.constant dense<true> : vector<16xi1>
        %masked_sort3A_287, %masked_sort3A_288, %masked_sort3A_289 = tpu.sort %get3A_285, %get3A_285 masked %masked_sort3A_286 : (vector<16xf32>, vector<16xf32>, vector<16xi1>) -> (vector<16xi1>, vector<16xf32>, vector<16xf32>)
        %max3A_290 = arith.maximumf %masked_sort3A_280, %masked_sort3A_288 : vector<16xf32>
        %masked_sort3A_291 = arith.constant dense<true> : vector<16xi1>
        %masked_sort3A_292, %masked_sort3A_293, %masked_sort3A_294 = tpu.sort %max3A_290, %max3A_290 masked %masked_sort3A_291 {descending = true} : (vector<16xf32>, vector<16xf32>, vector<16xi1>) -> (vector<16xi1>, vector<16xf32>, vector<16xf32>)
        scf.yield %masked_sort3A_293 : vector<16xf32>
      } else {
        scf.yield %scan3A_175 : vector<16xf32>
      }
      scf.yield %cond3A_190 : vector<16xf32>
    }
    %scan3A_68 = arith.constant 256 : i32
    %lt3A_69 = arith.constant 0 : i32
    %lt3A_70 = vector.broadcast %lt3A_69 : i32 to vector<16xi32>
    %lt3A_71 = arith.cmpi slt, %broadcast_in_dim3A_1, %lt3A_70 : vector<16xi32>
    %add3A_72 = arith.constant 16 : i32
    %add3A_73 = vector.broadcast %add3A_72 : i32 to vector<16xi32>
    %add3A_74 = arith.addi %broadcast_in_dim3A_1, %add3A_73 : vector<16xi32>
    %select_n3A_75 = arith.select %lt3A_71, %add3A_74, %broadcast_in_dim3A_1 : vector<16xi1>, vector<16xi32>
    %broadcast_in_dim3A_76 = vector.shape_cast %select_n3A_75 : vector<16xi32> to vector<16x1xi32>
    %gather3A_77 = vector.shape_cast %broadcast_in_dim3A_76 : vector<16x1xi32> to vector<16xi32>
    %gather3A_78 = tpu.dynamic_gather %scan3A_67[%gather3A_77] in [0] : vector<16xf32>, vector<16xi32> -> vector<16xf32>
    %scan3A_79 = arith.constant 0 : i32
    %scan3A_80 = arith.constant 0 : i32
    %scan3A_81 = arith.constant 256 : i32
    %scan3A_82 = arith.addi %scan3A_80, %scan3A_81 : i32
    %scan3A_83 = arith.constant 1 : i32
    %scan3A_84 = scf.for %scan3A_174 = %scan3A_80 to %scan3A_82 step %scan3A_83 iter_args(%scan3A_175 = %scan3A_79) -> (i32)  : i32 {
      %mul3A_176 = arith.constant 128 : i32
      %mul3A_177 = arith.muli %scan3A_174, %mul3A_176 : i32
      %add3A_178 = arith.constant 0 : i32
      %add3A_179 = arith.addi %mul3A_177, %add3A_178 : i32
      %get3A = arith.index_cast %add3A_179 : i32 to index
      %get3A_180 = tpu.vector_load %arg4[%get3A] {strides = array<i32>} : memref<32768xf32, #tpu.memory_space<vmem>>, vector<16xf32>,
      %ge3A = arith.cmpf oge, %get3A_180, %gather3A_78 : vector<16xf32>
      %jit3A = arith.constant 1.000000e+00 : f32
      %jit3A_181 = arith.constant 0.000000e+00 : f32
      %broadcast_in_dim3A_182 = vector.broadcast %jit3A : f32 to vector<16xf32>
      %broadcast_in_dim3A_183 = vector.broadcast %jit3A_181 : f32 to vector<16xf32>
      %select_n3A_184 = arith.select %ge3A, %broadcast_in_dim3A_182, %broadcast_in_dim3A_183 : vector<16xi1>, vector<16xf32>
      %swap3A = arith.index_cast %add3A_179 : i32 to index
      %swap3A_185 = tpu.vector_load %arg5[%swap3A] {strides = array<i32>} : memref<32768xf32, #tpu.memory_space<vmem>>, vector<16xf32>,
      tpu.vector_store %arg5[%swap3A], %select_n3A_184 {strides = array<i32>} : memref<32768xf32, #tpu.memory_space<vmem>>, vector<16xf32>,
      %add3A_186 = arith.constant 16 : i32
      %add3A_187 = arith.addi %mul3A_177, %add3A_186 : i32
      %get3A_188 = arith.index_cast %add3A_187 : i32 to index
      %get3A_189 = tpu.vector_load %arg4[%get3A_188] {strides = array<i32>} : memref<32768xf32, #tpu.memory_space<vmem>>, vector<16xf32>,
      %ge3A_190 = arith.cmpf oge, %get3A_189, %gather3A_78 : vector<16xf32>
      %jit3A_191 = arith.constant 1.000000e+00 : f32
      %jit3A_192 = arith.constant 0.000000e+00 : f32
      %broadcast_in_dim3A_193 = vector.broadcast %jit3A_191 : f32 to vector<16xf32>
      %broadcast_in_dim3A_194 = vector.broadcast %jit3A_192 : f32 to vector<16xf32>
      %select_n3A_195 = arith.select %ge3A_190, %broadcast_in_dim3A_193, %broadcast_in_dim3A_194 : vector<16xi1>, vector<16xf32>
      %swap3A_196 = arith.index_cast %add3A_187 : i32 to index
      %swap3A_197 = tpu.vector_load %arg5[%swap3A_196] {strides = array<i32>} : memref<32768xf32, #tpu.memory_space<vmem>>, vector<16xf32>,
      tpu.vector_store %arg5[%swap3A_196], %select_n3A_195 {strides = array<i32>} : memref<32768xf32, #tpu.memory_space<vmem>>, vector<16xf32>,
      %add3A_198 = arith.constant 32 : i32
      %add3A_199 = arith.addi %mul3A_177, %add3A_198 : i32
      %get3A_200 = arith.index_cast %add3A_199 : i32 to index
      %get3A_201 = tpu.vector_load %arg4[%get3A_200] {strides = array<i32>} : memref<32768xf32, #tpu.memory_space<vmem>>, vector<16xf32>,
      %ge3A_202 = arith.cmpf oge, %get3A_201, %gather3A_78 : vector<16xf32>
      %jit3A_203 = arith.constant 1.000000e+00 : f32
      %jit3A_204 = arith.constant 0.000000e+00 : f32
      %broadcast_in_dim3A_205 = vector.broadcast %jit3A_203 : f32 to vector<16xf32>
      %broadcast_in_dim3A_206 = vector.broadcast %jit3A_204 : f32 to vector<16xf32>
      %select_n3A_207 = arith.select %ge3A_202, %broadcast_in_dim3A_205, %broadcast_in_dim3A_206 : vector<16xi1>, vector<16xf32>
      %swap3A_208 = arith.index_cast %add3A_199 : i32 to index
      %swap3A_209 = tpu.vector_load %arg5[%swap3A_208] {strides = array<i32>} : memref<32768xf32, #tpu.memory_space<vmem>>, vector<16xf32>,
      tpu.vector_store %arg5[%swap3A_208], %select_n3A_207 {strides = array<i32>} : memref<32768xf32, #tpu.memory_space<vmem>>, vector<16xf32>,
      %add3A_210 = arith.constant 48 : i32
      %add3A_211 = arith.addi %mul3A_177, %add3A_210 : i32
      %get3A_212 = arith.index_cast %add3A_211 : i32 to index
      %get3A_213 = tpu.vector_load %arg4[%get3A_212] {strides = array<i32>} : memref<32768xf32, #tpu.memory_space<vmem>>, vector<16xf32>,
      %ge3A_214 = arith.cmpf oge, %get3A_213, %gather3A_78 : vector<16xf32>
      %jit3A_215 = arith.constant 1.000000e+00 : f32
      %jit3A_216 = arith.constant 0.000000e+00 : f32
      %broadcast_in_dim3A_217 = vector.broadcast %jit3A_215 : f32 to vector<16xf32>
      %broadcast_in_dim3A_218 = vector.broadcast %jit3A_216 : f32 to vector<16xf32>
      %select_n3A_219 = arith.select %ge3A_214, %broadcast_in_dim3A_217, %broadcast_in_dim3A_218 : vector<16xi1>, vector<16xf32>
      %swap3A_220 = arith.index_cast %add3A_211 : i32 to index
      %swap3A_221 = tpu.vector_load %arg5[%swap3A_220] {strides = array<i32>} : memref<32768xf32, #tpu.memory_space<vmem>>, vector<16xf32>,
      tpu.vector_store %arg5[%swap3A_220], %select_n3A_219 {strides = array<i32>} : memref<32768xf32, #tpu.memory_space<vmem>>, vector<16xf32>,
      %add3A_222 = arith.constant 64 : i32
      %add3A_223 = arith.addi %mul3A_177, %add3A_222 : i32
      %get3A_224 = arith.index_cast %add3A_223 : i32 to index
      %get3A_225 = tpu.vector_load %arg4[%get3A_224] {strides = array<i32>} : memref<32768xf32, #tpu.memory_space<vmem>>, vector<16xf32>,
      %ge3A_226 = arith.cmpf oge, %get3A_225, %gather3A_78 : vector<16xf32>
      %jit3A_227 = arith.constant 1.000000e+00 : f32
      %jit3A_228 = arith.constant 0.000000e+00 : f32
      %broadcast_in_dim3A_229 = vector.broadcast %jit3A_227 : f32 to vector<16xf32>
      %broadcast_in_dim3A_230 = vector.broadcast %jit3A_228 : f32 to vector<16xf32>
      %select_n3A_231 = arith.select %ge3A_226, %broadcast_in_dim3A_229, %broadcast_in_dim3A_230 : vector<16xi1>, vector<16xf32>
      %swap3A_232 = arith.index_cast %add3A_223 : i32 to index
      %swap3A_233 = tpu.vector_load %arg5[%swap3A_232] {strides = array<i32>} : memref<32768xf32, #tpu.memory_space<vmem>>, vector<16xf32>,
      tpu.vector_store %arg5[%swap3A_232], %select_n3A_231 {strides = array<i32>} : memref<32768xf32, #tpu.memory_space<vmem>>, vector<16xf32>,
      %add3A_234 = arith.constant 80 : i32
      %add3A_235 = arith.addi %mul3A_177, %add3A_234 : i32
      %get3A_236 = arith.index_cast %add3A_235 : i32 to index
      %get3A_237 = tpu.vector_load %arg4[%get3A_236] {strides = array<i32>} : memref<32768xf32, #tpu.memory_space<vmem>>, vector<16xf32>,
      %ge3A_238 = arith.cmpf oge, %get3A_237, %gather3A_78 : vector<16xf32>
      %jit3A_239 = arith.constant 1.000000e+00 : f32
      %jit3A_240 = arith.constant 0.000000e+00 : f32
      %broadcast_in_dim3A_241 = vector.broadcast %jit3A_239 : f32 to vector<16xf32>
      %broadcast_in_dim3A_242 = vector.broadcast %jit3A_240 : f32 to vector<16xf32>
      %select_n3A_243 = arith.select %ge3A_238, %broadcast_in_dim3A_241, %broadcast_in_dim3A_242 : vector<16xi1>, vector<16xf32>
      %swap3A_244 = arith.index_cast %add3A_235 : i32 to index
      %swap3A_245 = tpu.vector_load %arg5[%swap3A_244] {strides = array<i32>} : memref<32768xf32, #tpu.memory_space<vmem>>, vector<16xf32>,
      tpu.vector_store %arg5[%swap3A_244], %select_n3A_243 {strides = array<i32>} : memref<32768xf32, #tpu.memory_space<vmem>>, vector<16xf32>,
      %add3A_246 = arith.constant 96 : i32
      %add3A_247 = arith.addi %mul3A_177, %add3A_246 : i32
      %get3A_248 = arith.index_cast %add3A_247 : i32 to index
      %get3A_249 = tpu.vector_load %arg4[%get3A_248] {strides = array<i32>} : memref<32768xf32, #tpu.memory_space<vmem>>, vector<16xf32>,
      %ge3A_250 = arith.cmpf oge, %get3A_249, %gather3A_78 : vector<16xf32>
      %jit3A_251 = arith.constant 1.000000e+00 : f32
      %jit3A_252 = arith.constant 0.000000e+00 : f32
      %broadcast_in_dim3A_253 = vector.broadcast %jit3A_251 : f32 to vector<16xf32>
      %broadcast_in_dim3A_254 = vector.broadcast %jit3A_252 : f32 to vector<16xf32>
      %select_n3A_255 = arith.select %ge3A_250, %broadcast_in_dim3A_253, %broadcast_in_dim3A_254 : vector<16xi1>, vector<16xf32>
      %swap3A_256 = arith.index_cast %add3A_247 : i32 to index
      %swap3A_257 = tpu.vector_load %arg5[%swap3A_256] {strides = array<i32>} : memref<32768xf32, #tpu.memory_space<vmem>>, vector<16xf32>,
      tpu.vector_store %arg5[%swap3A_256], %select_n3A_255 {strides = array<i32>} : memref<32768xf32, #tpu.memory_space<vmem>>, vector<16xf32>,
      %add3A_258 = arith.constant 112 : i32
      %add3A_259 = arith.addi %mul3A_177, %add3A_258 : i32
      %get3A_260 = arith.index_cast %add3A_259 : i32 to index
      %get3A_261 = tpu.vector_load %arg4[%get3A_260] {strides = array<i32>} : memref<32768xf32, #tpu.memory_space<vmem>>, vector<16xf32>,
      %ge3A_262 = arith.cmpf oge, %get3A_261, %gather3A_78 : vector<16xf32>
      %jit3A_263 = arith.constant 1.000000e+00 : f32
      %jit3A_264 = arith.constant 0.000000e+00 : f32
      %broadcast_in_dim3A_265 = vector.broadcast %jit3A_263 : f32 to vector<16xf32>
      %broadcast_in_dim3A_266 = vector.broadcast %jit3A_264 : f32 to vector<16xf32>
      %select_n3A_267 = arith.select %ge3A_262, %broadcast_in_dim3A_265, %broadcast_in_dim3A_266 : vector<16xi1>, vector<16xf32>
      %swap3A_268 = arith.index_cast %add3A_259 : i32 to index
      %swap3A_269 = tpu.vector_load %arg5[%swap3A_268] {strides = array<i32>} : memref<32768xf32, #tpu.memory_space<vmem>>, vector<16xf32>,
      tpu.vector_store %arg5[%swap3A_268], %select_n3A_267 {strides = array<i32>} : memref<32768xf32, #tpu.memory_space<vmem>>, vector<16xf32>,
      %scan3A_270 = arith.constant 0 : i32
      scf.yield %scan3A_270 : i32
    }
    %scan3A_85 = arith.constant 256 : i32
    "tpu.region"() ({
      %run_scoped3A = tpu.sem_alloc : memref<!tpu.dma_semaphore, #tpu.memory_space<semaphore_mem>>
      %dma_start3A = arith.constant 0 : i32
      %dma_start3A_174 = tpu.memref_slice %arg3[%add3A_45, %dma_start3A] : memref<128x32768xf32, #tpu.memory_space<hbm>> -> memref<1x32768xf32, #tpu.memory_space<hbm>>
      %dma_start3A_175 = tpu.memref_squeeze %dma_start3A_174 : memref<1x32768xf32, #tpu.memory_space<hbm>> -> memref<32768xf32, #tpu.memory_space<hbm>>
      %dma_start3A_176 = arith.constant 0 : i32
      %dma_start3A_177 = tpu.memref_slice %arg3[%add3A_45, %dma_start3A_176] : memref<128x32768xf32, #tpu.memory_space<hbm>> -> memref<1x32768xf32, #tpu.memory_space<hbm>>
      %dma_start3A_178 = tpu.memref_squeeze %dma_start3A_177 : memref<1x32768xf32, #tpu.memory_space<hbm>> -> memref<32768xf32, #tpu.memory_space<hbm>>
      tpu.enqueue_dma source(%arg5 : memref<32768xf32, #tpu.memory_space<vmem>>) target(%dma_start3A_178 : memref<32768xf32, #tpu.memory_space<hbm>>) target_semaphore(%run_scoped3A : memref<!tpu.dma_semaphore, #tpu.memory_space<semaphore_mem>>)
      %dma_wait3A = arith.constant 0 : i32
      %dma_wait3A_179 = tpu.memref_slice %arg3[%add3A_45, %dma_wait3A] : memref<128x32768xf32, #tpu.memory_space<hbm>> -> memref<1x32768xf32, #tpu.memory_space<hbm>>
      %dma_wait3A_180 = tpu.memref_squeeze %dma_wait3A_179 : memref<1x32768xf32, #tpu.memory_space<hbm>> -> memref<32768xf32, #tpu.memory_space<hbm>>
      %dma_wait3A_181 = arith.constant 0 : i32
      %dma_wait3A_182 = tpu.memref_slice %arg3[%add3A_45, %dma_wait3A_181] : memref<128x32768xf32, #tpu.memory_space<hbm>> -> memref<1x32768xf32, #tpu.memory_space<hbm>>
      %dma_wait3A_183 = tpu.memref_squeeze %dma_wait3A_182 : memref<1x32768xf32, #tpu.memory_space<hbm>> -> memref<32768xf32, #tpu.memory_space<hbm>>
      tpu.wait_dma2 semaphore(%run_scoped3A : memref<!tpu.dma_semaphore, #tpu.memory_space<semaphore_mem>>) src(%arg5 : memref<32768xf32, #tpu.memory_space<vmem>>) dst(%dma_wait3A_183 : memref<32768xf32, #tpu.memory_space<hbm>>)
      tpu.yield
    }) : () -> ()
    %mul3A_86 = arith.constant 4 : i32
    %mul3A_87 = arith.muli %add3A, %mul3A_86 : i32
    %add3A_88 = arith.constant 2 : i32
    %add3A_89 = arith.addi %mul3A_87, %add3A_88 : i32
    "tpu.region"() ({
      %run_scoped3A = tpu.sem_alloc : memref<!tpu.dma_semaphore, #tpu.memory_space<semaphore_mem>>
      %dma_start3A = arith.constant 0 : i32
      %dma_start3A_174 = tpu.memref_slice %arg2[%add3A_89, %dma_start3A] : memref<128x32768xf32, #tpu.memory_space<hbm>> -> memref<1x32768xf32, #tpu.memory_space<hbm>>
      %dma_start3A_175 = tpu.memref_squeeze %dma_start3A_174 : memref<1x32768xf32, #tpu.memory_space<hbm>> -> memref<32768xf32, #tpu.memory_space<hbm>>
      %dma_start3A_176 = arith.constant 0 : i32
      %dma_start3A_177 = tpu.memref_slice %arg2[%add3A_89, %dma_start3A_176] : memref<128x32768xf32, #tpu.memory_space<hbm>> -> memref<1x32768xf32, #tpu.memory_space<hbm>>
      %dma_start3A_178 = tpu.memref_squeeze %dma_start3A_177 : memref<1x32768xf32, #tpu.memory_space<hbm>> -> memref<32768xf32, #tpu.memory_space<hbm>>
      tpu.enqueue_dma source(%dma_start3A_178 : memref<32768xf32, #tpu.memory_space<hbm>>) target(%arg4 : memref<32768xf32, #tpu.memory_space<vmem>>) target_semaphore(%run_scoped3A : memref<!tpu.dma_semaphore, #tpu.memory_space<semaphore_mem>>)
      %dma_wait3A = arith.constant 0 : i32
      %dma_wait3A_179 = tpu.memref_slice %arg2[%add3A_89, %dma_wait3A] : memref<128x32768xf32, #tpu.memory_space<hbm>> -> memref<1x32768xf32, #tpu.memory_space<hbm>>
      %dma_wait3A_180 = tpu.memref_squeeze %dma_wait3A_179 : memref<1x32768xf32, #tpu.memory_space<hbm>> -> memref<32768xf32, #tpu.memory_space<hbm>>
      %dma_wait3A_181 = arith.constant 0 : i32
      %dma_wait3A_182 = tpu.memref_slice %arg2[%add3A_89, %dma_wait3A_181] : memref<128x32768xf32, #tpu.memory_space<hbm>> -> memref<1x32768xf32, #tpu.memory_space<hbm>>
      %dma_wait3A_183 = tpu.memref_squeeze %dma_wait3A_182 : memref<1x32768xf32, #tpu.memory_space<hbm>> -> memref<32768xf32, #tpu.memory_space<hbm>>
      tpu.wait_dma2 semaphore(%run_scoped3A : memref<!tpu.dma_semaphore, #tpu.memory_space<semaphore_mem>>) src(%dma_wait3A_183 : memref<32768xf32, #tpu.memory_space<hbm>>) dst(%arg4 : memref<32768xf32, #tpu.memory_space<vmem>>)
      tpu.yield
    }) : () -> ()
    %scan3A_90 = arith.constant 0 : i32
    %scan3A_91 = arith.constant 0 : i32
    %scan3A_92 = arith.constant 256 : i32
    %scan3A_93 = arith.addi %scan3A_91, %scan3A_92 : i32
    %scan3A_94 = arith.constant 1 : i32
    %scan3A_95 = scf.for %scan3A_174 = %scan3A_91 to %scan3A_93 step %scan3A_94 iter_args(%scan3A_175 = %scan3A_90) -> (i32)  : i32 {
      %mul3A_176 = arith.constant 128 : i32
      %mul3A_177 = arith.muli %scan3A_174, %mul3A_176 : i32
      %get3A = arith.index_cast %mul3A_177 : i32 to index
      %get3A_178 = tpu.vector_load %arg4[%get3A] {strides = array<i32>} : memref<32768xf32, #tpu.memory_space<vmem>>, vector<16xf32>,
      %add3A_179 = arith.constant 16 : i32
      %add3A_180 = arith.addi %mul3A_177, %add3A_179 : i32
      %get3A_181 = arith.index_cast %add3A_180 : i32 to index
      %get3A_182 = tpu.vector_load %arg4[%get3A_181] {strides = array<i32>} : memref<32768xf32, #tpu.memory_space<vmem>>, vector<16xf32>,
      %max3A = arith.maximumf %get3A_178, %get3A_182 : vector<16xf32>
      %add3A_183 = arith.constant 32 : i32
      %add3A_184 = arith.addi %mul3A_177, %add3A_183 : i32
      %get3A_185 = arith.index_cast %add3A_184 : i32 to index
      %get3A_186 = tpu.vector_load %arg4[%get3A_185] {strides = array<i32>} : memref<32768xf32, #tpu.memory_space<vmem>>, vector<16xf32>,
      %max3A_187 = arith.maximumf %max3A, %get3A_186 : vector<16xf32>
      %add3A_188 = arith.constant 48 : i32
      %add3A_189 = arith.addi %mul3A_177, %add3A_188 : i32
      %get3A_190 = arith.index_cast %add3A_189 : i32 to index
      %get3A_191 = tpu.vector_load %arg4[%get3A_190] {strides = array<i32>} : memref<32768xf32, #tpu.memory_space<vmem>>, vector<16xf32>,
      %max3A_192 = arith.maximumf %max3A_187, %get3A_191 : vector<16xf32>
      %add3A_193 = arith.constant 64 : i32
      %add3A_194 = arith.addi %mul3A_177, %add3A_193 : i32
      %get3A_195 = arith.index_cast %add3A_194 : i32 to index
      %get3A_196 = tpu.vector_load %arg4[%get3A_195] {strides = array<i32>} : memref<32768xf32, #tpu.memory_space<vmem>>, vector<16xf32>,
      %max3A_197 = arith.maximumf %max3A_192, %get3A_196 : vector<16xf32>
      %add3A_198 = arith.constant 80 : i32
      %add3A_199 = arith.addi %mul3A_177, %add3A_198 : i32
      %get3A_200 = arith.index_cast %add3A_199 : i32 to index
      %get3A_201 = tpu.vector_load %arg4[%get3A_200] {strides = array<i32>} : memref<32768xf32, #tpu.memory_space<vmem>>, vector<16xf32>,
      %max3A_202 = arith.maximumf %max3A_197, %get3A_201 : vector<16xf32>
      %add3A_203 = arith.constant 96 : i32
      %add3A_204 = arith.addi %mul3A_177, %add3A_203 : i32
      %get3A_205 = arith.index_cast %add3A_204 : i32 to index
      %get3A_206 = tpu.vector_load %arg4[%get3A_205] {strides = array<i32>} : memref<32768xf32, #tpu.memory_space<vmem>>, vector<16xf32>,
      %max3A_207 = arith.maximumf %max3A_202, %get3A_206 : vector<16xf32>
      %add3A_208 = arith.constant 112 : i32
      %add3A_209 = arith.addi %mul3A_177, %add3A_208 : i32
      %get3A_210 = arith.index_cast %add3A_209 : i32 to index
      %get3A_211 = tpu.vector_load %arg4[%get3A_210] {strides = array<i32>} : memref<32768xf32, #tpu.memory_space<vmem>>, vector<16xf32>,
      %max3A_212 = arith.maximumf %max3A_207, %get3A_211 : vector<16xf32>
      %mul3A_213 = arith.constant 16 : i32
      %mul3A_214 = arith.muli %scan3A_174, %mul3A_213 : i32
      %swap3A = arith.index_cast %mul3A_214 : i32 to index
      %swap3A_215 = tpu.vector_load %arg6[%swap3A] {strides = array<i32>} : memref<4096xf32, #tpu.memory_space<vmem>>, vector<16xf32>,
      tpu.vector_store %arg6[%swap3A], %max3A_212 {strides = array<i32>} : memref<4096xf32, #tpu.memory_space<vmem>>, vector<16xf32>,
      %scan3A_216 = arith.constant 0 : i32
      scf.yield %scan3A_216 : i32
    }
    %scan3A_96 = arith.constant 256 : i32
    %broadcast_in_dim3A_97 = arith.constant 0xFF800000 : f32
    %broadcast_in_dim3A_98 = vector.broadcast %broadcast_in_dim3A_97 : f32 to vector<16xf32>
    %broadcast_in_dim3A_99 = arith.constant 0xFF800000 : f32
    %broadcast_in_dim3A_100 = vector.broadcast %broadcast_in_dim3A_99 : f32 to vector<16xf32>
    %scan3A_101 = arith.constant 0 : i32
    %scan3A_102 = arith.constant 256 : i32
    %scan3A_103 = arith.addi %scan3A_101, %scan3A_102 : i32
    %scan3A_104 = arith.constant 1 : i32
    %scan3A_105:2 = scf.for %scan3A_174 = %scan3A_101 to %scan3A_103 step %scan3A_104 iter_args(%scan3A_175 = %broadcast_in_dim3A_98, %scan3A_176 = %broadcast_in_dim3A_100) -> (vector<16xf32>, vector<16xf32>)  : i32 {
      %mul3A_177 = arith.constant 16 : i32
      %mul3A_178 = arith.muli %scan3A_174, %mul3A_177 : i32
      %get3A = arith.index_cast %mul3A_178 : i32 to index
      %get3A_179 = tpu.vector_load %arg6[%get3A] {strides = array<i32>} : memref<4096xf32, #tpu.memory_space<vmem>>, vector<16xf32>,
      %ge3A = arith.cmpf oge, %get3A_179, %scan3A_176 : vector<16xf32>
      %reduce_or3A = arith.constant 1.000000e+00 : f32
      %reduce_or3A_180 = arith.constant 0.000000e+00 : f32
      %reduce_or3A_181 = vector.broadcast %reduce_or3A : f32 to vector<16xf32>
      %reduce_or3A_182 = vector.broadcast %reduce_or3A_180 : f32 to vector<16xf32>
      %reduce_or3A_183 = arith.select %ge3A, %reduce_or3A_181, %reduce_or3A_182 : vector<16xi1>, vector<16xf32>
      %reduce_or3A_184 = arith.constant true
      %reduce_or3A_185 = vector.broadcast %reduce_or3A_184 : i1 to vector<16xi1>
      %reduce_or3A_186 = tpu.scan <max>, %reduce_or3A_183 masked %reduce_or3A_185 : vector<16xf32>, vector<16xi1> -> vector<16xf32>
      %reduce_or3A_187 = vector.extract %reduce_or3A_186[15] : f32 from vector<16xf32>
      %reduce_or3A_188 = arith.constant 0.000000e+00 : f32
      %reduce_or3A_189 = arith.cmpf ogt, %reduce_or3A_187, %reduce_or3A_188 : f32
      %convert_element_type3A = arith.extui %reduce_or3A_189 : i1 to i32
      %cond3A = arith.constant 0 : i32
      %cond3A_190 = arith.cmpi ne, %convert_element_type3A, %cond3A : i32
      %cond3A_191:2 = scf.if %cond3A_190 -> (vector<16xf32>, vector<16xf32>) {
        %masked_sort3A = arith.constant dense<true> : vector<16xi1>
        %masked_sort3A_192, %masked_sort3A_193, %masked_sort3A_194 = tpu.sort %get3A_179, %get3A_179 masked %masked_sort3A : (vector<16xf32>, vector<16xf32>, vector<16xi1>) -> (vector<16xi1>, vector<16xf32>, vector<16xf32>)
        %max3A = arith.maximumf %scan3A_175, %masked_sort3A_193 : vector<16xf32>
        %masked_sort3A_195 = arith.constant dense<true> : vector<16xi1>
        %masked_sort3A_196, %masked_sort3A_197, %masked_sort3A_198 = tpu.sort %max3A, %max3A masked %masked_sort3A_195 {descending = true} : (vector<16xf32>, vector<16xf32>, vector<16xi1>) -> (vector<16xi1>, vector<16xf32>, vector<16xf32>)
        %lt3A_199 = arith.constant 0 : i32
        %lt3A_200 = vector.broadcast %lt3A_199 : i32 to vector<16xi32>
        %lt3A_201 = arith.cmpi slt, %broadcast_in_dim3A_1, %lt3A_200 : vector<16xi32>
        %add3A_202 = arith.constant 16 : i32
        %add3A_203 = vector.broadcast %add3A_202 : i32 to vector<16xi32>
        %add3A_204 = arith.addi %broadcast_in_dim3A_1, %add3A_203 : vector<16xi32>
        %select_n3A_205 = arith.select %lt3A_201, %add3A_204, %broadcast_in_dim3A_1 : vector<16xi1>, vector<16xi32>
        %broadcast_in_dim3A_206 = vector.shape_cast %select_n3A_205 : vector<16xi32> to vector<16x1xi32>
        %gather3A_207 = vector.shape_cast %broadcast_in_dim3A_206 : vector<16x1xi32> to vector<16xi32>
        %gather3A_208 = tpu.dynamic_gather %masked_sort3A_197[%gather3A_207] in [0] : vector<16xf32>, vector<16xi32> -> vector<16xf32>
        scf.yield %masked_sort3A_197, %gather3A_208 : vector<16xf32>, vector<16xf32>
      } else {
        scf.yield %scan3A_175, %scan3A_176 : vector<16xf32>, vector<16xf32>
      }
      scf.yield %cond3A_191#0, %cond3A_191#1 : vector<16xf32>, vector<16xf32>
    }
    %scan3A_106 = arith.constant 256 : i32
    %scan3A_107 = arith.constant 0 : i32
    %scan3A_108 = arith.constant 256 : i32
    %scan3A_109 = arith.addi %scan3A_107, %scan3A_108 : i32
    %scan3A_110 = arith.constant 1 : i32
    %scan3A_111 = scf.for %scan3A_174 = %scan3A_107 to %scan3A_109 step %scan3A_110 iter_args(%scan3A_175 = %broadcast_in_dim3A_98) -> (vector<16xf32>)  : i32 {
      %mul3A_176 = arith.constant 16 : i32
      %mul3A_177 = arith.muli %scan3A_174, %mul3A_176 : i32
      %get3A = arith.index_cast %mul3A_177 : i32 to index
      %get3A_178 = tpu.vector_load %arg6[%get3A] {strides = array<i32>} : memref<4096xf32, #tpu.memory_space<vmem>>, vector<16xf32>,
      %ge3A = arith.cmpf oge, %get3A_178, %scan3A_105#1 : vector<16xf32>
      %reduce_or3A = arith.constant 1.000000e+00 : f32
      %reduce_or3A_179 = arith.constant 0.000000e+00 : f32
      %reduce_or3A_180 = vector.broadcast %reduce_or3A : f32 to vector<16xf32>
      %reduce_or3A_181 = vector.broadcast %reduce_or3A_179 : f32 to vector<16xf32>
      %reduce_or3A_182 = arith.select %ge3A, %reduce_or3A_180, %reduce_or3A_181 : vector<16xi1>, vector<16xf32>
      %reduce_or3A_183 = arith.constant true
      %reduce_or3A_184 = vector.broadcast %reduce_or3A_183 : i1 to vector<16xi1>
      %reduce_or3A_185 = tpu.scan <max>, %reduce_or3A_182 masked %reduce_or3A_184 : vector<16xf32>, vector<16xi1> -> vector<16xf32>
      %reduce_or3A_186 = vector.extract %reduce_or3A_185[15] : f32 from vector<16xf32>
      %reduce_or3A_187 = arith.constant 0.000000e+00 : f32
      %reduce_or3A_188 = arith.cmpf ogt, %reduce_or3A_186, %reduce_or3A_187 : f32
      %convert_element_type3A = arith.extui %reduce_or3A_188 : i1 to i32
      %cond3A = arith.constant 0 : i32
      %cond3A_189 = arith.cmpi ne, %convert_element_type3A, %cond3A : i32
      %cond3A_190 = scf.if %cond3A_189 -> (vector<16xf32>) {
        %mul3A_191 = arith.constant 128 : i32
        %mul3A_192 = arith.muli %scan3A_174, %mul3A_191 : i32
        %add3A_193 = arith.constant 0 : i32
        %add3A_194 = arith.addi %mul3A_192, %add3A_193 : i32
        %get3A_195 = arith.index_cast %add3A_194 : i32 to index
        %get3A_196 = tpu.vector_load %arg4[%get3A_195] {strides = array<i32>} : memref<32768xf32, #tpu.memory_space<vmem>>, vector<16xf32>,
        %masked_sort3A = arith.constant dense<true> : vector<16xi1>
        %masked_sort3A_197, %masked_sort3A_198, %masked_sort3A_199 = tpu.sort %get3A_196, %get3A_196 masked %masked_sort3A : (vector<16xf32>, vector<16xf32>, vector<16xi1>) -> (vector<16xi1>, vector<16xf32>, vector<16xf32>)
        %max3A = arith.maximumf %scan3A_175, %masked_sort3A_198 : vector<16xf32>
        %masked_sort3A_200 = arith.constant dense<true> : vector<16xi1>
        %masked_sort3A_201, %masked_sort3A_202, %masked_sort3A_203 = tpu.sort %max3A, %max3A masked %masked_sort3A_200 {descending = true} : (vector<16xf32>, vector<16xf32>, vector<16xi1>) -> (vector<16xi1>, vector<16xf32>, vector<16xf32>)
        %add3A_204 = arith.constant 16 : i32
        %add3A_205 = arith.addi %mul3A_192, %add3A_204 : i32
        %get3A_206 = arith.index_cast %add3A_205 : i32 to index
        %get3A_207 = tpu.vector_load %arg4[%get3A_206] {strides = array<i32>} : memref<32768xf32, #tpu.memory_space<vmem>>, vector<16xf32>,
        %masked_sort3A_208 = arith.constant dense<true> : vector<16xi1>
        %masked_sort3A_209, %masked_sort3A_210, %masked_sort3A_211 = tpu.sort %get3A_207, %get3A_207 masked %masked_sort3A_208 : (vector<16xf32>, vector<16xf32>, vector<16xi1>) -> (vector<16xi1>, vector<16xf32>, vector<16xf32>)
        %max3A_212 = arith.maximumf %masked_sort3A_202, %masked_sort3A_210 : vector<16xf32>
        %masked_sort3A_213 = arith.constant dense<true> : vector<16xi1>
        %masked_sort3A_214, %masked_sort3A_215, %masked_sort3A_216 = tpu.sort %max3A_212, %max3A_212 masked %masked_sort3A_213 {descending = true} : (vector<16xf32>, vector<16xf32>, vector<16xi1>) -> (vector<16xi1>, vector<16xf32>, vector<16xf32>)
        %add3A_217 = arith.constant 32 : i32
        %add3A_218 = arith.addi %mul3A_192, %add3A_217 : i32
        %get3A_219 = arith.index_cast %add3A_218 : i32 to index
        %get3A_220 = tpu.vector_load %arg4[%get3A_219] {strides = array<i32>} : memref<32768xf32, #tpu.memory_space<vmem>>, vector<16xf32>,
        %masked_sort3A_221 = arith.constant dense<true> : vector<16xi1>
        %masked_sort3A_222, %masked_sort3A_223, %masked_sort3A_224 = tpu.sort %get3A_220, %get3A_220 masked %masked_sort3A_221 : (vector<16xf32>, vector<16xf32>, vector<16xi1>) -> (vector<16xi1>, vector<16xf32>, vector<16xf32>)
        %max3A_225 = arith.maximumf %masked_sort3A_215, %masked_sort3A_223 : vector<16xf32>
        %masked_sort3A_226 = arith.constant dense<true> : vector<16xi1>
        %masked_sort3A_227, %masked_sort3A_228, %masked_sort3A_229 = tpu.sort %max3A_225, %max3A_225 masked %masked_sort3A_226 {descending = true} : (vector<16xf32>, vector<16xf32>, vector<16xi1>) -> (vector<16xi1>, vector<16xf32>, vector<16xf32>)
        %add3A_230 = arith.constant 48 : i32
        %add3A_231 = arith.addi %mul3A_192, %add3A_230 : i32
        %get3A_232 = arith.index_cast %add3A_231 : i32 to index
        %get3A_233 = tpu.vector_load %arg4[%get3A_232] {strides = array<i32>} : memref<32768xf32, #tpu.memory_space<vmem>>, vector<16xf32>,
        %masked_sort3A_234 = arith.constant dense<true> : vector<16xi1>
        %masked_sort3A_235, %masked_sort3A_236, %masked_sort3A_237 = tpu.sort %get3A_233, %get3A_233 masked %masked_sort3A_234 : (vector<16xf32>, vector<16xf32>, vector<16xi1>) -> (vector<16xi1>, vector<16xf32>, vector<16xf32>)
        %max3A_238 = arith.maximumf %masked_sort3A_228, %masked_sort3A_236 : vector<16xf32>
        %masked_sort3A_239 = arith.constant dense<true> : vector<16xi1>
        %masked_sort3A_240, %masked_sort3A_241, %masked_sort3A_242 = tpu.sort %max3A_238, %max3A_238 masked %masked_sort3A_239 {descending = true} : (vector<16xf32>, vector<16xf32>, vector<16xi1>) -> (vector<16xi1>, vector<16xf32>, vector<16xf32>)
        %add3A_243 = arith.constant 64 : i32
        %add3A_244 = arith.addi %mul3A_192, %add3A_243 : i32
        %get3A_245 = arith.index_cast %add3A_244 : i32 to index
        %get3A_246 = tpu.vector_load %arg4[%get3A_245] {strides = array<i32>} : memref<32768xf32, #tpu.memory_space<vmem>>, vector<16xf32>,
        %masked_sort3A_247 = arith.constant dense<true> : vector<16xi1>
        %masked_sort3A_248, %masked_sort3A_249, %masked_sort3A_250 = tpu.sort %get3A_246, %get3A_246 masked %masked_sort3A_247 : (vector<16xf32>, vector<16xf32>, vector<16xi1>) -> (vector<16xi1>, vector<16xf32>, vector<16xf32>)
        %max3A_251 = arith.maximumf %masked_sort3A_241, %masked_sort3A_249 : vector<16xf32>
        %masked_sort3A_252 = arith.constant dense<true> : vector<16xi1>
        %masked_sort3A_253, %masked_sort3A_254, %masked_sort3A_255 = tpu.sort %max3A_251, %max3A_251 masked %masked_sort3A_252 {descending = true} : (vector<16xf32>, vector<16xf32>, vector<16xi1>) -> (vector<16xi1>, vector<16xf32>, vector<16xf32>)
        %add3A_256 = arith.constant 80 : i32
        %add3A_257 = arith.addi %mul3A_192, %add3A_256 : i32
        %get3A_258 = arith.index_cast %add3A_257 : i32 to index
        %get3A_259 = tpu.vector_load %arg4[%get3A_258] {strides = array<i32>} : memref<32768xf32, #tpu.memory_space<vmem>>, vector<16xf32>,
        %masked_sort3A_260 = arith.constant dense<true> : vector<16xi1>
        %masked_sort3A_261, %masked_sort3A_262, %masked_sort3A_263 = tpu.sort %get3A_259, %get3A_259 masked %masked_sort3A_260 : (vector<16xf32>, vector<16xf32>, vector<16xi1>) -> (vector<16xi1>, vector<16xf32>, vector<16xf32>)
        %max3A_264 = arith.maximumf %masked_sort3A_254, %masked_sort3A_262 : vector<16xf32>
        %masked_sort3A_265 = arith.constant dense<true> : vector<16xi1>
        %masked_sort3A_266, %masked_sort3A_267, %masked_sort3A_268 = tpu.sort %max3A_264, %max3A_264 masked %masked_sort3A_265 {descending = true} : (vector<16xf32>, vector<16xf32>, vector<16xi1>) -> (vector<16xi1>, vector<16xf32>, vector<16xf32>)
        %add3A_269 = arith.constant 96 : i32
        %add3A_270 = arith.addi %mul3A_192, %add3A_269 : i32
        %get3A_271 = arith.index_cast %add3A_270 : i32 to index
        %get3A_272 = tpu.vector_load %arg4[%get3A_271] {strides = array<i32>} : memref<32768xf32, #tpu.memory_space<vmem>>, vector<16xf32>,
        %masked_sort3A_273 = arith.constant dense<true> : vector<16xi1>
        %masked_sort3A_274, %masked_sort3A_275, %masked_sort3A_276 = tpu.sort %get3A_272, %get3A_272 masked %masked_sort3A_273 : (vector<16xf32>, vector<16xf32>, vector<16xi1>) -> (vector<16xi1>, vector<16xf32>, vector<16xf32>)
        %max3A_277 = arith.maximumf %masked_sort3A_267, %masked_sort3A_275 : vector<16xf32>
        %masked_sort3A_278 = arith.constant dense<true> : vector<16xi1>
        %masked_sort3A_279, %masked_sort3A_280, %masked_sort3A_281 = tpu.sort %max3A_277, %max3A_277 masked %masked_sort3A_278 {descending = true} : (vector<16xf32>, vector<16xf32>, vector<16xi1>) -> (vector<16xi1>, vector<16xf32>, vector<16xf32>)
        %add3A_282 = arith.constant 112 : i32
        %add3A_283 = arith.addi %mul3A_192, %add3A_282 : i32
        %get3A_284 = arith.index_cast %add3A_283 : i32 to index
        %get3A_285 = tpu.vector_load %arg4[%get3A_284] {strides = array<i32>} : memref<32768xf32, #tpu.memory_space<vmem>>, vector<16xf32>,
        %masked_sort3A_286 = arith.constant dense<true> : vector<16xi1>
        %masked_sort3A_287, %masked_sort3A_288, %masked_sort3A_289 = tpu.sort %get3A_285, %get3A_285 masked %masked_sort3A_286 : (vector<16xf32>, vector<16xf32>, vector<16xi1>) -> (vector<16xi1>, vector<16xf32>, vector<16xf32>)
        %max3A_290 = arith.maximumf %masked_sort3A_280, %masked_sort3A_288 : vector<16xf32>
        %masked_sort3A_291 = arith.constant dense<true> : vector<16xi1>
        %masked_sort3A_292, %masked_sort3A_293, %masked_sort3A_294 = tpu.sort %max3A_290, %max3A_290 masked %masked_sort3A_291 {descending = true} : (vector<16xf32>, vector<16xf32>, vector<16xi1>) -> (vector<16xi1>, vector<16xf32>, vector<16xf32>)
        scf.yield %masked_sort3A_293 : vector<16xf32>
      } else {
        scf.yield %scan3A_175 : vector<16xf32>
      }
      scf.yield %cond3A_190 : vector<16xf32>
    }
    %scan3A_112 = arith.constant 256 : i32
    %lt3A_113 = arith.constant 0 : i32
    %lt3A_114 = vector.broadcast %lt3A_113 : i32 to vector<16xi32>
    %lt3A_115 = arith.cmpi slt, %broadcast_in_dim3A_1, %lt3A_114 : vector<16xi32>
    %add3A_116 = arith.constant 16 : i32
    %add3A_117 = vector.broadcast %add3A_116 : i32 to vector<16xi32>
    %add3A_118 = arith.addi %broadcast_in_dim3A_1, %add3A_117 : vector<16xi32>
    %select_n3A_119 = arith.select %lt3A_115, %add3A_118, %broadcast_in_dim3A_1 : vector<16xi1>, vector<16xi32>
    %broadcast_in_dim3A_120 = vector.shape_cast %select_n3A_119 : vector<16xi32> to vector<16x1xi32>
    %gather3A_121 = vector.shape_cast %broadcast_in_dim3A_120 : vector<16x1xi32> to vector<16xi32>
    %gather3A_122 = tpu.dynamic_gather %scan3A_111[%gather3A_121] in [0] : vector<16xf32>, vector<16xi32> -> vector<16xf32>
    %scan3A_123 = arith.constant 0 : i32
    %scan3A_124 = arith.constant 0 : i32
    %scan3A_125 = arith.constant 256 : i32
    %scan3A_126 = arith.addi %scan3A_124, %scan3A_125 : i32
    %scan3A_127 = arith.constant 1 : i32
    %scan3A_128 = scf.for %scan3A_174 = %scan3A_124 to %scan3A_126 step %scan3A_127 iter_args(%scan3A_175 = %scan3A_123) -> (i32)  : i32 {
      %mul3A_176 = arith.constant 128 : i32
      %mul3A_177 = arith.muli %scan3A_174, %mul3A_176 : i32
      %add3A_178 = arith.constant 0 : i32
      %add3A_179 = arith.addi %mul3A_177, %add3A_178 : i32
      %get3A = arith.index_cast %add3A_179 : i32 to index
      %get3A_180 = tpu.vector_load %arg4[%get3A] {strides = array<i32>} : memref<32768xf32, #tpu.memory_space<vmem>>, vector<16xf32>,
      %ge3A = arith.cmpf oge, %get3A_180, %gather3A_122 : vector<16xf32>
      %jit3A = arith.constant 1.000000e+00 : f32
      %jit3A_181 = arith.constant 0.000000e+00 : f32
      %broadcast_in_dim3A_182 = vector.broadcast %jit3A : f32 to vector<16xf32>
      %broadcast_in_dim3A_183 = vector.broadcast %jit3A_181 : f32 to vector<16xf32>
      %select_n3A_184 = arith.select %ge3A, %broadcast_in_dim3A_182, %broadcast_in_dim3A_183 : vector<16xi1>, vector<16xf32>
      %swap3A = arith.index_cast %add3A_179 : i32 to index
      %swap3A_185 = tpu.vector_load %arg5[%swap3A] {strides = array<i32>} : memref<32768xf32, #tpu.memory_space<vmem>>, vector<16xf32>,
      tpu.vector_store %arg5[%swap3A], %select_n3A_184 {strides = array<i32>} : memref<32768xf32, #tpu.memory_space<vmem>>, vector<16xf32>,
      %add3A_186 = arith.constant 16 : i32
      %add3A_187 = arith.addi %mul3A_177, %add3A_186 : i32
      %get3A_188 = arith.index_cast %add3A_187 : i32 to index
      %get3A_189 = tpu.vector_load %arg4[%get3A_188] {strides = array<i32>} : memref<32768xf32, #tpu.memory_space<vmem>>, vector<16xf32>,
      %ge3A_190 = arith.cmpf oge, %get3A_189, %gather3A_122 : vector<16xf32>
      %jit3A_191 = arith.constant 1.000000e+00 : f32
      %jit3A_192 = arith.constant 0.000000e+00 : f32
      %broadcast_in_dim3A_193 = vector.broadcast %jit3A_191 : f32 to vector<16xf32>
      %broadcast_in_dim3A_194 = vector.broadcast %jit3A_192 : f32 to vector<16xf32>
      %select_n3A_195 = arith.select %ge3A_190, %broadcast_in_dim3A_193, %broadcast_in_dim3A_194 : vector<16xi1>, vector<16xf32>
      %swap3A_196 = arith.index_cast %add3A_187 : i32 to index
      %swap3A_197 = tpu.vector_load %arg5[%swap3A_196] {strides = array<i32>} : memref<32768xf32, #tpu.memory_space<vmem>>, vector<16xf32>,
      tpu.vector_store %arg5[%swap3A_196], %select_n3A_195 {strides = array<i32>} : memref<32768xf32, #tpu.memory_space<vmem>>, vector<16xf32>,
      %add3A_198 = arith.constant 32 : i32
      %add3A_199 = arith.addi %mul3A_177, %add3A_198 : i32
      %get3A_200 = arith.index_cast %add3A_199 : i32 to index
      %get3A_201 = tpu.vector_load %arg4[%get3A_200] {strides = array<i32>} : memref<32768xf32, #tpu.memory_space<vmem>>, vector<16xf32>,
      %ge3A_202 = arith.cmpf oge, %get3A_201, %gather3A_122 : vector<16xf32>
      %jit3A_203 = arith.constant 1.000000e+00 : f32
      %jit3A_204 = arith.constant 0.000000e+00 : f32
      %broadcast_in_dim3A_205 = vector.broadcast %jit3A_203 : f32 to vector<16xf32>
      %broadcast_in_dim3A_206 = vector.broadcast %jit3A_204 : f32 to vector<16xf32>
      %select_n3A_207 = arith.select %ge3A_202, %broadcast_in_dim3A_205, %broadcast_in_dim3A_206 : vector<16xi1>, vector<16xf32>
      %swap3A_208 = arith.index_cast %add3A_199 : i32 to index
      %swap3A_209 = tpu.vector_load %arg5[%swap3A_208] {strides = array<i32>} : memref<32768xf32, #tpu.memory_space<vmem>>, vector<16xf32>,
      tpu.vector_store %arg5[%swap3A_208], %select_n3A_207 {strides = array<i32>} : memref<32768xf32, #tpu.memory_space<vmem>>, vector<16xf32>,
      %add3A_210 = arith.constant 48 : i32
      %add3A_211 = arith.addi %mul3A_177, %add3A_210 : i32
      %get3A_212 = arith.index_cast %add3A_211 : i32 to index
      %get3A_213 = tpu.vector_load %arg4[%get3A_212] {strides = array<i32>} : memref<32768xf32, #tpu.memory_space<vmem>>, vector<16xf32>,
      %ge3A_214 = arith.cmpf oge, %get3A_213, %gather3A_122 : vector<16xf32>
      %jit3A_215 = arith.constant 1.000000e+00 : f32
      %jit3A_216 = arith.constant 0.000000e+00 : f32
      %broadcast_in_dim3A_217 = vector.broadcast %jit3A_215 : f32 to vector<16xf32>
      %broadcast_in_dim3A_218 = vector.broadcast %jit3A_216 : f32 to vector<16xf32>
      %select_n3A_219 = arith.select %ge3A_214, %broadcast_in_dim3A_217, %broadcast_in_dim3A_218 : vector<16xi1>, vector<16xf32>
      %swap3A_220 = arith.index_cast %add3A_211 : i32 to index
      %swap3A_221 = tpu.vector_load %arg5[%swap3A_220] {strides = array<i32>} : memref<32768xf32, #tpu.memory_space<vmem>>, vector<16xf32>,
      tpu.vector_store %arg5[%swap3A_220], %select_n3A_219 {strides = array<i32>} : memref<32768xf32, #tpu.memory_space<vmem>>, vector<16xf32>,
      %add3A_222 = arith.constant 64 : i32
      %add3A_223 = arith.addi %mul3A_177, %add3A_222 : i32
      %get3A_224 = arith.index_cast %add3A_223 : i32 to index
      %get3A_225 = tpu.vector_load %arg4[%get3A_224] {strides = array<i32>} : memref<32768xf32, #tpu.memory_space<vmem>>, vector<16xf32>,
      %ge3A_226 = arith.cmpf oge, %get3A_225, %gather3A_122 : vector<16xf32>
      %jit3A_227 = arith.constant 1.000000e+00 : f32
      %jit3A_228 = arith.constant 0.000000e+00 : f32
      %broadcast_in_dim3A_229 = vector.broadcast %jit3A_227 : f32 to vector<16xf32>
      %broadcast_in_dim3A_230 = vector.broadcast %jit3A_228 : f32 to vector<16xf32>
      %select_n3A_231 = arith.select %ge3A_226, %broadcast_in_dim3A_229, %broadcast_in_dim3A_230 : vector<16xi1>, vector<16xf32>
      %swap3A_232 = arith.index_cast %add3A_223 : i32 to index
      %swap3A_233 = tpu.vector_load %arg5[%swap3A_232] {strides = array<i32>} : memref<32768xf32, #tpu.memory_space<vmem>>, vector<16xf32>,
      tpu.vector_store %arg5[%swap3A_232], %select_n3A_231 {strides = array<i32>} : memref<32768xf32, #tpu.memory_space<vmem>>, vector<16xf32>,
      %add3A_234 = arith.constant 80 : i32
      %add3A_235 = arith.addi %mul3A_177, %add3A_234 : i32
      %get3A_236 = arith.index_cast %add3A_235 : i32 to index
      %get3A_237 = tpu.vector_load %arg4[%get3A_236] {strides = array<i32>} : memref<32768xf32, #tpu.memory_space<vmem>>, vector<16xf32>,
      %ge3A_238 = arith.cmpf oge, %get3A_237, %gather3A_122 : vector<16xf32>
      %jit3A_239 = arith.constant 1.000000e+00 : f32
      %jit3A_240 = arith.constant 0.000000e+00 : f32
      %broadcast_in_dim3A_241 = vector.broadcast %jit3A_239 : f32 to vector<16xf32>
      %broadcast_in_dim3A_242 = vector.broadcast %jit3A_240 : f32 to vector<16xf32>
      %select_n3A_243 = arith.select %ge3A_238, %broadcast_in_dim3A_241, %broadcast_in_dim3A_242 : vector<16xi1>, vector<16xf32>
      %swap3A_244 = arith.index_cast %add3A_235 : i32 to index
      %swap3A_245 = tpu.vector_load %arg5[%swap3A_244] {strides = array<i32>} : memref<32768xf32, #tpu.memory_space<vmem>>, vector<16xf32>,
      tpu.vector_store %arg5[%swap3A_244], %select_n3A_243 {strides = array<i32>} : memref<32768xf32, #tpu.memory_space<vmem>>, vector<16xf32>,
      %add3A_246 = arith.constant 96 : i32
      %add3A_247 = arith.addi %mul3A_177, %add3A_246 : i32
      %get3A_248 = arith.index_cast %add3A_247 : i32 to index
      %get3A_249 = tpu.vector_load %arg4[%get3A_248] {strides = array<i32>} : memref<32768xf32, #tpu.memory_space<vmem>>, vector<16xf32>,
      %ge3A_250 = arith.cmpf oge, %get3A_249, %gather3A_122 : vector<16xf32>
      %jit3A_251 = arith.constant 1.000000e+00 : f32
      %jit3A_252 = arith.constant 0.000000e+00 : f32
      %broadcast_in_dim3A_253 = vector.broadcast %jit3A_251 : f32 to vector<16xf32>
      %broadcast_in_dim3A_254 = vector.broadcast %jit3A_252 : f32 to vector<16xf32>
      %select_n3A_255 = arith.select %ge3A_250, %broadcast_in_dim3A_253, %broadcast_in_dim3A_254 : vector<16xi1>, vector<16xf32>
      %swap3A_256 = arith.index_cast %add3A_247 : i32 to index
      %swap3A_257 = tpu.vector_load %arg5[%swap3A_256] {strides = array<i32>} : memref<32768xf32, #tpu.memory_space<vmem>>, vector<16xf32>,
      tpu.vector_store %arg5[%swap3A_256], %select_n3A_255 {strides = array<i32>} : memref<32768xf32, #tpu.memory_space<vmem>>, vector<16xf32>,
      %add3A_258 = arith.constant 112 : i32
      %add3A_259 = arith.addi %mul3A_177, %add3A_258 : i32
      %get3A_260 = arith.index_cast %add3A_259 : i32 to index
      %get3A_261 = tpu.vector_load %arg4[%get3A_260] {strides = array<i32>} : memref<32768xf32, #tpu.memory_space<vmem>>, vector<16xf32>,
      %ge3A_262 = arith.cmpf oge, %get3A_261, %gather3A_122 : vector<16xf32>
      %jit3A_263 = arith.constant 1.000000e+00 : f32
      %jit3A_264 = arith.constant 0.000000e+00 : f32
      %broadcast_in_dim3A_265 = vector.broadcast %jit3A_263 : f32 to vector<16xf32>
      %broadcast_in_dim3A_266 = vector.broadcast %jit3A_264 : f32 to vector<16xf32>
      %select_n3A_267 = arith.select %ge3A_262, %broadcast_in_dim3A_265, %broadcast_in_dim3A_266 : vector<16xi1>, vector<16xf32>
      %swap3A_268 = arith.index_cast %add3A_259 : i32 to index
      %swap3A_269 = tpu.vector_load %arg5[%swap3A_268] {strides = array<i32>} : memref<32768xf32, #tpu.memory_space<vmem>>, vector<16xf32>,
      tpu.vector_store %arg5[%swap3A_268], %select_n3A_267 {strides = array<i32>} : memref<32768xf32, #tpu.memory_space<vmem>>, vector<16xf32>,
      %scan3A_270 = arith.constant 0 : i32
      scf.yield %scan3A_270 : i32
    }
    %scan3A_129 = arith.constant 256 : i32
    "tpu.region"() ({
      %run_scoped3A = tpu.sem_alloc : memref<!tpu.dma_semaphore, #tpu.memory_space<semaphore_mem>>
      %dma_start3A = arith.constant 0 : i32
      %dma_start3A_174 = tpu.memref_slice %arg3[%add3A_89, %dma_start3A] : memref<128x32768xf32, #tpu.memory_space<hbm>> -> memref<1x32768xf32, #tpu.memory_space<hbm>>
      %dma_start3A_175 = tpu.memref_squeeze %dma_start3A_174 : memref<1x32768xf32, #tpu.memory_space<hbm>> -> memref<32768xf32, #tpu.memory_space<hbm>>
      %dma_start3A_176 = arith.constant 0 : i32
      %dma_start3A_177 = tpu.memref_slice %arg3[%add3A_89, %dma_start3A_176] : memref<128x32768xf32, #tpu.memory_space<hbm>> -> memref<1x32768xf32, #tpu.memory_space<hbm>>
      %dma_start3A_178 = tpu.memref_squeeze %dma_start3A_177 : memref<1x32768xf32, #tpu.memory_space<hbm>> -> memref<32768xf32, #tpu.memory_space<hbm>>
      tpu.enqueue_dma source(%arg5 : memref<32768xf32, #tpu.memory_space<vmem>>) target(%dma_start3A_178 : memref<32768xf32, #tpu.memory_space<hbm>>) target_semaphore(%run_scoped3A : memref<!tpu.dma_semaphore, #tpu.memory_space<semaphore_mem>>)
      %dma_wait3A = arith.constant 0 : i32
      %dma_wait3A_179 = tpu.memref_slice %arg3[%add3A_89, %dma_wait3A] : memref<128x32768xf32, #tpu.memory_space<hbm>> -> memref<1x32768xf32, #tpu.memory_space<hbm>>
      %dma_wait3A_180 = tpu.memref_squeeze %dma_wait3A_179 : memref<1x32768xf32, #tpu.memory_space<hbm>> -> memref<32768xf32, #tpu.memory_space<hbm>>
      %dma_wait3A_181 = arith.constant 0 : i32
      %dma_wait3A_182 = tpu.memref_slice %arg3[%add3A_89, %dma_wait3A_181] : memref<128x32768xf32, #tpu.memory_space<hbm>> -> memref<1x32768xf32, #tpu.memory_space<hbm>>
      %dma_wait3A_183 = tpu.memref_squeeze %dma_wait3A_182 : memref<1x32768xf32, #tpu.memory_space<hbm>> -> memref<32768xf32, #tpu.memory_space<hbm>>
      tpu.wait_dma2 semaphore(%run_scoped3A : memref<!tpu.dma_semaphore, #tpu.memory_space<semaphore_mem>>) src(%arg5 : memref<32768xf32, #tpu.memory_space<vmem>>) dst(%dma_wait3A_183 : memref<32768xf32, #tpu.memory_space<hbm>>)
      tpu.yield
    }) : () -> ()
    %mul3A_130 = arith.constant 4 : i32
    %mul3A_131 = arith.muli %add3A, %mul3A_130 : i32
    %add3A_132 = arith.constant 3 : i32
    %add3A_133 = arith.addi %mul3A_131, %add3A_132 : i32
    "tpu.region"() ({
      %run_scoped3A = tpu.sem_alloc : memref<!tpu.dma_semaphore, #tpu.memory_space<semaphore_mem>>
      %dma_start3A = arith.constant 0 : i32
      %dma_start3A_174 = tpu.memref_slice %arg2[%add3A_133, %dma_start3A] : memref<128x32768xf32, #tpu.memory_space<hbm>> -> memref<1x32768xf32, #tpu.memory_space<hbm>>
      %dma_start3A_175 = tpu.memref_squeeze %dma_start3A_174 : memref<1x32768xf32, #tpu.memory_space<hbm>> -> memref<32768xf32, #tpu.memory_space<hbm>>
      %dma_start3A_176 = arith.constant 0 : i32
      %dma_start3A_177 = tpu.memref_slice %arg2[%add3A_133, %dma_start3A_176] : memref<128x32768xf32, #tpu.memory_space<hbm>> -> memref<1x32768xf32, #tpu.memory_space<hbm>>
      %dma_start3A_178 = tpu.memref_squeeze %dma_start3A_177 : memref<1x32768xf32, #tpu.memory_space<hbm>> -> memref<32768xf32, #tpu.memory_space<hbm>>
      tpu.enqueue_dma source(%dma_start3A_178 : memref<32768xf32, #tpu.memory_space<hbm>>) target(%arg4 : memref<32768xf32, #tpu.memory_space<vmem>>) target_semaphore(%run_scoped3A : memref<!tpu.dma_semaphore, #tpu.memory_space<semaphore_mem>>)
      %dma_wait3A = arith.constant 0 : i32
      %dma_wait3A_179 = tpu.memref_slice %arg2[%add3A_133, %dma_wait3A] : memref<128x32768xf32, #tpu.memory_space<hbm>> -> memref<1x32768xf32, #tpu.memory_space<hbm>>
      %dma_wait3A_180 = tpu.memref_squeeze %dma_wait3A_179 : memref<1x32768xf32, #tpu.memory_space<hbm>> -> memref<32768xf32, #tpu.memory_space<hbm>>
      %dma_wait3A_181 = arith.constant 0 : i32
      %dma_wait3A_182 = tpu.memref_slice %arg2[%add3A_133, %dma_wait3A_181] : memref<128x32768xf32, #tpu.memory_space<hbm>> -> memref<1x32768xf32, #tpu.memory_space<hbm>>
      %dma_wait3A_183 = tpu.memref_squeeze %dma_wait3A_182 : memref<1x32768xf32, #tpu.memory_space<hbm>> -> memref<32768xf32, #tpu.memory_space<hbm>>
      tpu.wait_dma2 semaphore(%run_scoped3A : memref<!tpu.dma_semaphore, #tpu.memory_space<semaphore_mem>>) src(%dma_wait3A_183 : memref<32768xf32, #tpu.memory_space<hbm>>) dst(%arg4 : memref<32768xf32, #tpu.memory_space<vmem>>)
      tpu.yield
    }) : () -> ()
    %scan3A_134 = arith.constant 0 : i32
    %scan3A_135 = arith.constant 0 : i32
    %scan3A_136 = arith.constant 256 : i32
    %scan3A_137 = arith.addi %scan3A_135, %scan3A_136 : i32
    %scan3A_138 = arith.constant 1 : i32
    %scan3A_139 = scf.for %scan3A_174 = %scan3A_135 to %scan3A_137 step %scan3A_138 iter_args(%scan3A_175 = %scan3A_134) -> (i32)  : i32 {
      %mul3A_176 = arith.constant 128 : i32
      %mul3A_177 = arith.muli %scan3A_174, %mul3A_176 : i32
      %get3A = arith.index_cast %mul3A_177 : i32 to index
      %get3A_178 = tpu.vector_load %arg4[%get3A] {strides = array<i32>} : memref<32768xf32, #tpu.memory_space<vmem>>, vector<16xf32>,
      %add3A_179 = arith.constant 16 : i32
      %add3A_180 = arith.addi %mul3A_177, %add3A_179 : i32
      %get3A_181 = arith.index_cast %add3A_180 : i32 to index
      %get3A_182 = tpu.vector_load %arg4[%get3A_181] {strides = array<i32>} : memref<32768xf32, #tpu.memory_space<vmem>>, vector<16xf32>,
      %max3A = arith.maximumf %get3A_178, %get3A_182 : vector<16xf32>
      %add3A_183 = arith.constant 32 : i32
      %add3A_184 = arith.addi %mul3A_177, %add3A_183 : i32
      %get3A_185 = arith.index_cast %add3A_184 : i32 to index
      %get3A_186 = tpu.vector_load %arg4[%get3A_185] {strides = array<i32>} : memref<32768xf32, #tpu.memory_space<vmem>>, vector<16xf32>,
      %max3A_187 = arith.maximumf %max3A, %get3A_186 : vector<16xf32>
      %add3A_188 = arith.constant 48 : i32
      %add3A_189 = arith.addi %mul3A_177, %add3A_188 : i32
      %get3A_190 = arith.index_cast %add3A_189 : i32 to index
      %get3A_191 = tpu.vector_load %arg4[%get3A_190] {strides = array<i32>} : memref<32768xf32, #tpu.memory_space<vmem>>, vector<16xf32>,
      %max3A_192 = arith.maximumf %max3A_187, %get3A_191 : vector<16xf32>
      %add3A_193 = arith.constant 64 : i32
      %add3A_194 = arith.addi %mul3A_177, %add3A_193 : i32
      %get3A_195 = arith.index_cast %add3A_194 : i32 to index
      %get3A_196 = tpu.vector_load %arg4[%get3A_195] {strides = array<i32>} : memref<32768xf32, #tpu.memory_space<vmem>>, vector<16xf32>,
      %max3A_197 = arith.maximumf %max3A_192, %get3A_196 : vector<16xf32>
      %add3A_198 = arith.constant 80 : i32
      %add3A_199 = arith.addi %mul3A_177, %add3A_198 : i32
      %get3A_200 = arith.index_cast %add3A_199 : i32 to index
      %get3A_201 = tpu.vector_load %arg4[%get3A_200] {strides = array<i32>} : memref<32768xf32, #tpu.memory_space<vmem>>, vector<16xf32>,
      %max3A_202 = arith.maximumf %max3A_197, %get3A_201 : vector<16xf32>
      %add3A_203 = arith.constant 96 : i32
      %add3A_204 = arith.addi %mul3A_177, %add3A_203 : i32
      %get3A_205 = arith.index_cast %add3A_204 : i32 to index
      %get3A_206 = tpu.vector_load %arg4[%get3A_205] {strides = array<i32>} : memref<32768xf32, #tpu.memory_space<vmem>>, vector<16xf32>,
      %max3A_207 = arith.maximumf %max3A_202, %get3A_206 : vector<16xf32>
      %add3A_208 = arith.constant 112 : i32
      %add3A_209 = arith.addi %mul3A_177, %add3A_208 : i32
      %get3A_210 = arith.index_cast %add3A_209 : i32 to index
      %get3A_211 = tpu.vector_load %arg4[%get3A_210] {strides = array<i32>} : memref<32768xf32, #tpu.memory_space<vmem>>, vector<16xf32>,
      %max3A_212 = arith.maximumf %max3A_207, %get3A_211 : vector<16xf32>
      %mul3A_213 = arith.constant 16 : i32
      %mul3A_214 = arith.muli %scan3A_174, %mul3A_213 : i32
      %swap3A = arith.index_cast %mul3A_214 : i32 to index
      %swap3A_215 = tpu.vector_load %arg6[%swap3A] {strides = array<i32>} : memref<4096xf32, #tpu.memory_space<vmem>>, vector<16xf32>,
      tpu.vector_store %arg6[%swap3A], %max3A_212 {strides = array<i32>} : memref<4096xf32, #tpu.memory_space<vmem>>, vector<16xf32>,
      %scan3A_216 = arith.constant 0 : i32
      scf.yield %scan3A_216 : i32
    }
    %scan3A_140 = arith.constant 256 : i32
    %broadcast_in_dim3A_141 = arith.constant 0xFF800000 : f32
    %broadcast_in_dim3A_142 = vector.broadcast %broadcast_in_dim3A_141 : f32 to vector<16xf32>
    %broadcast_in_dim3A_143 = arith.constant 0xFF800000 : f32
    %broadcast_in_dim3A_144 = vector.broadcast %broadcast_in_dim3A_143 : f32 to vector<16xf32>
    %scan3A_145 = arith.constant 0 : i32
    %scan3A_146 = arith.constant 256 : i32
    %scan3A_147 = arith.addi %scan3A_145, %scan3A_146 : i32
    %scan3A_148 = arith.constant 1 : i32
    %scan3A_149:2 = scf.for %scan3A_174 = %scan3A_145 to %scan3A_147 step %scan3A_148 iter_args(%scan3A_175 = %broadcast_in_dim3A_142, %scan3A_176 = %broadcast_in_dim3A_144) -> (vector<16xf32>, vector<16xf32>)  : i32 {
      %mul3A_177 = arith.constant 16 : i32
      %mul3A_178 = arith.muli %scan3A_174, %mul3A_177 : i32
      %get3A = arith.index_cast %mul3A_178 : i32 to index
      %get3A_179 = tpu.vector_load %arg6[%get3A] {strides = array<i32>} : memref<4096xf32, #tpu.memory_space<vmem>>, vector<16xf32>,
      %ge3A = arith.cmpf oge, %get3A_179, %scan3A_176 : vector<16xf32>
      %reduce_or3A = arith.constant 1.000000e+00 : f32
      %reduce_or3A_180 = arith.constant 0.000000e+00 : f32
      %reduce_or3A_181 = vector.broadcast %reduce_or3A : f32 to vector<16xf32>
      %reduce_or3A_182 = vector.broadcast %reduce_or3A_180 : f32 to vector<16xf32>
      %reduce_or3A_183 = arith.select %ge3A, %reduce_or3A_181, %reduce_or3A_182 : vector<16xi1>, vector<16xf32>
      %reduce_or3A_184 = arith.constant true
      %reduce_or3A_185 = vector.broadcast %reduce_or3A_184 : i1 to vector<16xi1>
      %reduce_or3A_186 = tpu.scan <max>, %reduce_or3A_183 masked %reduce_or3A_185 : vector<16xf32>, vector<16xi1> -> vector<16xf32>
      %reduce_or3A_187 = vector.extract %reduce_or3A_186[15] : f32 from vector<16xf32>
      %reduce_or3A_188 = arith.constant 0.000000e+00 : f32
      %reduce_or3A_189 = arith.cmpf ogt, %reduce_or3A_187, %reduce_or3A_188 : f32
      %convert_element_type3A = arith.extui %reduce_or3A_189 : i1 to i32
      %cond3A = arith.constant 0 : i32
      %cond3A_190 = arith.cmpi ne, %convert_element_type3A, %cond3A : i32
      %cond3A_191:2 = scf.if %cond3A_190 -> (vector<16xf32>, vector<16xf32>) {
        %masked_sort3A = arith.constant dense<true> : vector<16xi1>
        %masked_sort3A_192, %masked_sort3A_193, %masked_sort3A_194 = tpu.sort %get3A_179, %get3A_179 masked %masked_sort3A : (vector<16xf32>, vector<16xf32>, vector<16xi1>) -> (vector<16xi1>, vector<16xf32>, vector<16xf32>)
        %max3A = arith.maximumf %scan3A_175, %masked_sort3A_193 : vector<16xf32>
        %masked_sort3A_195 = arith.constant dense<true> : vector<16xi1>
        %masked_sort3A_196, %masked_sort3A_197, %masked_sort3A_198 = tpu.sort %max3A, %max3A masked %masked_sort3A_195 {descending = true} : (vector<16xf32>, vector<16xf32>, vector<16xi1>) -> (vector<16xi1>, vector<16xf32>, vector<16xf32>)
        %lt3A_199 = arith.constant 0 : i32
        %lt3A_200 = vector.broadcast %lt3A_199 : i32 to vector<16xi32>
        %lt3A_201 = arith.cmpi slt, %broadcast_in_dim3A_1, %lt3A_200 : vector<16xi32>
        %add3A_202 = arith.constant 16 : i32
        %add3A_203 = vector.broadcast %add3A_202 : i32 to vector<16xi32>
        %add3A_204 = arith.addi %broadcast_in_dim3A_1, %add3A_203 : vector<16xi32>
        %select_n3A_205 = arith.select %lt3A_201, %add3A_204, %broadcast_in_dim3A_1 : vector<16xi1>, vector<16xi32>
        %broadcast_in_dim3A_206 = vector.shape_cast %select_n3A_205 : vector<16xi32> to vector<16x1xi32>
        %gather3A_207 = vector.shape_cast %broadcast_in_dim3A_206 : vector<16x1xi32> to vector<16xi32>
        %gather3A_208 = tpu.dynamic_gather %masked_sort3A_197[%gather3A_207] in [0] : vector<16xf32>, vector<16xi32> -> vector<16xf32>
        scf.yield %masked_sort3A_197, %gather3A_208 : vector<16xf32>, vector<16xf32>
      } else {
        scf.yield %scan3A_175, %scan3A_176 : vector<16xf32>, vector<16xf32>
      }
      scf.yield %cond3A_191#0, %cond3A_191#1 : vector<16xf32>, vector<16xf32>
    }
    %scan3A_150 = arith.constant 256 : i32
    %scan3A_151 = arith.constant 0 : i32
    %scan3A_152 = arith.constant 256 : i32
    %scan3A_153 = arith.addi %scan3A_151, %scan3A_152 : i32
    %scan3A_154 = arith.constant 1 : i32
    %scan3A_155 = scf.for %scan3A_174 = %scan3A_151 to %scan3A_153 step %scan3A_154 iter_args(%scan3A_175 = %broadcast_in_dim3A_142) -> (vector<16xf32>)  : i32 {
      %mul3A_176 = arith.constant 16 : i32
      %mul3A_177 = arith.muli %scan3A_174, %mul3A_176 : i32
      %get3A = arith.index_cast %mul3A_177 : i32 to index
      %get3A_178 = tpu.vector_load %arg6[%get3A] {strides = array<i32>} : memref<4096xf32, #tpu.memory_space<vmem>>, vector<16xf32>,
      %ge3A = arith.cmpf oge, %get3A_178, %scan3A_149#1 : vector<16xf32>
      %reduce_or3A = arith.constant 1.000000e+00 : f32
      %reduce_or3A_179 = arith.constant 0.000000e+00 : f32
      %reduce_or3A_180 = vector.broadcast %reduce_or3A : f32 to vector<16xf32>
      %reduce_or3A_181 = vector.broadcast %reduce_or3A_179 : f32 to vector<16xf32>
      %reduce_or3A_182 = arith.select %ge3A, %reduce_or3A_180, %reduce_or3A_181 : vector<16xi1>, vector<16xf32>
      %reduce_or3A_183 = arith.constant true
      %reduce_or3A_184 = vector.broadcast %reduce_or3A_183 : i1 to vector<16xi1>
      %reduce_or3A_185 = tpu.scan <max>, %reduce_or3A_182 masked %reduce_or3A_184 : vector<16xf32>, vector<16xi1> -> vector<16xf32>
      %reduce_or3A_186 = vector.extract %reduce_or3A_185[15] : f32 from vector<16xf32>
      %reduce_or3A_187 = arith.constant 0.000000e+00 : f32
      %reduce_or3A_188 = arith.cmpf ogt, %reduce_or3A_186, %reduce_or3A_187 : f32
      %convert_element_type3A = arith.extui %reduce_or3A_188 : i1 to i32
      %cond3A = arith.constant 0 : i32
      %cond3A_189 = arith.cmpi ne, %convert_element_type3A, %cond3A : i32
      %cond3A_190 = scf.if %cond3A_189 -> (vector<16xf32>) {
        %mul3A_191 = arith.constant 128 : i32
        %mul3A_192 = arith.muli %scan3A_174, %mul3A_191 : i32
        %add3A_193 = arith.constant 0 : i32
        %add3A_194 = arith.addi %mul3A_192, %add3A_193 : i32
        %get3A_195 = arith.index_cast %add3A_194 : i32 to index
        %get3A_196 = tpu.vector_load %arg4[%get3A_195] {strides = array<i32>} : memref<32768xf32, #tpu.memory_space<vmem>>, vector<16xf32>,
        %masked_sort3A = arith.constant dense<true> : vector<16xi1>
        %masked_sort3A_197, %masked_sort3A_198, %masked_sort3A_199 = tpu.sort %get3A_196, %get3A_196 masked %masked_sort3A : (vector<16xf32>, vector<16xf32>, vector<16xi1>) -> (vector<16xi1>, vector<16xf32>, vector<16xf32>)
        %max3A = arith.maximumf %scan3A_175, %masked_sort3A_198 : vector<16xf32>
        %masked_sort3A_200 = arith.constant dense<true> : vector<16xi1>
        %masked_sort3A_201, %masked_sort3A_202, %masked_sort3A_203 = tpu.sort %max3A, %max3A masked %masked_sort3A_200 {descending = true} : (vector<16xf32>, vector<16xf32>, vector<16xi1>) -> (vector<16xi1>, vector<16xf32>, vector<16xf32>)
        %add3A_204 = arith.constant 16 : i32
        %add3A_205 = arith.addi %mul3A_192, %add3A_204 : i32
        %get3A_206 = arith.index_cast %add3A_205 : i32 to index
        %get3A_207 = tpu.vector_load %arg4[%get3A_206] {strides = array<i32>} : memref<32768xf32, #tpu.memory_space<vmem>>, vector<16xf32>,
        %masked_sort3A_208 = arith.constant dense<true> : vector<16xi1>
        %masked_sort3A_209, %masked_sort3A_210, %masked_sort3A_211 = tpu.sort %get3A_207, %get3A_207 masked %masked_sort3A_208 : (vector<16xf32>, vector<16xf32>, vector<16xi1>) -> (vector<16xi1>, vector<16xf32>, vector<16xf32>)
        %max3A_212 = arith.maximumf %masked_sort3A_202, %masked_sort3A_210 : vector<16xf32>
        %masked_sort3A_213 = arith.constant dense<true> : vector<16xi1>
        %masked_sort3A_214, %masked_sort3A_215, %masked_sort3A_216 = tpu.sort %max3A_212, %max3A_212 masked %masked_sort3A_213 {descending = true} : (vector<16xf32>, vector<16xf32>, vector<16xi1>) -> (vector<16xi1>, vector<16xf32>, vector<16xf32>)
        %add3A_217 = arith.constant 32 : i32
        %add3A_218 = arith.addi %mul3A_192, %add3A_217 : i32
        %get3A_219 = arith.index_cast %add3A_218 : i32 to index
        %get3A_220 = tpu.vector_load %arg4[%get3A_219] {strides = array<i32>} : memref<32768xf32, #tpu.memory_space<vmem>>, vector<16xf32>,
        %masked_sort3A_221 = arith.constant dense<true> : vector<16xi1>
        %masked_sort3A_222, %masked_sort3A_223, %masked_sort3A_224 = tpu.sort %get3A_220, %get3A_220 masked %masked_sort3A_221 : (vector<16xf32>, vector<16xf32>, vector<16xi1>) -> (vector<16xi1>, vector<16xf32>, vector<16xf32>)
        %max3A_225 = arith.maximumf %masked_sort3A_215, %masked_sort3A_223 : vector<16xf32>
        %masked_sort3A_226 = arith.constant dense<true> : vector<16xi1>
        %masked_sort3A_227, %masked_sort3A_228, %masked_sort3A_229 = tpu.sort %max3A_225, %max3A_225 masked %masked_sort3A_226 {descending = true} : (vector<16xf32>, vector<16xf32>, vector<16xi1>) -> (vector<16xi1>, vector<16xf32>, vector<16xf32>)
        %add3A_230 = arith.constant 48 : i32
        %add3A_231 = arith.addi %mul3A_192, %add3A_230 : i32
        %get3A_232 = arith.index_cast %add3A_231 : i32 to index
        %get3A_233 = tpu.vector_load %arg4[%get3A_232] {strides = array<i32>} : memref<32768xf32, #tpu.memory_space<vmem>>, vector<16xf32>,
        %masked_sort3A_234 = arith.constant dense<true> : vector<16xi1>
        %masked_sort3A_235, %masked_sort3A_236, %masked_sort3A_237 = tpu.sort %get3A_233, %get3A_233 masked %masked_sort3A_234 : (vector<16xf32>, vector<16xf32>, vector<16xi1>) -> (vector<16xi1>, vector<16xf32>, vector<16xf32>)
        %max3A_238 = arith.maximumf %masked_sort3A_228, %masked_sort3A_236 : vector<16xf32>
        %masked_sort3A_239 = arith.constant dense<true> : vector<16xi1>
        %masked_sort3A_240, %masked_sort3A_241, %masked_sort3A_242 = tpu.sort %max3A_238, %max3A_238 masked %masked_sort3A_239 {descending = true} : (vector<16xf32>, vector<16xf32>, vector<16xi1>) -> (vector<16xi1>, vector<16xf32>, vector<16xf32>)
        %add3A_243 = arith.constant 64 : i32
        %add3A_244 = arith.addi %mul3A_192, %add3A_243 : i32
        %get3A_245 = arith.index_cast %add3A_244 : i32 to index
        %get3A_246 = tpu.vector_load %arg4[%get3A_245] {strides = array<i32>} : memref<32768xf32, #tpu.memory_space<vmem>>, vector<16xf32>,
        %masked_sort3A_247 = arith.constant dense<true> : vector<16xi1>
        %masked_sort3A_248, %masked_sort3A_249, %masked_sort3A_250 = tpu.sort %get3A_246, %get3A_246 masked %masked_sort3A_247 : (vector<16xf32>, vector<16xf32>, vector<16xi1>) -> (vector<16xi1>, vector<16xf32>, vector<16xf32>)
        %max3A_251 = arith.maximumf %masked_sort3A_241, %masked_sort3A_249 : vector<16xf32>
        %masked_sort3A_252 = arith.constant dense<true> : vector<16xi1>
        %masked_sort3A_253, %masked_sort3A_254, %masked_sort3A_255 = tpu.sort %max3A_251, %max3A_251 masked %masked_sort3A_252 {descending = true} : (vector<16xf32>, vector<16xf32>, vector<16xi1>) -> (vector<16xi1>, vector<16xf32>, vector<16xf32>)
        %add3A_256 = arith.constant 80 : i32
        %add3A_257 = arith.addi %mul3A_192, %add3A_256 : i32
        %get3A_258 = arith.index_cast %add3A_257 : i32 to index
        %get3A_259 = tpu.vector_load %arg4[%get3A_258] {strides = array<i32>} : memref<32768xf32, #tpu.memory_space<vmem>>, vector<16xf32>,
        %masked_sort3A_260 = arith.constant dense<true> : vector<16xi1>
        %masked_sort3A_261, %masked_sort3A_262, %masked_sort3A_263 = tpu.sort %get3A_259, %get3A_259 masked %masked_sort3A_260 : (vector<16xf32>, vector<16xf32>, vector<16xi1>) -> (vector<16xi1>, vector<16xf32>, vector<16xf32>)
        %max3A_264 = arith.maximumf %masked_sort3A_254, %masked_sort3A_262 : vector<16xf32>
        %masked_sort3A_265 = arith.constant dense<true> : vector<16xi1>
        %masked_sort3A_266, %masked_sort3A_267, %masked_sort3A_268 = tpu.sort %max3A_264, %max3A_264 masked %masked_sort3A_265 {descending = true} : (vector<16xf32>, vector<16xf32>, vector<16xi1>) -> (vector<16xi1>, vector<16xf32>, vector<16xf32>)
        %add3A_269 = arith.constant 96 : i32
        %add3A_270 = arith.addi %mul3A_192, %add3A_269 : i32
        %get3A_271 = arith.index_cast %add3A_270 : i32 to index
        %get3A_272 = tpu.vector_load %arg4[%get3A_271] {strides = array<i32>} : memref<32768xf32, #tpu.memory_space<vmem>>, vector<16xf32>,
        %masked_sort3A_273 = arith.constant dense<true> : vector<16xi1>
        %masked_sort3A_274, %masked_sort3A_275, %masked_sort3A_276 = tpu.sort %get3A_272, %get3A_272 masked %masked_sort3A_273 : (vector<16xf32>, vector<16xf32>, vector<16xi1>) -> (vector<16xi1>, vector<16xf32>, vector<16xf32>)
        %max3A_277 = arith.maximumf %masked_sort3A_267, %masked_sort3A_275 : vector<16xf32>
        %masked_sort3A_278 = arith.constant dense<true> : vector<16xi1>
        %masked_sort3A_279, %masked_sort3A_280, %masked_sort3A_281 = tpu.sort %max3A_277, %max3A_277 masked %masked_sort3A_278 {descending = true} : (vector<16xf32>, vector<16xf32>, vector<16xi1>) -> (vector<16xi1>, vector<16xf32>, vector<16xf32>)
        %add3A_282 = arith.constant 112 : i32
        %add3A_283 = arith.addi %mul3A_192, %add3A_282 : i32
        %get3A_284 = arith.index_cast %add3A_283 : i32 to index
        %get3A_285 = tpu.vector_load %arg4[%get3A_284] {strides = array<i32>} : memref<32768xf32, #tpu.memory_space<vmem>>, vector<16xf32>,
        %masked_sort3A_286 = arith.constant dense<true> : vector<16xi1>
        %masked_sort3A_287, %masked_sort3A_288, %masked_sort3A_289 = tpu.sort %get3A_285, %get3A_285 masked %masked_sort3A_286 : (vector<16xf32>, vector<16xf32>, vector<16xi1>) -> (vector<16xi1>, vector<16xf32>, vector<16xf32>)
        %max3A_290 = arith.maximumf %masked_sort3A_280, %masked_sort3A_288 : vector<16xf32>
        %masked_sort3A_291 = arith.constant dense<true> : vector<16xi1>
        %masked_sort3A_292, %masked_sort3A_293, %masked_sort3A_294 = tpu.sort %max3A_290, %max3A_290 masked %masked_sort3A_291 {descending = true} : (vector<16xf32>, vector<16xf32>, vector<16xi1>) -> (vector<16xi1>, vector<16xf32>, vector<16xf32>)
        scf.yield %masked_sort3A_293 : vector<16xf32>
      } else {
        scf.yield %scan3A_175 : vector<16xf32>
      }
      scf.yield %cond3A_190 : vector<16xf32>
    }
    %scan3A_156 = arith.constant 256 : i32
    %lt3A_157 = arith.constant 0 : i32
    %lt3A_158 = vector.broadcast %lt3A_157 : i32 to vector<16xi32>
    %lt3A_159 = arith.cmpi slt, %broadcast_in_dim3A_1, %lt3A_158 : vector<16xi32>
    %add3A_160 = arith.constant 16 : i32
    %add3A_161 = vector.broadcast %add3A_160 : i32 to vector<16xi32>
    %add3A_162 = arith.addi %broadcast_in_dim3A_1, %add3A_161 : vector<16xi32>
    %select_n3A_163 = arith.select %lt3A_159, %add3A_162, %broadcast_in_dim3A_1 : vector<16xi1>, vector<16xi32>
    %broadcast_in_dim3A_164 = vector.shape_cast %select_n3A_163 : vector<16xi32> to vector<16x1xi32>
    %gather3A_165 = vector.shape_cast %broadcast_in_dim3A_164 : vector<16x1xi32> to vector<16xi32>
    %gather3A_166 = tpu.dynamic_gather %scan3A_155[%gather3A_165] in [0] : vector<16xf32>, vector<16xi32> -> vector<16xf32>
    %scan3A_167 = arith.constant 0 : i32
    %scan3A_168 = arith.constant 0 : i32
    %scan3A_169 = arith.constant 256 : i32
    %scan3A_170 = arith.addi %scan3A_168, %scan3A_169 : i32
    %scan3A_171 = arith.constant 1 : i32
    %scan3A_172 = scf.for %scan3A_174 = %scan3A_168 to %scan3A_170 step %scan3A_171 iter_args(%scan3A_175 = %scan3A_167) -> (i32)  : i32 {
      %mul3A_176 = arith.constant 128 : i32
      %mul3A_177 = arith.muli %scan3A_174, %mul3A_176 : i32
      %add3A_178 = arith.constant 0 : i32
      %add3A_179 = arith.addi %mul3A_177, %add3A_178 : i32
      %get3A = arith.index_cast %add3A_179 : i32 to index
      %get3A_180 = tpu.vector_load %arg4[%get3A] {strides = array<i32>} : memref<32768xf32, #tpu.memory_space<vmem>>, vector<16xf32>,
      %ge3A = arith.cmpf oge, %get3A_180, %gather3A_166 : vector<16xf32>
      %jit3A = arith.constant 1.000000e+00 : f32
      %jit3A_181 = arith.constant 0.000000e+00 : f32
      %broadcast_in_dim3A_182 = vector.broadcast %jit3A : f32 to vector<16xf32>
      %broadcast_in_dim3A_183 = vector.broadcast %jit3A_181 : f32 to vector<16xf32>
      %select_n3A_184 = arith.select %ge3A, %broadcast_in_dim3A_182, %broadcast_in_dim3A_183 : vector<16xi1>, vector<16xf32>
      %swap3A = arith.index_cast %add3A_179 : i32 to index
      %swap3A_185 = tpu.vector_load %arg5[%swap3A] {strides = array<i32>} : memref<32768xf32, #tpu.memory_space<vmem>>, vector<16xf32>,
      tpu.vector_store %arg5[%swap3A], %select_n3A_184 {strides = array<i32>} : memref<32768xf32, #tpu.memory_space<vmem>>, vector<16xf32>,
      %add3A_186 = arith.constant 16 : i32
      %add3A_187 = arith.addi %mul3A_177, %add3A_186 : i32
      %get3A_188 = arith.index_cast %add3A_187 : i32 to index
      %get3A_189 = tpu.vector_load %arg4[%get3A_188] {strides = array<i32>} : memref<32768xf32, #tpu.memory_space<vmem>>, vector<16xf32>,
      %ge3A_190 = arith.cmpf oge, %get3A_189, %gather3A_166 : vector<16xf32>
      %jit3A_191 = arith.constant 1.000000e+00 : f32
      %jit3A_192 = arith.constant 0.000000e+00 : f32
      %broadcast_in_dim3A_193 = vector.broadcast %jit3A_191 : f32 to vector<16xf32>
      %broadcast_in_dim3A_194 = vector.broadcast %jit3A_192 : f32 to vector<16xf32>
      %select_n3A_195 = arith.select %ge3A_190, %broadcast_in_dim3A_193, %broadcast_in_dim3A_194 : vector<16xi1>, vector<16xf32>
      %swap3A_196 = arith.index_cast %add3A_187 : i32 to index
      %swap3A_197 = tpu.vector_load %arg5[%swap3A_196] {strides = array<i32>} : memref<32768xf32, #tpu.memory_space<vmem>>, vector<16xf32>,
      tpu.vector_store %arg5[%swap3A_196], %select_n3A_195 {strides = array<i32>} : memref<32768xf32, #tpu.memory_space<vmem>>, vector<16xf32>,
      %add3A_198 = arith.constant 32 : i32
      %add3A_199 = arith.addi %mul3A_177, %add3A_198 : i32
      %get3A_200 = arith.index_cast %add3A_199 : i32 to index
      %get3A_201 = tpu.vector_load %arg4[%get3A_200] {strides = array<i32>} : memref<32768xf32, #tpu.memory_space<vmem>>, vector<16xf32>,
      %ge3A_202 = arith.cmpf oge, %get3A_201, %gather3A_166 : vector<16xf32>
      %jit3A_203 = arith.constant 1.000000e+00 : f32
      %jit3A_204 = arith.constant 0.000000e+00 : f32
      %broadcast_in_dim3A_205 = vector.broadcast %jit3A_203 : f32 to vector<16xf32>
      %broadcast_in_dim3A_206 = vector.broadcast %jit3A_204 : f32 to vector<16xf32>
      %select_n3A_207 = arith.select %ge3A_202, %broadcast_in_dim3A_205, %broadcast_in_dim3A_206 : vector<16xi1>, vector<16xf32>
      %swap3A_208 = arith.index_cast %add3A_199 : i32 to index
      %swap3A_209 = tpu.vector_load %arg5[%swap3A_208] {strides = array<i32>} : memref<32768xf32, #tpu.memory_space<vmem>>, vector<16xf32>,
      tpu.vector_store %arg5[%swap3A_208], %select_n3A_207 {strides = array<i32>} : memref<32768xf32, #tpu.memory_space<vmem>>, vector<16xf32>,
      %add3A_210 = arith.constant 48 : i32
      %add3A_211 = arith.addi %mul3A_177, %add3A_210 : i32
      %get3A_212 = arith.index_cast %add3A_211 : i32 to index
      %get3A_213 = tpu.vector_load %arg4[%get3A_212] {strides = array<i32>} : memref<32768xf32, #tpu.memory_space<vmem>>, vector<16xf32>,
      %ge3A_214 = arith.cmpf oge, %get3A_213, %gather3A_166 : vector<16xf32>
      %jit3A_215 = arith.constant 1.000000e+00 : f32
      %jit3A_216 = arith.constant 0.000000e+00 : f32
      %broadcast_in_dim3A_217 = vector.broadcast %jit3A_215 : f32 to vector<16xf32>
      %broadcast_in_dim3A_218 = vector.broadcast %jit3A_216 : f32 to vector<16xf32>
      %select_n3A_219 = arith.select %ge3A_214, %broadcast_in_dim3A_217, %broadcast_in_dim3A_218 : vector<16xi1>, vector<16xf32>
      %swap3A_220 = arith.index_cast %add3A_211 : i32 to index
      %swap3A_221 = tpu.vector_load %arg5[%swap3A_220] {strides = array<i32>} : memref<32768xf32, #tpu.memory_space<vmem>>, vector<16xf32>,
      tpu.vector_store %arg5[%swap3A_220], %select_n3A_219 {strides = array<i32>} : memref<32768xf32, #tpu.memory_space<vmem>>, vector<16xf32>,
      %add3A_222 = arith.constant 64 : i32
      %add3A_223 = arith.addi %mul3A_177, %add3A_222 : i32
      %get3A_224 = arith.index_cast %add3A_223 : i32 to index
      %get3A_225 = tpu.vector_load %arg4[%get3A_224] {strides = array<i32>} : memref<32768xf32, #tpu.memory_space<vmem>>, vector<16xf32>,
      %ge3A_226 = arith.cmpf oge, %get3A_225, %gather3A_166 : vector<16xf32>
      %jit3A_227 = arith.constant 1.000000e+00 : f32
      %jit3A_228 = arith.constant 0.000000e+00 : f32
      %broadcast_in_dim3A_229 = vector.broadcast %jit3A_227 : f32 to vector<16xf32>
      %broadcast_in_dim3A_230 = vector.broadcast %jit3A_228 : f32 to vector<16xf32>
      %select_n3A_231 = arith.select %ge3A_226, %broadcast_in_dim3A_229, %broadcast_in_dim3A_230 : vector<16xi1>, vector<16xf32>
      %swap3A_232 = arith.index_cast %add3A_223 : i32 to index
      %swap3A_233 = tpu.vector_load %arg5[%swap3A_232] {strides = array<i32>} : memref<32768xf32, #tpu.memory_space<vmem>>, vector<16xf32>,
      tpu.vector_store %arg5[%swap3A_232], %select_n3A_231 {strides = array<i32>} : memref<32768xf32, #tpu.memory_space<vmem>>, vector<16xf32>,
      %add3A_234 = arith.constant 80 : i32
      %add3A_235 = arith.addi %mul3A_177, %add3A_234 : i32
      %get3A_236 = arith.index_cast %add3A_235 : i32 to index
      %get3A_237 = tpu.vector_load %arg4[%get3A_236] {strides = array<i32>} : memref<32768xf32, #tpu.memory_space<vmem>>, vector<16xf32>,
      %ge3A_238 = arith.cmpf oge, %get3A_237, %gather3A_166 : vector<16xf32>
      %jit3A_239 = arith.constant 1.000000e+00 : f32
      %jit3A_240 = arith.constant 0.000000e+00 : f32
      %broadcast_in_dim3A_241 = vector.broadcast %jit3A_239 : f32 to vector<16xf32>
      %broadcast_in_dim3A_242 = vector.broadcast %jit3A_240 : f32 to vector<16xf32>
      %select_n3A_243 = arith.select %ge3A_238, %broadcast_in_dim3A_241, %broadcast_in_dim3A_242 : vector<16xi1>, vector<16xf32>
      %swap3A_244 = arith.index_cast %add3A_235 : i32 to index
      %swap3A_245 = tpu.vector_load %arg5[%swap3A_244] {strides = array<i32>} : memref<32768xf32, #tpu.memory_space<vmem>>, vector<16xf32>,
      tpu.vector_store %arg5[%swap3A_244], %select_n3A_243 {strides = array<i32>} : memref<32768xf32, #tpu.memory_space<vmem>>, vector<16xf32>,
      %add3A_246 = arith.constant 96 : i32
      %add3A_247 = arith.addi %mul3A_177, %add3A_246 : i32
      %get3A_248 = arith.index_cast %add3A_247 : i32 to index
      %get3A_249 = tpu.vector_load %arg4[%get3A_248] {strides = array<i32>} : memref<32768xf32, #tpu.memory_space<vmem>>, vector<16xf32>,
      %ge3A_250 = arith.cmpf oge, %get3A_249, %gather3A_166 : vector<16xf32>
      %jit3A_251 = arith.constant 1.000000e+00 : f32
      %jit3A_252 = arith.constant 0.000000e+00 : f32
      %broadcast_in_dim3A_253 = vector.broadcast %jit3A_251 : f32 to vector<16xf32>
      %broadcast_in_dim3A_254 = vector.broadcast %jit3A_252 : f32 to vector<16xf32>
      %select_n3A_255 = arith.select %ge3A_250, %broadcast_in_dim3A_253, %broadcast_in_dim3A_254 : vector<16xi1>, vector<16xf32>
      %swap3A_256 = arith.index_cast %add3A_247 : i32 to index
      %swap3A_257 = tpu.vector_load %arg5[%swap3A_256] {strides = array<i32>} : memref<32768xf32, #tpu.memory_space<vmem>>, vector<16xf32>,
      tpu.vector_store %arg5[%swap3A_256], %select_n3A_255 {strides = array<i32>} : memref<32768xf32, #tpu.memory_space<vmem>>, vector<16xf32>,
      %add3A_258 = arith.constant 112 : i32
      %add3A_259 = arith.addi %mul3A_177, %add3A_258 : i32
      %get3A_260 = arith.index_cast %add3A_259 : i32 to index
      %get3A_261 = tpu.vector_load %arg4[%get3A_260] {strides = array<i32>} : memref<32768xf32, #tpu.memory_space<vmem>>, vector<16xf32>,
      %ge3A_262 = arith.cmpf oge, %get3A_261, %gather3A_166 : vector<16xf32>
      %jit3A_263 = arith.constant 1.000000e+00 : f32
      %jit3A_264 = arith.constant 0.000000e+00 : f32
      %broadcast_in_dim3A_265 = vector.broadcast %jit3A_263 : f32 to vector<16xf32>
      %broadcast_in_dim3A_266 = vector.broadcast %jit3A_264 : f32 to vector<16xf32>
      %select_n3A_267 = arith.select %ge3A_262, %broadcast_in_dim3A_265, %broadcast_in_dim3A_266 : vector<16xi1>, vector<16xf32>
      %swap3A_268 = arith.index_cast %add3A_259 : i32 to index
      %swap3A_269 = tpu.vector_load %arg5[%swap3A_268] {strides = array<i32>} : memref<32768xf32, #tpu.memory_space<vmem>>, vector<16xf32>,
      tpu.vector_store %arg5[%swap3A_268], %select_n3A_267 {strides = array<i32>} : memref<32768xf32, #tpu.memory_space<vmem>>, vector<16xf32>,
      %scan3A_270 = arith.constant 0 : i32
      scf.yield %scan3A_270 : i32
    }
    %scan3A_173 = arith.constant 256 : i32
    "tpu.region"() ({
      %run_scoped3A = tpu.sem_alloc : memref<!tpu.dma_semaphore, #tpu.memory_space<semaphore_mem>>
      %dma_start3A = arith.constant 0 : i32
      %dma_start3A_174 = tpu.memref_slice %arg3[%add3A_133, %dma_start3A] : memref<128x32768xf32, #tpu.memory_space<hbm>> -> memref<1x32768xf32, #tpu.memory_space<hbm>>
      %dma_start3A_175 = tpu.memref_squeeze %dma_start3A_174 : memref<1x32768xf32, #tpu.memory_space<hbm>> -> memref<32768xf32, #tpu.memory_space<hbm>>
      %dma_start3A_176 = arith.constant 0 : i32
      %dma_start3A_177 = tpu.memref_slice %arg3[%add3A_133, %dma_start3A_176] : memref<128x32768xf32, #tpu.memory_space<hbm>> -> memref<1x32768xf32, #tpu.memory_space<hbm>>
      %dma_start3A_178 = tpu.memref_squeeze %dma_start3A_177 : memref<1x32768xf32, #tpu.memory_space<hbm>> -> memref<32768xf32, #tpu.memory_space<hbm>>
      tpu.enqueue_dma source(%arg5 : memref<32768xf32, #tpu.memory_space<vmem>>) target(%dma_start3A_178 : memref<32768xf32, #tpu.memory_space<hbm>>) target_semaphore(%run_scoped3A : memref<!tpu.dma_semaphore, #tpu.memory_space<semaphore_mem>>)
      %dma_wait3A = arith.constant 0 : i32
      %dma_wait3A_179 = tpu.memref_slice %arg3[%add3A_133, %dma_wait3A] : memref<128x32768xf32, #tpu.memory_space<hbm>> -> memref<1x32768xf32, #tpu.memory_space<hbm>>
      %dma_wait3A_180 = tpu.memref_squeeze %dma_wait3A_179 : memref<1x32768xf32, #tpu.memory_space<hbm>> -> memref<32768xf32, #tpu.memory_space<hbm>>
      %dma_wait3A_181 = arith.constant 0 : i32
      %dma_wait3A_182 = tpu.memref_slice %arg3[%add3A_133, %dma_wait3A_181] : memref<128x32768xf32, #tpu.memory_space<hbm>> -> memref<1x32768xf32, #tpu.memory_space<hbm>>
      %dma_wait3A_183 = tpu.memref_squeeze %dma_wait3A_182 : memref<1x32768xf32, #tpu.memory_space<hbm>> -> memref<32768xf32, #tpu.memory_space<hbm>>
      tpu.wait_dma2 semaphore(%run_scoped3A : memref<!tpu.dma_semaphore, #tpu.memory_space<semaphore_mem>>) src(%arg5 : memref<32768xf32, #tpu.memory_space<vmem>>) dst(%dma_wait3A_183 : memref<32768xf32, #tpu.memory_space<hbm>>)
      tpu.yield
    }) : () -> ()
    return
  }
}

module attributes {stable_mosaic.version = 14 : i64} {
  func.func @_soft_sub_kernel(%arg0: i32, %arg1: memref<32x32768xf32, #tpu.memory_space<vmem>>, %arg2: memref<32x32768xf32, #tpu.memory_space<vmem>>, %arg3: memref<32x32768xf32, #tpu.memory_space<vmem>>, %arg4: memref<32x32768xf32, #tpu.memory_space<vmem>>) attributes {dimension_semantics = [#tpu.dimension_semantics<arbitrary>], iteration_bounds = array<i64: 4>, scalar_prefetch = 0 : i64, scratch_operands = 1 : i64, tpu.core_type = #tpu.core_type<tc>, window_params = [{transform_indices = @transform_0, window_bounds = array<i64: 32, 32768>}, {transform_indices = @transform_1, window_bounds = array<i64: 32, 32768>}, {transform_indices = @transform_2, window_bounds = array<i64: 32, 32768>}]} {
    %get3A = arith.constant 0 : index
    %get3A_0 = arith.constant 0 : index
    %get3A_1 = vector.load %arg1[%get3A, %get3A_0] : memref<32x32768xf32, #tpu.memory_space<vmem>>, vector<32x32768xf32>
    %get3A_2 = arith.constant 0 : index
    %get3A_3 = arith.constant 0 : index
    %get3A_4 = vector.load %arg2[%get3A_2, %get3A_3] : memref<32x32768xf32, #tpu.memory_space<vmem>>, vector<32x32768xf32>
    %add3A = arith.addf %get3A_1, %get3A_4 : vector<32x32768xf32>
    %swap3A = arith.constant 0 : index
    %swap3A_5 = arith.constant 0 : index
    %swap3A_6 = vector.load %arg4[%swap3A, %swap3A_5] : memref<32x32768xf32, #tpu.memory_space<vmem>>, vector<32x32768xf32>
    tpu.vector_store %arg4[%swap3A, %swap3A_5], %add3A {strides = array<i32>} : memref<32x32768xf32, #tpu.memory_space<vmem>>, vector<32x32768xf32>,
    %broadcast_in_dim3A = arith.constant 0.000000e+00 : f32
    %broadcast_in_dim3A_7 = vector.broadcast %broadcast_in_dim3A : f32 to vector<32x32768xf32>
    %swap3A_8 = arith.constant 0 : index
    %swap3A_9 = arith.constant 0 : index
    %swap3A_10 = vector.load %arg3[%swap3A_8, %swap3A_9] : memref<32x32768xf32, #tpu.memory_space<vmem>>, vector<32x32768xf32>
    tpu.vector_store %arg3[%swap3A_8, %swap3A_9], %broadcast_in_dim3A_7 {strides = array<i32>} : memref<32x32768xf32, #tpu.memory_space<vmem>>, vector<32x32768xf32>,
    %reduce_max3A = arith.constant dense<0xFF800000> : vector<32xf32>
    %reduce_max3A_11 = vector.multi_reduction <maximumf>, %add3A, %reduce_max3A [1] : vector<32x32768xf32> to vector<32xf32>
    %broadcast_in_dim3A_12 = vector.shape_cast %reduce_max3A_11 : vector<32xf32> to vector<32x1xf32>
    %scan3A = arith.constant 0 : i32
    %scan3A_13 = arith.constant 16 : i32
    %scan3A_14 = arith.addi %scan3A, %scan3A_13 : i32
    %scan3A_15 = arith.constant 1 : i32
    %scan3A_16 = scf.for %scan3A_17 = %scan3A to %scan3A_14 step %scan3A_15 iter_args(%scan3A_18 = %broadcast_in_dim3A_12) -> (vector<32x1xf32>)  : i32 {
      %div3A = arith.constant 1.000000e-01 : f32
      %div3A_19 = vector.broadcast %div3A : f32 to vector<32x1xf32>
      %div3A_20 = arith.divf %scan3A_18, %div3A_19 : vector<32x1xf32>
      %get3A_21 = arith.constant 0 : index
      %get3A_22 = arith.constant 0 : index
      %get3A_23 = vector.load %arg4[%get3A_21, %get3A_22] : memref<32x32768xf32, #tpu.memory_space<vmem>>, vector<32x32768xf32>
      %div3A_24 = arith.constant 1.000000e-01 : f32
      %div3A_25 = vector.broadcast %div3A_24 : f32 to vector<32x32768xf32>
      %div3A_26 = arith.divf %get3A_23, %div3A_25 : vector<32x32768xf32>
      %sub3A = vector.broadcast %div3A_20 : vector<32x1xf32> to vector<32x32768xf32>
      %sub3A_27 = arith.subf %div3A_26, %sub3A : vector<32x32768xf32>
      %exp3A = math.exp %sub3A_27 : vector<32x32768xf32>
      %reduce_sum3A = arith.constant dense<0.000000e+00> : vector<32xf32>
      %reduce_sum3A_28 = vector.multi_reduction <add>, %exp3A, %reduce_sum3A [1] : vector<32x32768xf32> to vector<32xf32>
      %broadcast_in_dim3A_29 = vector.shape_cast %reduce_sum3A_28 : vector<32xf32> to vector<32x1xf32>
      %div3A_30 = arith.constant 1.000000e+00 : f32
      %div3A_31 = vector.broadcast %div3A_30 : f32 to vector<32x1xf32>
      %div3A_32 = arith.divf %div3A_31, %broadcast_in_dim3A_29 : vector<32x1xf32>
      %get3A_33 = arith.constant 0 : index
      %get3A_34 = arith.constant 0 : index
      %get3A_35 = vector.load %arg4[%get3A_33, %get3A_34] : memref<32x32768xf32, #tpu.memory_space<vmem>>, vector<32x32768xf32>
      %div3A_36 = arith.constant 1.000000e-01 : f32
      %div3A_37 = vector.broadcast %div3A_36 : f32 to vector<32x32768xf32>
      %div3A_38 = arith.divf %get3A_35, %div3A_37 : vector<32x32768xf32>
      %sub3A_39 = vector.broadcast %div3A_20 : vector<32x1xf32> to vector<32x32768xf32>
      %sub3A_40 = arith.subf %div3A_38, %sub3A_39 : vector<32x32768xf32>
      %exp3A_41 = math.exp %sub3A_40 : vector<32x32768xf32>
      %mul3A = vector.broadcast %div3A_32 : vector<32x1xf32> to vector<32x32768xf32>
      %mul3A_42 = arith.mulf %exp3A_41, %mul3A : vector<32x32768xf32>
      %get3A_43 = arith.constant 0 : index
      %get3A_44 = arith.constant 0 : index
      %get3A_45 = vector.load %arg3[%get3A_43, %get3A_44] : memref<32x32768xf32, #tpu.memory_space<vmem>>, vector<32x32768xf32>
      %add3A_46 = arith.addf %get3A_45, %mul3A_42 : vector<32x32768xf32>
      %swap3A_47 = arith.constant 0 : index
      %swap3A_48 = arith.constant 0 : index
      %swap3A_49 = vector.load %arg3[%swap3A_47, %swap3A_48] : memref<32x32768xf32, #tpu.memory_space<vmem>>, vector<32x32768xf32>
      tpu.vector_store %arg3[%swap3A_47, %swap3A_48], %add3A_46 {strides = array<i32>} : memref<32x32768xf32, #tpu.memory_space<vmem>>, vector<32x32768xf32>,
      %sub3A_50 = arith.constant 1.000000e+00 : f32
      %sub3A_51 = vector.broadcast %sub3A_50 : f32 to vector<32x32768xf32>
      %sub3A_52 = arith.subf %sub3A_51, %mul3A_42 : vector<32x32768xf32>
      %jit3A = arith.constant 1.1920929E-7 : f32
      %jit3A_53 = arith.constant 0.99999988 : f32
      %max3A = vector.broadcast %jit3A : f32 to vector<32x32768xf32>
      %max3A_54 = arith.maximumf %max3A, %sub3A_52 : vector<32x32768xf32>
      %min3A = vector.broadcast %jit3A_53 : f32 to vector<32x32768xf32>
      %min3A_55 = arith.minimumf %min3A, %max3A_54 : vector<32x32768xf32>
      %log3A = math.log %min3A_55 : vector<32x32768xf32>
      %add3A_56 = arith.addf %get3A_35, %log3A : vector<32x32768xf32>
      %swap3A_57 = arith.constant 0 : index
      %swap3A_58 = arith.constant 0 : index
      %swap3A_59 = vector.load %arg4[%swap3A_57, %swap3A_58] : memref<32x32768xf32, #tpu.memory_space<vmem>>, vector<32x32768xf32>
      tpu.vector_store %arg4[%swap3A_57, %swap3A_58], %add3A_56 {strides = array<i32>} : memref<32x32768xf32, #tpu.memory_space<vmem>>, vector<32x32768xf32>,
      %reduce_max3A_60 = arith.constant dense<0xFF800000> : vector<32xf32>
      %reduce_max3A_61 = vector.multi_reduction <maximumf>, %add3A_56, %reduce_max3A_60 [1] : vector<32x32768xf32> to vector<32xf32>
      %broadcast_in_dim3A_62 = vector.shape_cast %reduce_max3A_61 : vector<32xf32> to vector<32x1xf32>
      scf.yield %broadcast_in_dim3A_62 : vector<32x1xf32>
    }
    return
  }
  func.func @transform_0(%arg0: i32) -> (i32, i32) {
    %c0_i32 = arith.constant 0 : i32
    %c0_i32_0 = arith.constant 0 : i32
    return %arg0, %c0_i32 : i32, i32
  }
  func.func @transform_1(%arg0: i32) -> (i32, i32) {
    %c0_i32 = arith.constant 0 : i32
    %c0_i32_0 = arith.constant 0 : i32
    return %arg0, %c0_i32 : i32, i32
  }
  func.func @transform_2(%arg0: i32) -> (i32, i32) {
    %c0_i32 = arith.constant 0 : i32
    %c0_i32_0 = arith.constant 0 : i32
    return %arg0, %c0_i32 : i32, i32
  }
}

</mosaic_0001>

<sc_bundles>
// kernel: kernel.4.cloned.1.call-start
scs
__scs_entry_jumppad:
0x0: {  	(pc) =	sbr.rel $0x88, $3  }
0x1: {  	(tag) =	ssettag $0x0;
	lr =	simm.s32 $0x1  }
0x2: {  	[smem:$0x3FA0] =	sst lr;
	_ =	strace $0xD0000000  }
0x3: {  	_ = 	snop  }
0x4: {  	_ = 	snop  }
0x5: {  	_ = 	snop  }
0x6: {  	_ = 	snop  }
0x7: {  	_ = 	snop  }
__scs_overlays_trampoline_lowered:
0x8: {  	[smem:$0x3FAF] =	sst s0  }
0x9: {  	[smem:$0x3FB0] =	sst s1  }
0xa: {  	[smem:$0x3FB1] =	sst s2  }
0xb: {  	[smem:$0x3FB2] =	sst s3  }
0xc: {  	[smem:$0x3FB3] =	sst s4  }
0xd: {  	[smem:$0x3FB4] =	sst s5  }
0xe: {  	[smem:$0x3FB5] =	sst s6  }
0xf: {  	[smem:$0x3FB6] =	sst s7  }
0x10: {  	[smem:$0x3FB7] =	sst s8  }
0x11: {  	[smem:$0x3FB8] =	sst s9;
	s0 =	simm.s32 @!p0 $0x0  }
0x12: {  	s1 =	sld [smem:$0x3F9E];
	s0 =	simm.s32 @p0 $0x1  }
0x13: {  	[smem:$0x3FB9] =	sst s0;
	s0 =	simm.s32 @!p1 $0x0  }
0x14: {  	s2 =	sld [smem:$0x3F9D];
	s0 =	simm.s32 @p1 $0x1  }
0x15: {  	[smem:$0x3FBA] =	sst s0;
	s0 =	simm.s32 @!p2 $0x0  }
0x16: {  	s3 =	sld [smem:$0x3FDB];
	s0 =	simm.s32 @p2 $0x1  }
0x17: {  	s4 =	simm.s32 $0x1BF5;
	[smem:$0x3FBC] =	sst s0  }
0x18: {  	s0 =	sld [smem:$0x3F9F];
	_ =	swait.ge [sflag:s4], $0x0  }
0x19: {  	s7 =	sld [smem:$0x3FA0]  }
0x1a: {  	s8 =	sadd.s32 $0xFFFFE003, lr  }
0x1b: {  	s9 =	sadd.s32 $0xFFFFFEF7, lr;
	s5 =	simm.s32 $0xFFFFFFFF;
	p2 =	slt.u32 s8, $0xFFFFF086  }
0x1c: {  	p1 =	slt.u32 s9, $0xF7A;
	s5 =	simm.s32 @!p2 $0x0  }
0x1d: {  	s5 =	simm.s32 @p1 $0x1;
	p0 =	seq.s32 s7, s2  }
0x1e: {  	s7 =	smul.u32 @!p0 $0xF7A, s2;
	p2 =	seq.s32 @!p0 s5, $0x0  }
0x1f: {  	s9 =	smul.u32 $0xF7A, s1;
	s8 =	simm.s32 @!p0 $0x1BF5;
	p2 =	por !p2, p0  }
0x20: {  	[sflag:s8] =	ssyncset.s32 @!p0 $0xFFFFF086;
	s6 =	sadd.s32 @!p0 s3, s7;
	s7 =	simm.s32 @!p0 $0x108  }
0x21: {  	s3 =	sadd.s32 s3, s9;
	s6 =	sadd.s32 @!p0 $0x88, s6;
	s7 =	simm.s32 @p2 $0x1082  }
0x22: {  	[simem:s7], [sflag:s8] =	dma.local @!p0 [hbm:s6], $0xF7A  }
0x23: {  	s9 =	sor.u32 $0xD0000000, s2;
	s6 =	simm.s32 $0x108;
	_ =	swait.ge @!p0 [sflag:s8], $0x0  }
0x24: {  	s3 =	sadd.s32 $0x88, s3;
	s6 =	simm.s32 @!p1 $0x1082;
	[sflag:s4] =	ssyncset.s32 $0xFFFFF086  }
0x25: {  	[simem:s6], [sflag:s4] =	dma.local [hbm:s3], $0xF7A  }
0x26: {  	[smem:$0x3FA0] =	sst s1;
	(tag) =	ssettag s2;
	_ =	strace s9  }
0x27: {  	s1 =	sld [smem:$0x3FB0]  }
0x28: {  	s2 =	sld [smem:$0x3FB1]  }
0x29: {  	s4 =	sld [smem:$0x3FB3]  }
0x2a: {  	p0 =	seq.s32 s5, $0x0;
	s5 =	sld [smem:$0x3FB4]  }
0x2b: {  	s6 =	sld [smem:$0x3FB5]  }
0x2c: {  	s7 =	sld [smem:$0x3FB6]  }
0x2d: {  	s3 =	simm.s32 $0x108;
	s8 =	sld [smem:$0x3FB7]  }
0x2e: {  	s3 =	simm.s32 @!p0 $0x1082;
	s9 =	sld [smem:$0x3FB8]  }
0x2f: {  	lr =	sadd.s32 s0, s3;
	s0 =	sld [smem:$0x3FAF]  }
0x30: {  	s3 =	sld [smem:$0x3FB2]  }
0x31: {  	[smem:$0x3FBB] =	sst s10  }
0x32: {  	s10 =	sld [smem:$0x3FB9];
	_ =	sdelay $0x3  }
0x33: {  	p0 =	seq.s32 s10, $0x1;
	s10 =	sld [smem:$0x3FBB];
	_ =	sdelay $0x3  }
0x34: {  	[smem:$0x3FBB] =	sst s10  }
0x35: {  	s10 =	sld [smem:$0x3FBA];
	_ =	sdelay $0x3  }
0x36: {  	p1 =	seq.s32 s10, $0x1;
	s10 =	sld [smem:$0x3FBB];
	_ =	sdelay $0x3  }
0x37: {  	[smem:$0x3FBB] =	sst s10  }
0x38: {  	s10 =	sld [smem:$0x3FBC]  }
0x39: {  	_ = 	snop;
	(pc) =	sbr.ind lr, $3  }
0x3a: {  	_ = 	snop  }
0x3b: {  	_ = 	snop  }
0x3c: {  	p2 =	seq.s32 s10, $0x1;
	s10 =	sld [smem:$0x3FBB]  }
0x3d: {  	_ =	shalt  }
0x3e: {  	_ =	shalt  }
0x3f: {  	_ =	shalt  }
0x40: {  	_ =	shalt  }
0x41: {  	_ =	shalt  }
0x42: {  	_ =	shalt  }
0x43: {  	_ =	shalt  }
0x44: {  	_ =	shalt  }
0x45: {  	_ =	shalt  }
0x46: {  	_ =	shalt  }
0x47: {  	_ =	shalt  }
0x48: {  	_ =	shalt  }
0x49: {  	_ =	shalt  }
0x4a: {  	_ =	shalt  }
0x4b: {  	_ =	shalt  }
0x4c: {  	_ =	shalt  }
0x4d: {  	_ =	shalt  }
0x4e: {  	_ =	shalt  }
0x4f: {  	_ =	shalt  }
0x50: {  	_ =	shalt  }
0x51: {  	_ =	shalt  }
0x52: {  	_ =	shalt  }
0x53: {  	_ =	shalt  }
0x54: {  	_ =	shalt  }
0x55: {  	_ =	shalt  }
0x56: {  	_ =	shalt  }
0x57: {  	_ =	shalt  }
0x58: {  	_ =	shalt  }
0x59: {  	_ =	shalt  }
0x5a: {  	_ =	shalt  }
0x5b: {  	_ =	shalt  }
0x5c: {  	_ =	shalt  }
0x5d: {  	_ =	shalt  }
0x5e: {  	_ =	shalt  }
0x5f: {  	_ =	shalt  }
0x60: {  	_ =	shalt  }
0x61: {  	_ =	shalt  }
0x62: {  	_ =	shalt  }
0x63: {  	_ =	shalt  }
0x64: {  	_ =	shalt  }
0x65: {  	_ =	shalt  }
0x66: {  	_ =	shalt  }
0x67: {  	_ =	shalt  }
0x68: {  	_ =	shalt  }
0x69: {  	_ =	shalt  }
0x6a: {  	_ =	shalt  }
0x6b: {  	_ =	shalt  }
0x6c: {  	_ =	shalt  }
0x6d: {  	_ =	shalt  }
0x6e: {  	_ =	shalt  }
0x6f: {  	_ =	shalt  }
0x70: {  	_ =	shalt  }
0x71: {  	_ =	shalt  }
0x72: {  	_ =	shalt  }
0x73: {  	_ =	shalt  }
0x74: {  	_ =	shalt  }
0x75: {  	_ =	shalt  }
0x76: {  	_ =	shalt  }
0x77: {  	_ =	shalt  }
0x78: {  	_ =	shalt  }
0x79: {  	_ =	shalt  }
0x7a: {  	_ =	shalt  }
0x7b: {  	_ =	shalt  }
0x7c: {  	_ =	shalt  }
0x7d: {  	_ =	shalt  }
0x7e: {  	_ =	shalt  }
0x7f: {  	_ =	shalt  }
0x80: {  	_ =	shalt  }
0x81: {  	_ =	shalt  }
0x82: {  	_ =	shalt  }
0x83: {  	_ =	shalt  }
0x84: {  	_ =	shalt  }
0x85: {  	_ =	shalt  }
0x86: {  	_ =	shalt  }
0x87: {  	_ =	shalt  }
.Lfunc_end0:
.L_simem_size_0:
called_computation_lowered:
.L_overlay_start_0:
0x88: {  	s2 =	sld [smem:$0x3FD9]  }
0x89: {  	s3 =	sld [smem:$0x3FFE];
	_ =	sdelay $0x1  }
0x8a: {  	s1 =	srdreg.scid  }
0x8b: {  	s0 =	sand.u32 $0x1, s1  }
0x8c: {  	s14 =	sshll.u32 s0, $0xA;
	s2 =	sadd.s32 s3, s2  }
0x8d: {  	s2 =	sadd.s32 s2, s14  }
0x8e: {  	[smem:$0x3FC7] =	sst s2  }
0x8f: {  	_ = 	snop  }
0x90: {  	s2 =	sld [smem:$0x3FD0];
	_ =	sdelay $0x2  }
0x91: {  	s15 =	simm.s32 $0xA;
	s4 =	simm.s32 $0x10  }
0x92: {  	[smem:s4], [sflag:s15] =	dma.local [hbm:s2], $0x1  }
0x93: {  	_ =	swait.eq [sflag:s15], $0x1  }
0x94: {  	[sflag:s15] =	ssyncset.done $0x0  }
0x95: {  	[sflag:s15] =	ssyncadd.s32 $0xFFFFFFFF  }
0x96: {  	s16 =	sld [smem:$0x10];
	(tm) =	ssettm $0x1  }
0x97: {  	s17 =	sld [smem:$0x3FFB];
	_ =	sdelay $0x3  }
0x98: {  	_ =	strace s17  }
0x99: {  	s3 =	sld [smem:$0x3FFC];
	_ =	sdelay $0x3  }
0x9a: {  	_ =	strace s3  }
0x9b: {  	s3 =	sld [smem:$0x3FFD];
	_ =	sdelay $0x3  }
0x9c: {  	_ =	strace s3  }
0x9d: {  	_ =	strace $0x8FFFFFFF  }
0x9e: {  	s18 =	sld [smem:$0x3FDB];
	_ =	sdelay $0x1  }
0x9f: {  	s19 =	simm.s32 $_scs_section_size  }
0xa0: {  	s5 =	simm.s32 $_size__tile_overlayer_lowered;
	s6 =	simm.s32 $_tile_overlayer_lowered  }
0xa1: {  	s22 =	simm.s32 $0x1BFF;
	s21 =	sshll.u32 s6, $0x1;
	s3 =	sadd.s32 s19, s18  }
0xa2: {  	s7 =	simm.s32 $0x0;
	s20 =	sshll.u32 s5, $0x1;
	s5 =	sadd.s32 s21, s3  }
0xa3: {  	[timem:s7], [sflag:s22] =	dma.local [hbm:s5], s20  }
0xa4: {  	_ =	swait.ge [sflag:s22], s20  }
0xa5: {  	s4 =	ssub.s32 $0x0, s20;
	[sflag:s22] =	ssyncset.done $0x0  }
0xa6: {  	[sflag:s22] =	ssyncadd.s32 s4;
	_ =	sdelay $0x1  }
0xa7: {  	s23 =	simm.s32 $0x1B8B  }
0xa8: {  	_ =	swait.ge [sflag:s23], $0x1  }
0xa9: {  	[sflag:s23] =	ssyncset.done $0x0  }
0xaa: {  	s25 =	simm.s32 $0x1B8E;
	s24 =	sld [smem:$0x3FFE];
	[sflag:s23] =	ssyncadd.s32 $0xFFFFFFFF  }
0xab: {  	s26 =	simm.s32 $execute0_lowered;
	[smem:$0x3FD2] =	sst s25  }
0xac: {  	s5 =	sshll.u32 s26, $0x1;
	_ =	strace $0x80000046;
	[dreg:$0x1] =	wrdreg $0xFFFFFFFF  }
0xad: {  	s28 =	simm.s32 $_size_execute0_lowered;
	s3 =	sadd.s32 s3, s5;
	[dreg:$0x0] =	wrdreg $0x0  }
0xae: {  	s5 =	sshll.u32 s28, $0x1;
	[dreg:$0x2] =	wrdreg s3  }
0xaf: {  	[dreg:$0x3] =	wrdreg s5  }
0xb0: {  	[dreg:$0x4] =	wrdreg $0xC0  }
0xb1: {  	_ =	task [dreg:s7], $0x5FFFF  }
0xb2: {  	[dreg:$0x1] =	wrdreg $0xFFFFFFFF  }
0xb3: {  	[dreg:$0x0] =	wrdreg $0x60  }
0xb4: {  	[dreg:$0x2] =	wrdreg s24  }
0xb5: {  	[dreg:$0x3] =	wrdreg s16  }
0xb6: {  	[dreg:$0x4] =	wrdreg $0x9  }
0xb7: {  	_ =	task.clear_ibuf [dreg:s7], $0x5FFFF;
	_ =	strace $0x90000046  }
0xb8: {  	s29 =	simm.s32 $0x9;
	_ =	strace $0x80000048  }
0xb9: {  	_ =	swait.ge [sflag:s29], $0x1  }
0xba: {  	[sflag:s29] =	ssyncadd.s32 $0xFFFFFFFF  }
0xbb: {  	_ =	strace $0x90000048  }
0xbc: {  	_ =	sfence  }
0xbd: {  	s30 =	sld [smem:$0x0];
	_ =	sdelay $0x2  }
0xbe: {  	s31 =	sshll.u32 s1, $0xD;
	s1 =	sshrl.u32 s1, $0x2  }
0xbf: {  	s3 =	sand.u32 $0x4000, s31;
	s1 =	sadd.s32 s1, s30  }
0xc0: {  	s0 =	sor.u32 s3, s0;
	s1 =	sshll.u32 s1, $0x11  }
0xc1: {  	s0 =	sor.u32 s1, s0  }
0xc2: {  	s0 =	sadd.s32 $0x8F2B, s0  }
0xc3: {  	[sflag:s0] =	ssyncadd.remote.s32 $0x1  }
0xc4: {  	_ =	sfence.sel $0xFFFF  }
0xc5: {  	[dreg:$0x0] =	wrdreg $0xFFFFFFFF;
	(pc) =	sbr.abs _section_cstart, $3  }
0xc6: {  	[dreg:$0x1] =	wrdreg $0xFFFFFFFF  }
0xc7: {  	_ =	task.clear_ibuf [dreg:s7], $0x2FFFF;
	_ =	strace $0x9FFFFFFF  }
0xc8: {  	(tm) =	ssettm $0x7FFFFFFF  }
0xc9: {  	_ =	shalt  }
tec
execute0_lowered:
.L_overlay_start_1:
0x0: {  	(tag) =	ssettag $0x1  }
0x1: {  	s3 =	rddreg [dreg:$0x0]  }
0x2: {  	s10 =	rddreg [dreg:$0x1]  }
0x3: {  	s0 =	rddreg [dreg:$0x2]  }
0x4: {  	s2 =	simm.s32 $0x0;
	s4 =	srdreg.scid;
	s1 =	stileid.u32  }
0x5: {  	s14 =	simm.s32 $0x1;
	s15 =	simm.s32 $0x8000;
	s16 =	simm.s32 $0x0  }
0x6: {  	[smem:$0x7FF] =	sst s2;
	s4 =	sand.u32 $0x1, s4;
	s6 =	sshll.u32 s1, $0xF  }
0x7: {  	s9 =	sadd.s32 $0x600, s3;
	s5 =	ssub.s32 $0x2, s4;
	s4 =	sshll.u32 s4, $0x6  }
0x8: {  	_ =	strace $0x80000047;
	s31 =	sshrl.u32 s5, $0x1;
	s8 =	sor.u32 s4, s6  }
0x9: {  	s11 =	ssub.s32 s5, s31;
	s3 =	sadd.s32 s9, s8;
	s6 =	sor.u32 $0x10, s8  }
0xa: {  	s4 =	sadd.s32 s10, s8;
	s12 =	sor.u32 $0x20, s8;
	s13 =	sor.u32 $0x30, s8  }
0xb: {  	s5 =	sadd.s32 s9, s6;
	s6 =	sadd.s32 s10, s6;
	s7 =	sadd.s32 s9, s12  }
0xc: {  	s8 =	sadd.s32 s10, s12;
	s9 =	sadd.s32 s9, s13;
	s10 =	sadd.s32 s10, s13  }
0xd: {  	v0 =	vimm.f32 $0.0e+00;
	v1 =	vimm.s32 $0xF;
	s11 =	smax.u32 s11, $0x1;
	s12 =	simm.s32 $0x80;
	s13 =	simm.s32 $0x400  }
.LBB2_1:
0xe: {  	[tilespmem:s2], [sflag:$0x1] =	stream.strided.gather [hbm4b:s3+s12], $0x8000, s13, s12, $0x38;
	[tilespmem:$0x11000] =	vst v63  }
0xf: {  	_ =	swait.ge [sflag:s14], $0x8000  }
0x10: {  	[sflag:s14] =	ssyncset.done $0x0  }
0x11: {  	s18 =	simm.s32 $0x40;
	[sflag:s14] =	ssyncadd.s32 $0xFFFF8000  }
0x12: {  	v3 =	vld [tilespmem:s18+$0xFFFFFFD0]  }
0x13: {  	s19 =	simm.s32 $0x40;
	s17 =	simm.s32 $0x0;
	v4 =	vld [tilespmem:s18+$0xFFFFFFC0]  }
.LBB2_2:
0x14: {  	p0 =	sne.s32 s19, $0x3FC0;
	v2 =	vld [tilespmem:s18+$0xFFFFFFE0]  }
0x15: {  	v5 =	vld [tilespmem:s18+$0xFFFFFFF0]  }
0x16: {  	v6 =	vld [tilespmem:s18+$0x0]  }
0x17: {  	v7 =	vld [tilespmem:s18+$0x10]  }
0x18: {  	v3 =	vmax.f32 v4, v3;
	v4 =	vld [tilespmem:s18+$0x20]  }
0x19: {  	v2 =	vmax.f32 v3, v2;
	v3 =	vld [tilespmem:s18+$0x30]  }
0x1a: {  	v2 =	vmax.f32 v2, v5  }
0x1b: {  	v2 =	vmax.f32 v2, v6  }
0x1c: {  	v2 =	vmax.f32 v2, v7  }
.Ltmp0:
0x1d: {  	v2 =	vmax.f32 v2, v4;
	(pc) =	sbr.rel @p0 .LBB2_2-.Ltmp0, $4  }
0x1e: {  	s20 =	sshra.s32 s17, $0x2;
	s17 =	smov.u32 s19;
	v2 =	vmax.f32 v2, v3  }
0x1f: {  	s18 =	sadd.s32 $0x80, s18;
	[tilespmem:s20+$0x10000] =	vst v2;
	v2 =	vimm.f32 $-Inf  }
0x20: {  	v3 =	vld [tilespmem:s18+$0xFFFFFFD0]  }
0x21: {  	s19 =	sadd.s32 $0x40, s19;
	v4 =	vld [tilespmem:s18+$0xFFFFFFC0]  }
0x22: {  	v5 =	vld [tilespmem:s18+$0xFFFFFFE0]  }
0x23: {  	v6 =	vld [tilespmem:s18+$0xFFFFFFF0]  }
0x24: {  	v7 =	vld [tilespmem:s18+$0x0]  }
0x25: {  	v8 =	vld [tilespmem:s18+$0x10]  }
0x26: {  	v3 =	vmax.f32 v4, v3;
	v4 =	vld [tilespmem:s18+$0x20]  }
0x27: {  	v3 =	vmax.f32 v3, v5;
	v5 =	vld [tilespmem:s18+$0x30]  }
0x28: {  	v3 =	vmax.f32 v3, v6  }
0x29: {  	v3 =	vmax.f32 v3, v7  }
0x2a: {  	v3 =	vmax.f32 v3, v8  }
0x2b: {  	v3 =	vmax.f32 v3, v4  }
0x2c: {  	s17 =	sshra.s32 s17, $0x2;
	v3 =	vmax.f32 v3, v5  }
0x2d: {  	[tilespmem:s17+$0x10000] =	vst v3;
	s17 =	simm.s32 $0x0  }
0x2e: {  	v3 =	vld [tilespmem:s17+$0x10000];
	_ =	sdelay $0x4  }
0x2f: {  	vm0 =	vge.f32 v3, v2  }
0x30: {  	v4 =	vsel vm0, $0x3F800000, v0  }
0x31: {  	(xrf0) =	vmax.scan.msk.f32 $0xffff, v4;
	_ =	sdelay $0x5  }
0x32: {  	v4, _, _ =	vpop (xrf0)  }
0x33: {  	(v2sf) =	vpush v4, $0xF;
	_ =	sdelay $0xe  }
0x34: {  	s31 =	spop (v2sf)  }
0x35: {  	p1 =	sgt.f32 s31, $0.0e+00;
	_ =	sdelay $0x1  }
0x36: {  	(xrf1) =	vsort.ascd.msk.f32 @p1 $0xffff, v3, v3;
	_ =	sdelay $0xd  }
0x37: {  	v3, _, _ =	vpop @p1 (xrf1)  }
0x38: {  	v3 =	vmax.f32 @p1 v2, v3  }
0x39: {  	s18 =	simm.s32 $0x40;
	v4 =	vimm.f32 $-Inf;
	(xrf1) =	vsort.dscd.msk.f32 @p1 $0xffff, v3, v3;
	v3 =	vimm.f32 $-Inf  }
.LBB2_4:
0x3a: {  	_ =	sdelay $0xa  }
0x3b: {  	s19 =	sshra.s32 s18, $0x2;
	s18 =	sadd.s32 $0x40, s18  }
0x3c: {  	v5 =	vld [tilespmem:s19+$0x10000];
	p0 =	sne.s32 s18, $0x4000  }
0x3d: {  	v6 =	vimm.s32 @p1 $0xF;
	v7, _, _ =	vpop @p1 (xrf1)  }
0x3e: {  	v6 =	vperm.xlane @p1 v7, v6;
	v4 =	vpsel p1, v7, v4;
	_ =	sdelay $0x1  }
0x3f: {  	v3 =	vpsel p1, v6, v3  }
0x40: {  	vm0 =	vge.f32 v5, v3  }
0x41: {  	v6 =	vsel vm0, $0x3F800000, v0  }
0x42: {  	(xrf0) =	vmax.scan.msk.f32 $0xffff, v6;
	_ =	sdelay $0x5  }
0x43: {  	v6, _, _ =	vpop (xrf0)  }
0x44: {  	(v2sf) =	vpush v6, $0xF;
	_ =	sdelay $0xe  }
0x45: {  	s19 =	spop (v2sf)  }
0x46: {  	p1 =	sgt.f32 s19, $0.0e+00;
	_ =	sdelay $0x1  }
0x47: {  	(xrf1) =	vsort.ascd.msk.f32 @p1 $0xffff, v5, v5;
	_ =	sdelay $0xb  }
.Ltmp1:
0x48: {  	(pc) =	sbr.rel @p0 .LBB2_4-.Ltmp1, $4  }
0x49: {  	_ = 	snop  }
0x4a: {  	v5, _, _ =	vpop @p1 (xrf1)  }
0x4b: {  	v5 =	vmax.f32 @p1 v4, v5  }
0x4c: {  	(xrf1) =	vsort.dscd.msk.f32 @p1 $0xffff, v5, v5  }
0x4d: {  	_ =	sdelay $0xb  }
0x4e: {  	v4 =	vld [tilespmem:s17+$0x10000]  }
0x4f: {  	v5 =	vimm.s32 @p1 $0xF;
	v6, _, _ =	vpop @p1 (xrf1)  }
0x50: {  	v5 =	vperm.xlane @p1 v6, v5;
	_ =	sdelay $0x1  }
0x51: {  	v3 =	vpsel p1, v5, v3  }
0x52: {  	vm0 =	vge.f32 v4, v3  }
0x53: {  	v4 =	vsel vm0, $0x3F800000, v0  }
0x54: {  	(xrf0) =	vmax.scan.msk.f32 $0xffff, v4;
	_ =	sdelay $0x5  }
0x55: {  	v4, _, _ =	vpop (xrf0)  }
0x56: {  	(v2sf) =	vpush v4, $0xF;
	_ =	sdelay $0xe  }
0x57: {  	s31 =	spop (v2sf)  }
0x58: {  	p1 =	sgt.f32 s31, $0.0e+00  }
0x59: {  	s17 =	simm.s32 $0x40  }
0x5a: {  	v4 =	vld @p1 [tilespmem:s17+$0xFFFFFFC0];
	_ =	sdelay $0x4  }
0x5b: {  	(xrf1) =	vsort.ascd.msk.f32 @p1 $0xffff, v4, v4;
	_ =	sdelay $0x9  }
0x5c: {  	v4 =	vld @p1 [tilespmem:s17+$0xFFFFFFD0];
	_ =	sdelay $0x3  }
0x5d: {  	p0 =	por p1, p1;
	v5, _, _ =	vpop @p1 (xrf1)  }
0x5e: {  	(xrf1) =	vsort.ascd.msk.f32 @p0 $0xffff, v4, v4;
	v5 =	vmax.f32 @p0 v2, v5  }
0x5f: {  	(xrf1) =	vsort.dscd.msk.f32 @p0 $0xffff, v5, v5;
	_ =	sdelay $0x9  }
0x60: {  	v4 =	vld @p0 [tilespmem:s17+$0xFFFFFFE0];
	_ =	sdelay $0x2  }
0x61: {  	v5, _, _ =	vpop @p1 (xrf1)  }
0x62: {  	v6, _, _ =	vpop @p1 (xrf1)  }
0x63: {  	(xrf1) =	vsort.ascd.msk.f32 @p0 $0xffff, v4, v4;
	v5 =	vmax.f32 @p0 v6, v5  }
0x64: {  	(xrf1) =	vsort.dscd.msk.f32 @p0 $0xffff, v5, v5;
	_ =	sdelay $0x9  }
0x65: {  	v4 =	vld @p0 [tilespmem:s17+$0xFFFFFFF0];
	_ =	sdelay $0x2  }
0x66: {  	v5, _, _ =	vpop @p1 (xrf1)  }
0x67: {  	v6, _, _ =	vpop @p1 (xrf1)  }
0x68: {  	(xrf1) =	vsort.ascd.msk.f32 @p0 $0xffff, v4, v4;
	v5 =	vmax.f32 @p0 v6, v5  }
0x69: {  	(xrf1) =	vsort.dscd.msk.f32 @p0 $0xffff, v5, v5;
	_ =	sdelay $0x9  }
0x6a: {  	v4 =	vld @p0 [tilespmem:s17+$0x0];
	_ =	sdelay $0x2  }
0x6b: {  	v5, _, _ =	vpop @p1 (xrf1)  }
0x6c: {  	v6, _, _ =	vpop @p1 (xrf1)  }
0x6d: {  	(xrf1) =	vsort.ascd.msk.f32 @p0 $0xffff, v4, v4;
	v5 =	vmax.f32 @p0 v6, v5  }
0x6e: {  	(xrf1) =	vsort.dscd.msk.f32 @p0 $0xffff, v5, v5;
	_ =	sdelay $0x9  }
0x6f: {  	v4 =	vld @p0 [tilespmem:s17+$0x10];
	_ =	sdelay $0x2  }
0x70: {  	v5, _, _ =	vpop @p1 (xrf1)  }
0x71: {  	v6, _, _ =	vpop @p1 (xrf1)  }
0x72: {  	(xrf1) =	vsort.ascd.msk.f32 @p0 $0xffff, v4, v4;
	v5 =	vmax.f32 @p0 v6, v5  }
0x73: {  	(xrf1) =	vsort.dscd.msk.f32 @p0 $0xffff, v5, v5;
	_ =	sdelay $0x8  }
0x74: {  	s18 =	simm.s32 $0x40;
	v4 =	vld @p0 [tilespmem:s17+$0x20]  }
.LBB2_6:
0x75: {  	p3 =	por p1, p1  }
0x76: {  	s19 =	sshra.s32 s18, $0x2;
	s18 =	sadd.s32 $0x40, s18  }
0x77: {  	p2 =	sne.s32 s18, $0x4000;
	v5 =	vld [tilespmem:s19+$0x10000]  }
0x78: {  	v6, _, _ =	vpop @p1 (xrf1)  }
0x79: {  	v7, _, _ =	vpop @p1 (xrf1)  }
0x7a: {  	v6 =	vmax.f32 @p0 v7, v6;
	(xrf1) =	vsort.ascd.msk.f32 @p0 $0xffff, v4, v4  }
0x7b: {  	(xrf1) =	vsort.dscd.msk.f32 @p0 $0xffff, v6, v6  }
0x7c: {  	vm0 =	vge.f32 v5, v3  }
0x7d: {  	v4 =	vsel vm0, $0x3F800000, v0  }
0x7e: {  	(xrf0) =	vmax.scan.msk.f32 $0xffff, v4;
	_ =	sdelay $0x5  }
0x7f: {  	v4, _, _ =	vpop (xrf0)  }
0x80: {  	(v2sf) =	vpush v4, $0xF;
	v4 =	vld @p0 [tilespmem:s17+$0x30];
	_ =	sdelay $0x2  }
0x81: {  	v5, _, _ =	vpop @p1 (xrf1)  }
0x82: {  	v6, _, _ =	vpop @p1 (xrf1)  }
0x83: {  	v5 =	vmax.f32 @p0 v6, v5;
	(xrf1) =	vsort.ascd.msk.f32 @p0 $0xffff, v4, v4  }
0x84: {  	(xrf1) =	vsort.dscd.msk.f32 @p0 $0xffff, v5, v5;
	_ =	sdelay $0x8  }
0x85: {  	s19 =	spop (v2sf)  }
0x86: {  	p1 =	sgt.f32 s19, $0.0e+00  }
0x87: {  	s17 =	sadd.s32 $0x80, s17  }
0x88: {  	v4 =	vld @p1 [tilespmem:s17+$0xFFFFFFC0]  }
0x89: {  	v5, _, _ =	vpop @p3 (xrf1)  }
0x8a: {  	v6, _, _ =	vpop @p3 (xrf1)  }
0x8b: {  	v5 =	vmax.f32 @p0 v6, v5  }
0x8c: {  	(xrf1) =	vsort.dscd.msk.f32 @p0 $0xffff, v5, v5  }
0x8d: {  	(xrf1) =	vsort.ascd.msk.f32 @p1 $0xffff, v4, v4;
	_ =	sdelay $0x9  }
0x8e: {  	v4 =	vld @p1 [tilespmem:s17+$0xFFFFFFD0];
	_ =	sdelay $0x2  }
0x8f: {  	v5, _, _ =	vpop @p3 (xrf1)  }
0x90: {  	v6, _, _ =	vpop @p1 (xrf1);
	v2 =	vpsel p0, v5, v2;
	p0 =	por p1, p1  }
0x91: {  	v5 =	vmax.f32 @p0 v2, v6;
	(xrf1) =	vsort.ascd.msk.f32 @p0 $0xffff, v4, v4  }
0x92: {  	(xrf1) =	vsort.dscd.msk.f32 @p0 $0xffff, v5, v5;
	_ =	sdelay $0x9  }
0x93: {  	v4 =	vld @p0 [tilespmem:s17+$0xFFFFFFE0];
	_ =	sdelay $0x2  }
0x94: {  	v5, _, _ =	vpop @p1 (xrf1)  }
0x95: {  	v6, _, _ =	vpop @p1 (xrf1)  }
0x96: {  	v5 =	vmax.f32 @p0 v6, v5;
	(xrf1) =	vsort.ascd.msk.f32 @p0 $0xffff, v4, v4  }
0x97: {  	(xrf1) =	vsort.dscd.msk.f32 @p0 $0xffff, v5, v5;
	_ =	sdelay $0x9  }
0x98: {  	v4 =	vld @p0 [tilespmem:s17+$0xFFFFFFF0];
	_ =	sdelay $0x2  }
0x99: {  	v5, _, _ =	vpop @p1 (xrf1)  }
0x9a: {  	v6, _, _ =	vpop @p1 (xrf1)  }
0x9b: {  	v5 =	vmax.f32 @p0 v6, v5;
	(xrf1) =	vsort.ascd.msk.f32 @p0 $0xffff, v4, v4  }
0x9c: {  	(xrf1) =	vsort.dscd.msk.f32 @p0 $0xffff, v5, v5;
	_ =	sdelay $0x9  }
0x9d: {  	v4 =	vld @p0 [tilespmem:s17+$0x0];
	_ =	sdelay $0x2  }
0x9e: {  	v5, _, _ =	vpop @p1 (xrf1)  }
0x9f: {  	v6, _, _ =	vpop @p1 (xrf1)  }
0xa0: {  	v5 =	vmax.f32 @p0 v6, v5;
	(xrf1) =	vsort.ascd.msk.f32 @p0 $0xffff, v4, v4  }
0xa1: {  	(xrf1) =	vsort.dscd.msk.f32 @p0 $0xffff, v5, v5;
	_ =	sdelay $0x9  }
0xa2: {  	v4 =	vld @p0 [tilespmem:s17+$0x10];
	_ =	sdelay $0x2  }
0xa3: {  	v5, _, _ =	vpop @p1 (xrf1)  }
0xa4: {  	v6, _, _ =	vpop @p1 (xrf1)  }
0xa5: {  	v5 =	vmax.f32 @p0 v6, v5;
	(xrf1) =	vsort.ascd.msk.f32 @p0 $0xffff, v4, v4  }
0xa6: {  	(xrf1) =	vsort.dscd.msk.f32 @p0 $0xffff, v5, v5;
	_ =	sdelay $0x5  }
.Ltmp2:
0xa7: {  	(pc) =	sbr.rel @p2 .LBB2_6-.Ltmp2, $2  }
0xa8: {  	_ =	sdelay $0x2  }
0xa9: {  	v4 =	vld @p0 [tilespmem:s17+$0x20]  }
0xaa: {  	_ =	sdelay $0x1  }
0xab: {  	v3, _, _ =	vpop @p1 (xrf1)  }
0xac: {  	v5, _, _ =	vpop @p1 (xrf1)  }
0xad: {  	v3 =	vmax.f32 @p0 v5, v3;
	(xrf1) =	vsort.ascd.msk.f32 @p0 $0xffff, v4, v4  }
0xae: {  	(xrf1) =	vsort.dscd.msk.f32 @p0 $0xffff, v3, v3;
	_ =	sdelay $0x9  }
0xaf: {  	v3 =	vld @p0 [tilespmem:s17+$0x30];
	_ =	sdelay $0x2  }
0xb0: {  	v4, _, _ =	vpop @p1 (xrf1)  }
0xb1: {  	v5, _, _ =	vpop @p1 (xrf1)  }
0xb2: {  	(xrf1) =	vsort.ascd.msk.f32 @p0 $0xffff, v3, v3;
	v4 =	vmax.f32 @p0 v5, v4  }
0xb3: {  	(xrf1) =	vsort.dscd.msk.f32 @p0 $0xffff, v4, v4;
	_ =	sdelay $0xc  }
0xb4: {  	v3, _, _ =	vpop @p1 (xrf1)  }
0xb5: {  	v4, _, _ =	vpop @p1 (xrf1)  }
0xb6: {  	v3 =	vmax.f32 @p0 v4, v3  }
0xb7: {  	(xrf1) =	vsort.dscd.msk.f32 @p0 $0xffff, v3, v3;
	_ =	sdelay $0xb  }
0xb8: {  	s18 =	simm.s32 $0x0  }
0xb9: {  	v3 =	vld [tilespmem:s18+$0x70]  }
0xba: {  	v5 =	vld [tilespmem:s18+$0x0];
	v4, _, _ =	vpop @p1 (xrf1)  }
0xbb: {  	v8 =	vld [tilespmem:s18+$0x10];
	v2 =	vpsel p0, v4, v2  }
0xbc: {  	v7 =	vld [tilespmem:s18+$0x20];
	v2 =	vperm.xlane v2, v1  }
0xbd: {  	v6 =	vld [tilespmem:s18+$0x30]  }
0xbe: {  	v4 =	vld [tilespmem:s18+$0x40];
	vm0 =	vge.f32 v3, v2  }
0xbf: {  	v3 =	vld [tilespmem:s18+$0x50];
	vm1 =	vge.f32 v5, v2;
	v9 =	vsel vm0, $0x3F800000, v0  }
0xc0: {  	s19 =	simm.s32 $0x400;
	s17 =	simm.s32 $0x80;
	v5 =	vld [tilespmem:s18+$0x60];
	vm0 =	vge.f32 v8, v2;
	v8 =	vsel vm1, $0x3F800000, v0;
	[tilespmem:s18+$0x8070] =	vst v9  }
.LBB2_8:
0xc1: {  	p0 =	sne.s32 s19, $0x1FE00;
	v9 =	vld [tilespmem:s17+$0x70];
	[tilespmem:s18+$0x8000] =	vst v8;
	v8 =	vsel vm0, $0x3F800000, v0;
	vm0 =	vge.f32 v7, v2  }
0xc2: {  	v10 =	vld [tilespmem:s17+$0x0];
	[tilespmem:s18+$0x8010] =	vst v8;
	v7 =	vsel vm0, $0x3F800000, v0;
	vm0 =	vge.f32 v6, v2  }
0xc3: {  	v11 =	vld [tilespmem:s17+$0x10];
	[tilespmem:s18+$0x8020] =	vst v7;
	v6 =	vsel vm0, $0x3F800000, v0;
	vm0 =	vge.f32 v4, v2  }
.Ltmp3:
0xc4: {  	v7 =	vld [tilespmem:s17+$0x20];
	[tilespmem:s18+$0x8030] =	vst v6;
	v4 =	vsel vm0, $0x3F800000, v0;
	vm0 =	vge.f32 v3, v2;
	(pc) =	sbr.rel @p0 .LBB2_8-.Ltmp3, $4  }
0xc5: {  	v6 =	vld [tilespmem:s17+$0x30];
	[tilespmem:s18+$0x8040] =	vst v4;
	v3 =	vsel vm0, $0x3F800000, v0;
	vm0 =	vge.f32 v5, v2  }
0xc6: {  	v4 =	vld [tilespmem:s17+$0x40];
	vm1 =	vge.f32 v9, v2;
	[tilespmem:s18+$0x8050] =	vst v3;
	v5 =	vsel vm0, $0x3F800000, v0  }
0xc7: {  	vm0 =	vge.f32 v10, v2;
	v3 =	vld [tilespmem:s17+$0x50];
	v9 =	vsel vm1, $0x3F800000, v0;
	[tilespmem:s18+$0x8060] =	vst v5;
	s18 =	smov.u32 s17  }
0xc8: {  	s17 =	sshra.s32 s19, $0x2;
	s19 =	sadd.s32 $0x200, s19;
	v8 =	vsel vm0, $0x3F800000, v0;
	vm0 =	vge.f32 v11, v2;
	v5 =	vld [tilespmem:s18+$0x60];
	[tilespmem:s18+$0x8070] =	vst v9  }
0xc9: {  	v9 =	vld [tilespmem:s17+$0x70];
	[tilespmem:s18+$0x8000] =	vst v8;
	v61 =	vsel vm0, $0x3F800000, v0;
	vm4 =	vge.f32 v7, v2  }
0xca: {  	v10 =	vld [tilespmem:s17+$0x0];
	[tilespmem:s18+$0x8010] =	vst v61;
	v7 =	vsel vm4, $0x3F800000, v0;
	vm5 =	vge.f32 v6, v2  }
0xcb: {  	v8 =	vld [tilespmem:s17+$0x10];
	[tilespmem:s18+$0x8020] =	vst v7;
	v6 =	vsel vm5, $0x3F800000, v0;
	vm6 =	vge.f32 v4, v2  }
0xcc: {  	v7 =	vld [tilespmem:s17+$0x20];
	[tilespmem:s18+$0x8030] =	vst v6;
	v4 =	vsel vm6, $0x3F800000, v0;
	vm7 =	vge.f32 v3, v2  }
0xcd: {  	v6 =	vld [tilespmem:s17+$0x30];
	[tilespmem:s18+$0x8040] =	vst v4;
	v3 =	vsel vm7, $0x3F800000, v0;
	vm8 =	vge.f32 v5, v2  }
0xce: {  	v4 =	vld [tilespmem:s17+$0x40];
	[tilespmem:s18+$0x8050] =	vst v3;
	v3 =	vsel vm8, $0x3F800000, v0;
	vm9 =	vge.f32 v9, v2  }
0xcf: {  	v5 =	vld [tilespmem:s17+$0x50];
	[tilespmem:s18+$0x8060] =	vst v3;
	vm1 =	vge.f32 v10, v2;
	v3 =	vsel vm9, $0x3F800000, v0  }
0xd0: {  	v62 =	vld [tilespmem:s17+$0x60];
	vm10 =	vge.f32 v8, v2;
	v63 =	vsel vm1, $0x3F800000, v0;
	[tilespmem:s17+$0x8070] =	vst v3  }
0xd1: {  	[tilespmem:s17+$0x8000] =	vst v63;
	v3 =	vsel vm10, $0x3F800000, v0;
	vm11 =	vge.f32 v7, v2  }
0xd2: {  	[tilespmem:s17+$0x8010] =	vst v3;
	v3 =	vsel vm11, $0x3F800000, v0;
	vm12 =	vge.f32 v6, v2  }
0xd3: {  	[tilespmem:s17+$0x8020] =	vst v3;
	v3 =	vsel vm12, $0x3F800000, v0;
	vm13 =	vge.f32 v4, v2  }
0xd4: {  	[tilespmem:s17+$0x8030] =	vst v3;
	v3 =	vsel vm13, $0x3F800000, v0;
	vm14 =	vge.f32 v5, v2  }
0xd5: {  	[tilespmem:s17+$0x8040] =	vst v3;
	v3 =	vsel vm14, $0x3F800000, v0;
	vm15 =	vge.f32 v62, v2  }
0xd6: {  	[tilespmem:s17+$0x8050] =	vst v3;
	v2 =	vsel vm15, $0x3F800000, v0  }
0xd7: {  	[tilespmem:s17+$0x8060] =	vst v2  }
0xd8: {  	[hbm4b:s4+s12] =	stream.strided.scatter [tilespmem:s15], [sflag:$0x1], $0x8000, s13, s12, $0x38;
	[tilespmem:$0x11000] =	vst v63  }
0xd9: {  	_ =	swait.ge [sflag:s14], $0x8000  }
0xda: {  	[sflag:s14] =	ssyncset.done $0x0  }
0xdb: {  	s17 =	simm.s32 $0x0;
	[sflag:s14] =	ssyncadd.s32 $0xFFFF8000  }
0xdc: {  	[tilespmem:s17], [sflag:$0x1] =	stream.strided.gather [hbm4b:s5+s12], $0x8000, s13, s12, $0x38;
	[tilespmem:$0x11000] =	vst v63  }
0xdd: {  	_ =	swait.ge [sflag:s14], $0x8000  }
0xde: {  	[sflag:s14] =	ssyncset.done $0x0  }
0xdf: {  	s18 =	simm.s32 $0x40;
	[sflag:s14] =	ssyncadd.s32 $0xFFFF8000  }
0xe0: {  	v2 =	vld [tilespmem:s18+$0xFFFFFFD0]  }
0xe1: {  	s19 =	simm.s32 $0x40;
	v3 =	vld [tilespmem:s18+$0xFFFFFFC0]  }
.LBB2_10:
0xe2: {  	p0 =	sne.s32 s19, $0x3FC0;
	v4 =	vld [tilespmem:s18+$0xFFFFFFE0]  }
0xe3: {  	v5 =	vld [tilespmem:s18+$0xFFFFFFF0]  }
0xe4: {  	v6 =	vld [tilespmem:s18+$0x0]  }
0xe5: {  	v7 =	vld [tilespmem:s18+$0x10]  }
0xe6: {  	v2 =	vmax.f32 v3, v2;
	v3 =	vld [tilespmem:s18+$0x20]  }
0xe7: {  	v2 =	vmax.f32 v2, v4;
	v4 =	vld [tilespmem:s18+$0x30]  }
0xe8: {  	v2 =	vmax.f32 v2, v5  }
0xe9: {  	v2 =	vmax.f32 v2, v6  }
0xea: {  	v2 =	vmax.f32 v2, v7  }
.Ltmp4:
0xeb: {  	v2 =	vmax.f32 v2, v3;
	(pc) =	sbr.rel @p0 .LBB2_10-.Ltmp4, $4  }
0xec: {  	s20 =	sshra.s32 s17, $0x2;
	s17 =	smov.u32 s19;
	v2 =	vmax.f32 v2, v4  }
0xed: {  	s18 =	sadd.s32 $0x80, s18;
	[tilespmem:s20+$0x10000] =	vst v2  }
0xee: {  	v2 =	vld [tilespmem:s18+$0xFFFFFFD0]  }
0xef: {  	s19 =	sadd.s32 $0x40, s19;
	v3 =	vld [tilespmem:s18+$0xFFFFFFC0]  }
0xf0: {  	v4 =	vld [tilespmem:s18+$0xFFFFFFE0]  }
0xf1: {  	v5 =	vld [tilespmem:s18+$0xFFFFFFF0]  }
0xf2: {  	v6 =	vld [tilespmem:s18+$0x0]  }
0xf3: {  	v7 =	vld [tilespmem:s18+$0x10]  }
0xf4: {  	v2 =	vmax.f32 v3, v2;
	v3 =	vld [tilespmem:s18+$0x20]  }
0xf5: {  	v2 =	vmax.f32 v2, v4;
	v4 =	vld [tilespmem:s18+$0x30]  }
0xf6: {  	v2 =	vmax.f32 v2, v5  }
0xf7: {  	v2 =	vmax.f32 v2, v6  }
0xf8: {  	v2 =	vmax.f32 v2, v7  }
0xf9: {  	v2 =	vmax.f32 v2, v3  }
0xfa: {  	s17 =	sshra.s32 s17, $0x2;
	v2 =	vmax.f32 v2, v4  }
0xfb: {  	s30 =	simm.s32 $0x0;
	[tilespmem:s17+$0x10000] =	vst v2  }
0xfc: {  	v3 =	vld [tilespmem:s30+$0x10000];
	_ =	sdelay $0x3  }
0xfd: {  	v2 =	vimm.f32 $-Inf  }
0xfe: {  	vm0 =	vge.f32 v3, v2  }
0xff: {  	v4 =	vsel vm0, $0x3F800000, v0  }
0x100: {  	(xrf0) =	vmax.scan.msk.f32 $0xffff, v4;
	_ =	sdelay $0x5  }
0x101: {  	v4, _, _ =	vpop (xrf0)  }
0x102: {  	(v2sf) =	vpush v4, $0xF;
	_ =	sdelay $0xe  }
0x103: {  	s31 =	spop (v2sf)  }
0x104: {  	p1 =	sgt.f32 s31, $0.0e+00;
	_ =	sdelay $0x1  }
0x105: {  	(xrf1) =	vsort.ascd.msk.f32 @p1 $0xffff, v3, v3;
	_ =	sdelay $0xd  }
0x106: {  	v3, _, _ =	vpop @p1 (xrf1)  }
0x107: {  	v3 =	vmax.f32 @p1 v2, v3  }
0x108: {  	s17 =	simm.s32 $0x40;
	v4 =	vimm.f32 $-Inf;
	(xrf1) =	vsort.dscd.msk.f32 @p1 $0xffff, v3, v3;
	v3 =	vimm.f32 $-Inf  }
.LBB2_12:
0x109: {  	_ =	sdelay $0xa  }
0x10a: {  	s18 =	sshra.s32 s17, $0x2;
	s17 =	sadd.s32 $0x40, s17  }
0x10b: {  	v5 =	vld [tilespmem:s18+$0x10000];
	p0 =	sne.s32 s17, $0x4000  }
0x10c: {  	v6 =	vimm.s32 @p1 $0xF;
	v7, _, _ =	vpop @p1 (xrf1)  }
0x10d: {  	v6 =	vperm.xlane @p1 v7, v6;
	v4 =	vpsel p1, v7, v4;
	_ =	sdelay $0x1  }
0x10e: {  	v3 =	vpsel p1, v6, v3  }
0x10f: {  	vm0 =	vge.f32 v5, v3  }
0x110: {  	v6 =	vsel vm0, $0x3F800000, v0  }
0x111: {  	(xrf0) =	vmax.scan.msk.f32 $0xffff, v6;
	_ =	sdelay $0x5  }
0x112: {  	v6, _, _ =	vpop (xrf0)  }
0x113: {  	(v2sf) =	vpush v6, $0xF;
	_ =	sdelay $0xe  }
0x114: {  	s18 =	spop (v2sf)  }
0x115: {  	p1 =	sgt.f32 s18, $0.0e+00;
	_ =	sdelay $0x1  }
0x116: {  	(xrf1) =	vsort.ascd.msk.f32 @p1 $0xffff, v5, v5;
	_ =	sdelay $0xb  }
.Ltmp5:
0x117: {  	(pc) =	sbr.rel @p0 .LBB2_12-.Ltmp5, $4  }
0x118: {  	_ = 	snop  }
0x119: {  	v5, _, _ =	vpop @p1 (xrf1)  }
0x11a: {  	v5 =	vmax.f32 @p1 v4, v5  }
0x11b: {  	(xrf1) =	vsort.dscd.msk.f32 @p1 $0xffff, v5, v5  }
0x11c: {  	_ =	sdelay $0xa  }
0x11d: {  	s17 =	simm.s32 $0x0  }
0x11e: {  	v4 =	vld [tilespmem:s17+$0x10000]  }
0x11f: {  	v5 =	vimm.s32 @p1 $0xF;
	v6, _, _ =	vpop @p1 (xrf1)  }
0x120: {  	v5 =	vperm.xlane @p1 v6, v5;
	_ =	sdelay $0x1  }
0x121: {  	v3 =	vpsel p1, v5, v3  }
0x122: {  	vm0 =	vge.f32 v4, v3  }
0x123: {  	v4 =	vsel vm0, $0x3F800000, v0  }
0x124: {  	(xrf0) =	vmax.scan.msk.f32 $0xffff, v4;
	_ =	sdelay $0x5  }
0x125: {  	v4, _, _ =	vpop (xrf0)  }
0x126: {  	(v2sf) =	vpush v4, $0xF;
	_ =	sdelay $0xe  }
0x127: {  	s31 =	spop (v2sf)  }
0x128: {  	p1 =	sgt.f32 s31, $0.0e+00  }
0x129: {  	s17 =	simm.s32 $0x40  }
0x12a: {  	v4 =	vld @p1 [tilespmem:s17+$0xFFFFFFC0];
	_ =	sdelay $0x4  }
0x12b: {  	(xrf1) =	vsort.ascd.msk.f32 @p1 $0xffff, v4, v4;
	_ =	sdelay $0x9  }
0x12c: {  	v4 =	vld @p1 [tilespmem:s17+$0xFFFFFFD0];
	_ =	sdelay $0x3  }
0x12d: {  	p0 =	por p1, p1;
	v5, _, _ =	vpop @p1 (xrf1)  }
0x12e: {  	(xrf1) =	vsort.ascd.msk.f32 @p0 $0xffff, v4, v4;
	v5 =	vmax.f32 @p0 v2, v5  }
0x12f: {  	(xrf1) =	vsort.dscd.msk.f32 @p0 $0xffff, v5, v5;
	_ =	sdelay $0x9  }
0x130: {  	v4 =	vld @p0 [tilespmem:s17+$0xFFFFFFE0];
	_ =	sdelay $0x2  }
0x131: {  	v5, _, _ =	vpop @p1 (xrf1)  }
0x132: {  	v6, _, _ =	vpop @p1 (xrf1)  }
0x133: {  	(xrf1) =	vsort.ascd.msk.f32 @p0 $0xffff, v4, v4;
	v5 =	vmax.f32 @p0 v6, v5  }
0x134: {  	(xrf1) =	vsort.dscd.msk.f32 @p0 $0xffff, v5, v5;
	_ =	sdelay $0x9  }
0x135: {  	v4 =	vld @p0 [tilespmem:s17+$0xFFFFFFF0];
	_ =	sdelay $0x2  }
0x136: {  	v5, _, _ =	vpop @p1 (xrf1)  }
0x137: {  	v6, _, _ =	vpop @p1 (xrf1)  }
0x138: {  	(xrf1) =	vsort.ascd.msk.f32 @p0 $0xffff, v4, v4;
	v5 =	vmax.f32 @p0 v6, v5  }
0x139: {  	(xrf1) =	vsort.dscd.msk.f32 @p0 $0xffff, v5, v5;
	_ =	sdelay $0x9  }
0x13a: {  	v4 =	vld @p0 [tilespmem:s17+$0x0];
	_ =	sdelay $0x2  }
0x13b: {  	v5, _, _ =	vpop @p1 (xrf1)  }
0x13c: {  	v6, _, _ =	vpop @p1 (xrf1)  }
0x13d: {  	(xrf1) =	vsort.ascd.msk.f32 @p0 $0xffff, v4, v4;
	v5 =	vmax.f32 @p0 v6, v5  }
0x13e: {  	(xrf1) =	vsort.dscd.msk.f32 @p0 $0xffff, v5, v5;
	_ =	sdelay $0x9  }
0x13f: {  	v4 =	vld @p0 [tilespmem:s17+$0x10];
	_ =	sdelay $0x2  }
0x140: {  	v5, _, _ =	vpop @p1 (xrf1)  }
0x141: {  	v6, _, _ =	vpop @p1 (xrf1)  }
0x142: {  	(xrf1) =	vsort.ascd.msk.f32 @p0 $0xffff, v4, v4;
	v5 =	vmax.f32 @p0 v6, v5  }
0x143: {  	(xrf1) =	vsort.dscd.msk.f32 @p0 $0xffff, v5, v5;
	_ =	sdelay $0x8  }
0x144: {  	s18 =	simm.s32 $0x40;
	v4 =	vld @p0 [tilespmem:s17+$0x20]  }
.LBB2_14:
0x145: {  	p3 =	por p1, p1  }
0x146: {  	s19 =	sshra.s32 s18, $0x2;
	s18 =	sadd.s32 $0x40, s18  }
0x147: {  	p2 =	sne.s32 s18, $0x4000;
	v5 =	vld [tilespmem:s19+$0x10000]  }
0x148: {  	v6, _, _ =	vpop @p1 (xrf1)  }
0x149: {  	v7, _, _ =	vpop @p1 (xrf1)  }
0x14a: {  	v6 =	vmax.f32 @p0 v7, v6;
	(xrf1) =	vsort.ascd.msk.f32 @p0 $0xffff, v4, v4  }
0x14b: {  	(xrf1) =	vsort.dscd.msk.f32 @p0 $0xffff, v6, v6  }
0x14c: {  	vm0 =	vge.f32 v5, v3  }
0x14d: {  	v4 =	vsel vm0, $0x3F800000, v0  }
0x14e: {  	(xrf0) =	vmax.scan.msk.f32 $0xffff, v4;
	_ =	sdelay $0x5  }
0x14f: {  	v4, _, _ =	vpop (xrf0)  }
0x150: {  	(v2sf) =	vpush v4, $0xF;
	v4 =	vld @p0 [tilespmem:s17+$0x30];
	_ =	sdelay $0x2  }
0x151: {  	v5, _, _ =	vpop @p1 (xrf1)  }
0x152: {  	v6, _, _ =	vpop @p1 (xrf1)  }
0x153: {  	v5 =	vmax.f32 @p0 v6, v5;
	(xrf1) =	vsort.ascd.msk.f32 @p0 $0xffff, v4, v4  }
0x154: {  	(xrf1) =	vsort.dscd.msk.f32 @p0 $0xffff, v5, v5;
	_ =	sdelay $0x8  }
0x155: {  	s19 =	spop (v2sf)  }
0x156: {  	p1 =	sgt.f32 s19, $0.0e+00  }
0x157: {  	s17 =	sadd.s32 $0x80, s17  }
0x158: {  	v4 =	vld @p1 [tilespmem:s17+$0xFFFFFFC0]  }
0x159: {  	v5, _, _ =	vpop @p3 (xrf1)  }
0x15a: {  	v6, _, _ =	vpop @p3 (xrf1)  }
0x15b: {  	v5 =	vmax.f32 @p0 v6, v5  }
0x15c: {  	(xrf1) =	vsort.dscd.msk.f32 @p0 $0xffff, v5, v5  }
0x15d: {  	(xrf1) =	vsort.ascd.msk.f32 @p1 $0xffff, v4, v4;
	_ =	sdelay $0x9  }
0x15e: {  	v4 =	vld @p1 [tilespmem:s17+$0xFFFFFFD0];
	_ =	sdelay $0x2  }
0x15f: {  	v5, _, _ =	vpop @p3 (xrf1)  }
0x160: {  	v6, _, _ =	vpop @p1 (xrf1);
	v2 =	vpsel p0, v5, v2;
	p0 =	por p1, p1  }
0x161: {  	v5 =	vmax.f32 @p0 v2, v6;
	(xrf1) =	vsort.ascd.msk.f32 @p0 $0xffff, v4, v4  }
0x162: {  	(xrf1) =	vsort.dscd.msk.f32 @p0 $0xffff, v5, v5;
	_ =	sdelay $0x9  }
0x163: {  	v4 =	vld @p0 [tilespmem:s17+$0xFFFFFFE0];
	_ =	sdelay $0x2  }
0x164: {  	v5, _, _ =	vpop @p1 (xrf1)  }
0x165: {  	v6, _, _ =	vpop @p1 (xrf1)  }
0x166: {  	v5 =	vmax.f32 @p0 v6, v5;
	(xrf1) =	vsort.ascd.msk.f32 @p0 $0xffff, v4, v4  }
0x167: {  	(xrf1) =	vsort.dscd.msk.f32 @p0 $0xffff, v5, v5;
	_ =	sdelay $0x9  }
0x168: {  	v4 =	vld @p0 [tilespmem:s17+$0xFFFFFFF0];
	_ =	sdelay $0x2  }
0x169: {  	v5, _, _ =	vpop @p1 (xrf1)  }
0x16a: {  	v6, _, _ =	vpop @p1 (xrf1)  }
0x16b: {  	v5 =	vmax.f32 @p0 v6, v5;
	(xrf1) =	vsort.ascd.msk.f32 @p0 $0xffff, v4, v4  }
0x16c: {  	(xrf1) =	vsort.dscd.msk.f32 @p0 $0xffff, v5, v5;
	_ =	sdelay $0x9  }
0x16d: {  	v4 =	vld @p0 [tilespmem:s17+$0x0];
	_ =	sdelay $0x2  }
0x16e: {  	v5, _, _ =	vpop @p1 (xrf1)  }
0x16f: {  	v6, _, _ =	vpop @p1 (xrf1)  }
0x170: {  	v5 =	vmax.f32 @p0 v6, v5;
	(xrf1) =	vsort.ascd.msk.f32 @p0 $0xffff, v4, v4  }
0x171: {  	(xrf1) =	vsort.dscd.msk.f32 @p0 $0xffff, v5, v5;
	_ =	sdelay $0x9  }
0x172: {  	v4 =	vld @p0 [tilespmem:s17+$0x10];
	_ =	sdelay $0x2  }
0x173: {  	v5, _, _ =	vpop @p1 (xrf1)  }
0x174: {  	v6, _, _ =	vpop @p1 (xrf1)  }
0x175: {  	v5 =	vmax.f32 @p0 v6, v5;
	(xrf1) =	vsort.ascd.msk.f32 @p0 $0xffff, v4, v4  }
0x176: {  	(xrf1) =	vsort.dscd.msk.f32 @p0 $0xffff, v5, v5;
	_ =	sdelay $0x5  }
.Ltmp6:
0x177: {  	(pc) =	sbr.rel @p2 .LBB2_14-.Ltmp6, $2  }
0x178: {  	_ =	sdelay $0x2  }
0x179: {  	v4 =	vld @p0 [tilespmem:s17+$0x20]  }
0x17a: {  	_ =	sdelay $0x1  }
0x17b: {  	v3, _, _ =	vpop @p1 (xrf1)  }
0x17c: {  	v5, _, _ =	vpop @p1 (xrf1)  }
0x17d: {  	v3 =	vmax.f32 @p0 v5, v3;
	(xrf1) =	vsort.ascd.msk.f32 @p0 $0xffff, v4, v4  }
0x17e: {  	(xrf1) =	vsort.dscd.msk.f32 @p0 $0xffff, v3, v3;
	_ =	sdelay $0x9  }
0x17f: {  	v3 =	vld @p0 [tilespmem:s17+$0x30];
	_ =	sdelay $0x2  }
0x180: {  	v4, _, _ =	vpop @p1 (xrf1)  }
0x181: {  	v5, _, _ =	vpop @p1 (xrf1)  }
0x182: {  	(xrf1) =	vsort.ascd.msk.f32 @p0 $0xffff, v3, v3;
	v4 =	vmax.f32 @p0 v5, v4  }
0x183: {  	(xrf1) =	vsort.dscd.msk.f32 @p0 $0xffff, v4, v4;
	_ =	sdelay $0xc  }
0x184: {  	v3, _, _ =	vpop @p1 (xrf1)  }
0x185: {  	v4, _, _ =	vpop @p1 (xrf1)  }
0x186: {  	v3 =	vmax.f32 @p0 v4, v3  }
0x187: {  	(xrf1) =	vsort.dscd.msk.f32 @p0 $0xffff, v3, v3;
	_ =	sdelay $0xb  }
0x188: {  	s18 =	simm.s32 $0x0  }
0x189: {  	v3 =	vld [tilespmem:s18+$0x70]  }
0x18a: {  	v5 =	vld [tilespmem:s18+$0x0];
	v4, _, _ =	vpop @p1 (xrf1)  }
0x18b: {  	v8 =	vld [tilespmem:s18+$0x10];
	v2 =	vpsel p0, v4, v2  }
0x18c: {  	v7 =	vld [tilespmem:s18+$0x20];
	v2 =	vperm.xlane v2, v1  }
0x18d: {  	v6 =	vld [tilespmem:s18+$0x30]  }
0x18e: {  	v4 =	vld [tilespmem:s18+$0x40];
	vm0 =	vge.f32 v3, v2  }
0x18f: {  	v3 =	vld [tilespmem:s18+$0x50];
	vm1 =	vge.f32 v5, v2;
	v9 =	vsel vm0, $0x3F800000, v0  }
0x190: {  	s19 =	simm.s32 $0x400;
	s17 =	simm.s32 $0x80;
	v5 =	vld [tilespmem:s18+$0x60];
	vm0 =	vge.f32 v8, v2;
	v8 =	vsel vm1, $0x3F800000, v0;
	[tilespmem:s18+$0x8070] =	vst v9  }
.LBB2_16:
0x191: {  	p0 =	sne.s32 s19, $0x1FE00;
	v9 =	vld [tilespmem:s17+$0x70];
	[tilespmem:s18+$0x8000] =	vst v8;
	v8 =	vsel vm0, $0x3F800000, v0;
	vm0 =	vge.f32 v7, v2  }
0x192: {  	v10 =	vld [tilespmem:s17+$0x0];
	[tilespmem:s18+$0x8010] =	vst v8;
	v7 =	vsel vm0, $0x3F800000, v0;
	vm0 =	vge.f32 v6, v2  }
0x193: {  	v11 =	vld [tilespmem:s17+$0x10];
	[tilespmem:s18+$0x8020] =	vst v7;
	v6 =	vsel vm0, $0x3F800000, v0;
	vm0 =	vge.f32 v4, v2  }
.Ltmp7:
0x194: {  	v7 =	vld [tilespmem:s17+$0x20];
	[tilespmem:s18+$0x8030] =	vst v6;
	v4 =	vsel vm0, $0x3F800000, v0;
	vm0 =	vge.f32 v3, v2;
	(pc) =	sbr.rel @p0 .LBB2_16-.Ltmp7, $4  }
0x195: {  	v6 =	vld [tilespmem:s17+$0x30];
	[tilespmem:s18+$0x8040] =	vst v4;
	v3 =	vsel vm0, $0x3F800000, v0;
	vm0 =	vge.f32 v5, v2  }
0x196: {  	v4 =	vld [tilespmem:s17+$0x40];
	vm1 =	vge.f32 v9, v2;
	[tilespmem:s18+$0x8050] =	vst v3;
	v5 =	vsel vm0, $0x3F800000, v0  }
0x197: {  	vm0 =	vge.f32 v10, v2;
	v3 =	vld [tilespmem:s17+$0x50];
	v9 =	vsel vm1, $0x3F800000, v0;
	[tilespmem:s18+$0x8060] =	vst v5;
	s18 =	smov.u32 s17  }
0x198: {  	s17 =	sshra.s32 s19, $0x2;
	s19 =	sadd.s32 $0x200, s19;
	v8 =	vsel vm0, $0x3F800000, v0;
	vm0 =	vge.f32 v11, v2;
	v5 =	vld [tilespmem:s18+$0x60];
	[tilespmem:s18+$0x8070] =	vst v9  }
0x199: {  	v9 =	vld [tilespmem:s17+$0x70];
	[tilespmem:s18+$0x8000] =	vst v8;
	v61 =	vsel vm0, $0x3F800000, v0;
	vm4 =	vge.f32 v7, v2  }
0x19a: {  	v10 =	vld [tilespmem:s17+$0x0];
	[tilespmem:s18+$0x8010] =	vst v61;
	v7 =	vsel vm4, $0x3F800000, v0;
	vm5 =	vge.f32 v6, v2  }
0x19b: {  	v8 =	vld [tilespmem:s17+$0x10];
	[tilespmem:s18+$0x8020] =	vst v7;
	v6 =	vsel vm5, $0x3F800000, v0;
	vm6 =	vge.f32 v4, v2  }
0x19c: {  	v7 =	vld [tilespmem:s17+$0x20];
	[tilespmem:s18+$0x8030] =	vst v6;
	v4 =	vsel vm6, $0x3F800000, v0;
	vm7 =	vge.f32 v3, v2  }
0x19d: {  	v6 =	vld [tilespmem:s17+$0x30];
	[tilespmem:s18+$0x8040] =	vst v4;
	v3 =	vsel vm7, $0x3F800000, v0;
	vm8 =	vge.f32 v5, v2  }
0x19e: {  	v4 =	vld [tilespmem:s17+$0x40];
	[tilespmem:s18+$0x8050] =	vst v3;
	v3 =	vsel vm8, $0x3F800000, v0;
	vm9 =	vge.f32 v9, v2  }
0x19f: {  	v5 =	vld [tilespmem:s17+$0x50];
	[tilespmem:s18+$0x8060] =	vst v3;
	vm1 =	vge.f32 v10, v2;
	v3 =	vsel vm9, $0x3F800000, v0  }
0x1a0: {  	v62 =	vld [tilespmem:s17+$0x60];
	vm10 =	vge.f32 v8, v2;
	v63 =	vsel vm1, $0x3F800000, v0;
	[tilespmem:s17+$0x8070] =	vst v3  }
0x1a1: {  	[tilespmem:s17+$0x8000] =	vst v63;
	v3 =	vsel vm10, $0x3F800000, v0;
	vm11 =	vge.f32 v7, v2  }
0x1a2: {  	[tilespmem:s17+$0x8010] =	vst v3;
	v3 =	vsel vm11, $0x3F800000, v0;
	vm12 =	vge.f32 v6, v2  }
0x1a3: {  	[tilespmem:s17+$0x8020] =	vst v3;
	v3 =	vsel vm12, $0x3F800000, v0;
	vm13 =	vge.f32 v4, v2  }
0x1a4: {  	[tilespmem:s17+$0x8030] =	vst v3;
	v3 =	vsel vm13, $0x3F800000, v0;
	vm14 =	vge.f32 v5, v2  }
0x1a5: {  	[tilespmem:s17+$0x8040] =	vst v3;
	v3 =	vsel vm14, $0x3F800000, v0;
	vm15 =	vge.f32 v62, v2  }
0x1a6: {  	[tilespmem:s17+$0x8050] =	vst v3;
	v2 =	vsel vm15, $0x3F800000, v0  }
0x1a7: {  	[tilespmem:s17+$0x8060] =	vst v2  }
0x1a8: {  	[hbm4b:s6+s12] =	stream.strided.scatter [tilespmem:s15], [sflag:$0x1], $0x8000, s13, s12, $0x38;
	[tilespmem:$0x11000] =	vst v63  }
0x1a9: {  	_ =	swait.ge [sflag:s14], $0x8000  }
0x1aa: {  	[sflag:s14] =	ssyncset.done $0x0  }
0x1ab: {  	s17 =	simm.s32 $0x0;
	[sflag:s14] =	ssyncadd.s32 $0xFFFF8000  }
0x1ac: {  	[tilespmem:s17], [sflag:$0x1] =	stream.strided.gather [hbm4b:s7+s12], $0x8000, s13, s12, $0x38;
	[tilespmem:$0x11000] =	vst v63  }
0x1ad: {  	_ =	swait.ge [sflag:s14], $0x8000  }
0x1ae: {  	[sflag:s14] =	ssyncset.done $0x0  }
0x1af: {  	s18 =	simm.s32 $0x40;
	[sflag:s14] =	ssyncadd.s32 $0xFFFF8000  }
0x1b0: {  	v2 =	vld [tilespmem:s18+$0xFFFFFFD0]  }
0x1b1: {  	s19 =	simm.s32 $0x40;
	v3 =	vld [tilespmem:s18+$0xFFFFFFC0]  }
.LBB2_18:
0x1b2: {  	p0 =	sne.s32 s19, $0x3FC0;
	v4 =	vld [tilespmem:s18+$0xFFFFFFE0]  }
0x1b3: {  	v5 =	vld [tilespmem:s18+$0xFFFFFFF0]  }
0x1b4: {  	v6 =	vld [tilespmem:s18+$0x0]  }
0x1b5: {  	v7 =	vld [tilespmem:s18+$0x10]  }
0x1b6: {  	v2 =	vmax.f32 v3, v2;
	v3 =	vld [tilespmem:s18+$0x20]  }
0x1b7: {  	v2 =	vmax.f32 v2, v4;
	v4 =	vld [tilespmem:s18+$0x30]  }
0x1b8: {  	v2 =	vmax.f32 v2, v5  }
0x1b9: {  	v2 =	vmax.f32 v2, v6  }
0x1ba: {  	v2 =	vmax.f32 v2, v7  }
.Ltmp8:
0x1bb: {  	v2 =	vmax.f32 v2, v3;
	(pc) =	sbr.rel @p0 .LBB2_18-.Ltmp8, $4  }
0x1bc: {  	s20 =	sshra.s32 s17, $0x2;
	s17 =	smov.u32 s19;
	v2 =	vmax.f32 v2, v4  }
0x1bd: {  	s18 =	sadd.s32 $0x80, s18;
	[tilespmem:s20+$0x10000] =	vst v2  }
0x1be: {  	v2 =	vld [tilespmem:s18+$0xFFFFFFD0]  }
0x1bf: {  	s19 =	sadd.s32 $0x40, s19;
	v3 =	vld [tilespmem:s18+$0xFFFFFFC0]  }
0x1c0: {  	v4 =	vld [tilespmem:s18+$0xFFFFFFE0]  }
0x1c1: {  	v5 =	vld [tilespmem:s18+$0xFFFFFFF0]  }
0x1c2: {  	v6 =	vld [tilespmem:s18+$0x0]  }
0x1c3: {  	v7 =	vld [tilespmem:s18+$0x10]  }
0x1c4: {  	v2 =	vmax.f32 v3, v2;
	v3 =	vld [tilespmem:s18+$0x20]  }
0x1c5: {  	v2 =	vmax.f32 v2, v4;
	v4 =	vld [tilespmem:s18+$0x30]  }
0x1c6: {  	v2 =	vmax.f32 v2, v5  }
0x1c7: {  	v2 =	vmax.f32 v2, v6  }
0x1c8: {  	v2 =	vmax.f32 v2, v7  }
0x1c9: {  	v2 =	vmax.f32 v2, v3  }
0x1ca: {  	s17 =	sshra.s32 s17, $0x2;
	v2 =	vmax.f32 v2, v4  }
0x1cb: {  	s30 =	simm.s32 $0x0;
	[tilespmem:s17+$0x10000] =	vst v2  }
0x1cc: {  	v3 =	vld [tilespmem:s30+$0x10000];
	_ =	sdelay $0x3  }
0x1cd: {  	v2 =	vimm.f32 $-Inf  }
0x1ce: {  	vm0 =	vge.f32 v3, v2  }
0x1cf: {  	v4 =	vsel vm0, $0x3F800000, v0  }
0x1d0: {  	(xrf0) =	vmax.scan.msk.f32 $0xffff, v4;
	_ =	sdelay $0x5  }
0x1d1: {  	v4, _, _ =	vpop (xrf0)  }
0x1d2: {  	(v2sf) =	vpush v4, $0xF;
	_ =	sdelay $0xe  }
0x1d3: {  	s31 =	spop (v2sf)  }
0x1d4: {  	p1 =	sgt.f32 s31, $0.0e+00;
	_ =	sdelay $0x1  }
0x1d5: {  	(xrf1) =	vsort.ascd.msk.f32 @p1 $0xffff, v3, v3;
	_ =	sdelay $0xd  }
0x1d6: {  	v3, _, _ =	vpop @p1 (xrf1)  }
0x1d7: {  	v3 =	vmax.f32 @p1 v2, v3  }
0x1d8: {  	s17 =	simm.s32 $0x40;
	v4 =	vimm.f32 $-Inf;
	(xrf1) =	vsort.dscd.msk.f32 @p1 $0xffff, v3, v3;
	v3 =	vimm.f32 $-Inf  }
.LBB2_20:
0x1d9: {  	_ =	sdelay $0xa  }
0x1da: {  	s18 =	sshra.s32 s17, $0x2;
	s17 =	sadd.s32 $0x40, s17  }
0x1db: {  	v5 =	vld [tilespmem:s18+$0x10000];
	p0 =	sne.s32 s17, $0x4000  }
0x1dc: {  	v6 =	vimm.s32 @p1 $0xF;
	v7, _, _ =	vpop @p1 (xrf1)  }
0x1dd: {  	v6 =	vperm.xlane @p1 v7, v6;
	v4 =	vpsel p1, v7, v4;
	_ =	sdelay $0x1  }
0x1de: {  	v3 =	vpsel p1, v6, v3  }
0x1df: {  	vm0 =	vge.f32 v5, v3  }
0x1e0: {  	v6 =	vsel vm0, $0x3F800000, v0  }
0x1e1: {  	(xrf0) =	vmax.scan.msk.f32 $0xffff, v6;
	_ =	sdelay $0x5  }
0x1e2: {  	v6, _, _ =	vpop (xrf0)  }
0x1e3: {  	(v2sf) =	vpush v6, $0xF;
	_ =	sdelay $0xe  }
0x1e4: {  	s18 =	spop (v2sf)  }
0x1e5: {  	p1 =	sgt.f32 s18, $0.0e+00;
	_ =	sdelay $0x1  }
0x1e6: {  	(xrf1) =	vsort.ascd.msk.f32 @p1 $0xffff, v5, v5;
	_ =	sdelay $0xb  }
.Ltmp9:
0x1e7: {  	(pc) =	sbr.rel @p0 .LBB2_20-.Ltmp9, $4  }
0x1e8: {  	_ = 	snop  }
0x1e9: {  	v5, _, _ =	vpop @p1 (xrf1)  }
0x1ea: {  	v5 =	vmax.f32 @p1 v4, v5  }
0x1eb: {  	(xrf1) =	vsort.dscd.msk.f32 @p1 $0xffff, v5, v5  }
0x1ec: {  	_ =	sdelay $0xa  }
0x1ed: {  	s17 =	simm.s32 $0x0  }
0x1ee: {  	v4 =	vld [tilespmem:s17+$0x10000]  }
0x1ef: {  	v5 =	vimm.s32 @p1 $0xF;
	v6, _, _ =	vpop @p1 (xrf1)  }
0x1f0: {  	v5 =	vperm.xlane @p1 v6, v5;
	_ =	sdelay $0x1  }
0x1f1: {  	v3 =	vpsel p1, v5, v3  }
0x1f2: {  	vm0 =	vge.f32 v4, v3  }
0x1f3: {  	v4 =	vsel vm0, $0x3F800000, v0  }
0x1f4: {  	(xrf0) =	vmax.scan.msk.f32 $0xffff, v4;
	_ =	sdelay $0x5  }
0x1f5: {  	v4, _, _ =	vpop (xrf0)  }
0x1f6: {  	(v2sf) =	vpush v4, $0xF;
	_ =	sdelay $0xe  }
0x1f7: {  	s31 =	spop (v2sf)  }
0x1f8: {  	p1 =	sgt.f32 s31, $0.0e+00  }
0x1f9: {  	s17 =	simm.s32 $0x40  }
0x1fa: {  	v4 =	vld @p1 [tilespmem:s17+$0xFFFFFFC0];
	_ =	sdelay $0x4  }
0x1fb: {  	(xrf1) =	vsort.ascd.msk.f32 @p1 $0xffff, v4, v4;
	_ =	sdelay $0x9  }
0x1fc: {  	v4 =	vld @p1 [tilespmem:s17+$0xFFFFFFD0];
	_ =	sdelay $0x3  }
0x1fd: {  	p0 =	por p1, p1;
	v5, _, _ =	vpop @p1 (xrf1)  }
0x1fe: {  	(xrf1) =	vsort.ascd.msk.f32 @p0 $0xffff, v4, v4;
	v5 =	vmax.f32 @p0 v2, v5  }
0x1ff: {  	(xrf1) =	vsort.dscd.msk.f32 @p0 $0xffff, v5, v5;
	_ =	sdelay $0x9  }
0x200: {  	v4 =	vld @p0 [tilespmem:s17+$0xFFFFFFE0];
	_ =	sdelay $0x2  }
0x201: {  	v5, _, _ =	vpop @p1 (xrf1)  }
0x202: {  	v6, _, _ =	vpop @p1 (xrf1)  }
0x203: {  	(xrf1) =	vsort.ascd.msk.f32 @p0 $0xffff, v4, v4;
	v5 =	vmax.f32 @p0 v6, v5  }
0x204: {  	(xrf1) =	vsort.dscd.msk.f32 @p0 $0xffff, v5, v5;
	_ =	sdelay $0x9  }
0x205: {  	v4 =	vld @p0 [tilespmem:s17+$0xFFFFFFF0];
	_ =	sdelay $0x2  }
0x206: {  	v5, _, _ =	vpop @p1 (xrf1)  }
0x207: {  	v6, _, _ =	vpop @p1 (xrf1)  }
0x208: {  	(xrf1) =	vsort.ascd.msk.f32 @p0 $0xffff, v4, v4;
	v5 =	vmax.f32 @p0 v6, v5  }
0x209: {  	(xrf1) =	vsort.dscd.msk.f32 @p0 $0xffff, v5, v5;
	_ =	sdelay $0x9  }
0x20a: {  	v4 =	vld @p0 [tilespmem:s17+$0x0];
	_ =	sdelay $0x2  }
0x20b: {  	v5, _, _ =	vpop @p1 (xrf1)  }
0x20c: {  	v6, _, _ =	vpop @p1 (xrf1)  }
0x20d: {  	(xrf1) =	vsort.ascd.msk.f32 @p0 $0xffff, v4, v4;
	v5 =	vmax.f32 @p0 v6, v5  }
0x20e: {  	(xrf1) =	vsort.dscd.msk.f32 @p0 $0xffff, v5, v5;
	_ =	sdelay $0x9  }
0x20f: {  	v4 =	vld @p0 [tilespmem:s17+$0x10];
	_ =	sdelay $0x2  }
0x210: {  	v5, _, _ =	vpop @p1 (xrf1)  }
0x211: {  	v6, _, _ =	vpop @p1 (xrf1)  }
0x212: {  	(xrf1) =	vsort.ascd.msk.f32 @p0 $0xffff, v4, v4;
	v5 =	vmax.f32 @p0 v6, v5  }
0x213: {  	(xrf1) =	vsort.dscd.msk.f32 @p0 $0xffff, v5, v5;
	_ =	sdelay $0x8  }
0x214: {  	s18 =	simm.s32 $0x40;
	v4 =	vld @p0 [tilespmem:s17+$0x20]  }
.LBB2_22:
0x215: {  	p3 =	por p1, p1  }
0x216: {  	s19 =	sshra.s32 s18, $0x2;
	s18 =	sadd.s32 $0x40, s18  }
0x217: {  	p2 =	sne.s32 s18, $0x4000;
	v5 =	vld [tilespmem:s19+$0x10000]  }
0x218: {  	v6, _, _ =	vpop @p1 (xrf1)  }
0x219: {  	v7, _, _ =	vpop @p1 (xrf1)  }
0x21a: {  	v6 =	vmax.f32 @p0 v7, v6;
	(xrf1) =	vsort.ascd.msk.f32 @p0 $0xffff, v4, v4  }
0x21b: {  	(xrf1) =	vsort.dscd.msk.f32 @p0 $0xffff, v6, v6  }
0x21c: {  	vm0 =	vge.f32 v5, v3  }
0x21d: {  	v4 =	vsel vm0, $0x3F800000, v0  }
0x21e: {  	(xrf0) =	vmax.scan.msk.f32 $0xffff, v4;
	_ =	sdelay $0x5  }
0x21f: {  	v4, _, _ =	vpop (xrf0)  }
0x220: {  	(v2sf) =	vpush v4, $0xF;
	v4 =	vld @p0 [tilespmem:s17+$0x30];
	_ =	sdelay $0x2  }
0x221: {  	v5, _, _ =	vpop @p1 (xrf1)  }
0x222: {  	v6, _, _ =	vpop @p1 (xrf1)  }
0x223: {  	v5 =	vmax.f32 @p0 v6, v5;
	(xrf1) =	vsort.ascd.msk.f32 @p0 $0xffff, v4, v4  }
0x224: {  	(xrf1) =	vsort.dscd.msk.f32 @p0 $0xffff, v5, v5;
	_ =	sdelay $0x8  }
0x225: {  	s19 =	spop (v2sf)  }
0x226: {  	p1 =	sgt.f32 s19, $0.0e+00  }
0x227: {  	s17 =	sadd.s32 $0x80, s17  }
0x228: {  	v4 =	vld @p1 [tilespmem:s17+$0xFFFFFFC0]  }
0x229: {  	v5, _, _ =	vpop @p3 (xrf1)  }
0x22a: {  	v6, _, _ =	vpop @p3 (xrf1)  }
0x22b: {  	v5 =	vmax.f32 @p0 v6, v5  }
0x22c: {  	(xrf1) =	vsort.dscd.msk.f32 @p0 $0xffff, v5, v5  }
0x22d: {  	(xrf1) =	vsort.ascd.msk.f32 @p1 $0xffff, v4, v4;
	_ =	sdelay $0x9  }
0x22e: {  	v4 =	vld @p1 [tilespmem:s17+$0xFFFFFFD0];
	_ =	sdelay $0x2  }
0x22f: {  	v5, _, _ =	vpop @p3 (xrf1)  }
0x230: {  	v6, _, _ =	vpop @p1 (xrf1);
	v2 =	vpsel p0, v5, v2;
	p0 =	por p1, p1  }
0x231: {  	v5 =	vmax.f32 @p0 v2, v6;
	(xrf1) =	vsort.ascd.msk.f32 @p0 $0xffff, v4, v4  }
0x232: {  	(xrf1) =	vsort.dscd.msk.f32 @p0 $0xffff, v5, v5;
	_ =	sdelay $0x9  }
0x233: {  	v4 =	vld @p0 [tilespmem:s17+$0xFFFFFFE0];
	_ =	sdelay $0x2  }
0x234: {  	v5, _, _ =	vpop @p1 (xrf1)  }
0x235: {  	v6, _, _ =	vpop @p1 (xrf1)  }
0x236: {  	v5 =	vmax.f32 @p0 v6, v5;
	(xrf1) =	vsort.ascd.msk.f32 @p0 $0xffff, v4, v4  }
0x237: {  	(xrf1) =	vsort.dscd.msk.f32 @p0 $0xffff, v5, v5;
	_ =	sdelay $0x9  }
0x238: {  	v4 =	vld @p0 [tilespmem:s17+$0xFFFFFFF0];
	_ =	sdelay $0x2  }
0x239: {  	v5, _, _ =	vpop @p1 (xrf1)  }
0x23a: {  	v6, _, _ =	vpop @p1 (xrf1)  }
0x23b: {  	v5 =	vmax.f32 @p0 v6, v5;
	(xrf1) =	vsort.ascd.msk.f32 @p0 $0xffff, v4, v4  }
0x23c: {  	(xrf1) =	vsort.dscd.msk.f32 @p0 $0xffff, v5, v5;
	_ =	sdelay $0x9  }
0x23d: {  	v4 =	vld @p0 [tilespmem:s17+$0x0];
	_ =	sdelay $0x2  }
0x23e: {  	v5, _, _ =	vpop @p1 (xrf1)  }
0x23f: {  	v6, _, _ =	vpop @p1 (xrf1)  }
0x240: {  	v5 =	vmax.f32 @p0 v6, v5;
	(xrf1) =	vsort.ascd.msk.f32 @p0 $0xffff, v4, v4  }
0x241: {  	(xrf1) =	vsort.dscd.msk.f32 @p0 $0xffff, v5, v5;
	_ =	sdelay $0x9  }
0x242: {  	v4 =	vld @p0 [tilespmem:s17+$0x10];
	_ =	sdelay $0x2  }
0x243: {  	v5, _, _ =	vpop @p1 (xrf1)  }
0x244: {  	v6, _, _ =	vpop @p1 (xrf1)  }
0x245: {  	v5 =	vmax.f32 @p0 v6, v5;
	(xrf1) =	vsort.ascd.msk.f32 @p0 $0xffff, v4, v4  }
0x246: {  	(xrf1) =	vsort.dscd.msk.f32 @p0 $0xffff, v5, v5;
	_ =	sdelay $0x5  }
.Ltmp10:
0x247: {  	(pc) =	sbr.rel @p2 .LBB2_22-.Ltmp10, $2  }
0x248: {  	_ =	sdelay $0x2  }
0x249: {  	v4 =	vld @p0 [tilespmem:s17+$0x20]  }
0x24a: {  	_ =	sdelay $0x1  }
0x24b: {  	v3, _, _ =	vpop @p1 (xrf1)  }
0x24c: {  	v5, _, _ =	vpop @p1 (xrf1)  }
0x24d: {  	v3 =	vmax.f32 @p0 v5, v3;
	(xrf1) =	vsort.ascd.msk.f32 @p0 $0xffff, v4, v4  }
0x24e: {  	(xrf1) =	vsort.dscd.msk.f32 @p0 $0xffff, v3, v3;
	_ =	sdelay $0x9  }
0x24f: {  	v3 =	vld @p0 [tilespmem:s17+$0x30];
	_ =	sdelay $0x2  }
0x250: {  	v4, _, _ =	vpop @p1 (xrf1)  }
0x251: {  	v5, _, _ =	vpop @p1 (xrf1)  }
0x252: {  	(xrf1) =	vsort.ascd.msk.f32 @p0 $0xffff, v3, v3;
	v4 =	vmax.f32 @p0 v5, v4  }
0x253: {  	(xrf1) =	vsort.dscd.msk.f32 @p0 $0xffff, v4, v4;
	_ =	sdelay $0xc  }
0x254: {  	v3, _, _ =	vpop @p1 (xrf1)  }
0x255: {  	v4, _, _ =	vpop @p1 (xrf1)  }
0x256: {  	v3 =	vmax.f32 @p0 v4, v3  }
0x257: {  	(xrf1) =	vsort.dscd.msk.f32 @p0 $0xffff, v3, v3;
	_ =	sdelay $0xb  }
0x258: {  	s18 =	simm.s32 $0x0  }
0x259: {  	v3 =	vld [tilespmem:s18+$0x70]  }
0x25a: {  	v5 =	vld [tilespmem:s18+$0x0];
	v4, _, _ =	vpop @p1 (xrf1)  }
0x25b: {  	v8 =	vld [tilespmem:s18+$0x10];
	v2 =	vpsel p0, v4, v2  }
0x25c: {  	v7 =	vld [tilespmem:s18+$0x20];
	v2 =	vperm.xlane v2, v1  }
0x25d: {  	v6 =	vld [tilespmem:s18+$0x30]  }
0x25e: {  	v4 =	vld [tilespmem:s18+$0x40];
	vm0 =	vge.f32 v3, v2  }
0x25f: {  	v3 =	vld [tilespmem:s18+$0x50];
	vm1 =	vge.f32 v5, v2;
	v9 =	vsel vm0, $0x3F800000, v0  }
0x260: {  	s19 =	simm.s32 $0x400;
	s17 =	simm.s32 $0x80;
	v5 =	vld [tilespmem:s18+$0x60];
	vm0 =	vge.f32 v8, v2;
	v8 =	vsel vm1, $0x3F800000, v0;
	[tilespmem:s18+$0x8070] =	vst v9  }
.LBB2_24:
0x261: {  	p0 =	sne.s32 s19, $0x1FE00;
	v9 =	vld [tilespmem:s17+$0x70];
	[tilespmem:s18+$0x8000] =	vst v8;
	v8 =	vsel vm0, $0x3F800000, v0;
	vm0 =	vge.f32 v7, v2  }
0x262: {  	v10 =	vld [tilespmem:s17+$0x0];
	[tilespmem:s18+$0x8010] =	vst v8;
	v7 =	vsel vm0, $0x3F800000, v0;
	vm0 =	vge.f32 v6, v2  }
0x263: {  	v11 =	vld [tilespmem:s17+$0x10];
	[tilespmem:s18+$0x8020] =	vst v7;
	v6 =	vsel vm0, $0x3F800000, v0;
	vm0 =	vge.f32 v4, v2  }
.Ltmp11:
0x264: {  	v7 =	vld [tilespmem:s17+$0x20];
	[tilespmem:s18+$0x8030] =	vst v6;
	v4 =	vsel vm0, $0x3F800000, v0;
	vm0 =	vge.f32 v3, v2;
	(pc) =	sbr.rel @p0 .LBB2_24-.Ltmp11, $4  }
0x265: {  	v6 =	vld [tilespmem:s17+$0x30];
	[tilespmem:s18+$0x8040] =	vst v4;
	v3 =	vsel vm0, $0x3F800000, v0;
	vm0 =	vge.f32 v5, v2  }
0x266: {  	v4 =	vld [tilespmem:s17+$0x40];
	vm1 =	vge.f32 v9, v2;
	[tilespmem:s18+$0x8050] =	vst v3;
	v5 =	vsel vm0, $0x3F800000, v0  }
0x267: {  	vm0 =	vge.f32 v10, v2;
	v3 =	vld [tilespmem:s17+$0x50];
	v9 =	vsel vm1, $0x3F800000, v0;
	[tilespmem:s18+$0x8060] =	vst v5;
	s18 =	smov.u32 s17  }
0x268: {  	s17 =	sshra.s32 s19, $0x2;
	s19 =	sadd.s32 $0x200, s19;
	v8 =	vsel vm0, $0x3F800000, v0;
	vm0 =	vge.f32 v11, v2;
	v5 =	vld [tilespmem:s18+$0x60];
	[tilespmem:s18+$0x8070] =	vst v9  }
0x269: {  	v9 =	vld [tilespmem:s17+$0x70];
	[tilespmem:s18+$0x8000] =	vst v8;
	v61 =	vsel vm0, $0x3F800000, v0;
	vm4 =	vge.f32 v7, v2  }
0x26a: {  	v10 =	vld [tilespmem:s17+$0x0];
	[tilespmem:s18+$0x8010] =	vst v61;
	v7 =	vsel vm4, $0x3F800000, v0;
	vm5 =	vge.f32 v6, v2  }
0x26b: {  	v8 =	vld [tilespmem:s17+$0x10];
	[tilespmem:s18+$0x8020] =	vst v7;
	v6 =	vsel vm5, $0x3F800000, v0;
	vm6 =	vge.f32 v4, v2  }
0x26c: {  	v7 =	vld [tilespmem:s17+$0x20];
	[tilespmem:s18+$0x8030] =	vst v6;
	v4 =	vsel vm6, $0x3F800000, v0;
	vm7 =	vge.f32 v3, v2  }
0x26d: {  	v6 =	vld [tilespmem:s17+$0x30];
	[tilespmem:s18+$0x8040] =	vst v4;
	v3 =	vsel vm7, $0x3F800000, v0;
	vm8 =	vge.f32 v5, v2  }
0x26e: {  	v4 =	vld [tilespmem:s17+$0x40];
	[tilespmem:s18+$0x8050] =	vst v3;
	v3 =	vsel vm8, $0x3F800000, v0;
	vm9 =	vge.f32 v9, v2  }
0x26f: {  	v5 =	vld [tilespmem:s17+$0x50];
	[tilespmem:s18+$0x8060] =	vst v3;
	vm1 =	vge.f32 v10, v2;
	v3 =	vsel vm9, $0x3F800000, v0  }
0x270: {  	v62 =	vld [tilespmem:s17+$0x60];
	vm10 =	vge.f32 v8, v2;
	v63 =	vsel vm1, $0x3F800000, v0;
	[tilespmem:s17+$0x8070] =	vst v3  }
0x271: {  	[tilespmem:s17+$0x8000] =	vst v63;
	v3 =	vsel vm10, $0x3F800000, v0;
	vm11 =	vge.f32 v7, v2  }
0x272: {  	[tilespmem:s17+$0x8010] =	vst v3;
	v3 =	vsel vm11, $0x3F800000, v0;
	vm12 =	vge.f32 v6, v2  }
0x273: {  	[tilespmem:s17+$0x8020] =	vst v3;
	v3 =	vsel vm12, $0x3F800000, v0;
	vm13 =	vge.f32 v4, v2  }
0x274: {  	[tilespmem:s17+$0x8030] =	vst v3;
	v3 =	vsel vm13, $0x3F800000, v0;
	vm14 =	vge.f32 v5, v2  }
0x275: {  	[tilespmem:s17+$0x8040] =	vst v3;
	v3 =	vsel vm14, $0x3F800000, v0;
	vm15 =	vge.f32 v62, v2  }
0x276: {  	[tilespmem:s17+$0x8050] =	vst v3;
	v2 =	vsel vm15, $0x3F800000, v0  }
0x277: {  	[tilespmem:s17+$0x8060] =	vst v2  }
0x278: {  	[hbm4b:s8+s12] =	stream.strided.scatter [tilespmem:s15], [sflag:$0x1], $0x8000, s13, s12, $0x38;
	[tilespmem:$0x11000] =	vst v63  }
0x279: {  	_ =	swait.ge [sflag:s14], $0x8000  }
0x27a: {  	[sflag:s14] =	ssyncset.done $0x0  }
0x27b: {  	s17 =	simm.s32 $0x0;
	[sflag:s14] =	ssyncadd.s32 $0xFFFF8000  }
0x27c: {  	[tilespmem:s17], [sflag:$0x1] =	stream.strided.gather [hbm4b:s9+s12], $0x8000, s13, s12, $0x38;
	[tilespmem:$0x11000] =	vst v63  }
0x27d: {  	_ =	swait.ge [sflag:s14], $0x8000  }
0x27e: {  	[sflag:s14] =	ssyncset.done $0x0  }
0x27f: {  	s18 =	simm.s32 $0x40;
	[sflag:s14] =	ssyncadd.s32 $0xFFFF8000  }
0x280: {  	v2 =	vld [tilespmem:s18+$0xFFFFFFD0]  }
0x281: {  	s19 =	simm.s32 $0x40;
	v3 =	vld [tilespmem:s18+$0xFFFFFFC0]  }
.LBB2_26:
0x282: {  	p0 =	sne.s32 s19, $0x3FC0;
	v4 =	vld [tilespmem:s18+$0xFFFFFFE0]  }
0x283: {  	v5 =	vld [tilespmem:s18+$0xFFFFFFF0]  }
0x284: {  	v6 =	vld [tilespmem:s18+$0x0]  }
0x285: {  	v7 =	vld [tilespmem:s18+$0x10]  }
0x286: {  	v2 =	vmax.f32 v3, v2;
	v3 =	vld [tilespmem:s18+$0x20]  }
0x287: {  	v2 =	vmax.f32 v2, v4;
	v4 =	vld [tilespmem:s18+$0x30]  }
0x288: {  	v2 =	vmax.f32 v2, v5  }
0x289: {  	v2 =	vmax.f32 v2, v6  }
0x28a: {  	v2 =	vmax.f32 v2, v7  }
.Ltmp12:
0x28b: {  	v2 =	vmax.f32 v2, v3;
	(pc) =	sbr.rel @p0 .LBB2_26-.Ltmp12, $4  }
0x28c: {  	s20 =	sshra.s32 s17, $0x2;
	s17 =	smov.u32 s19;
	v2 =	vmax.f32 v2, v4  }
0x28d: {  	s18 =	sadd.s32 $0x80, s18;
	[tilespmem:s20+$0x10000] =	vst v2  }
0x28e: {  	v2 =	vld [tilespmem:s18+$0xFFFFFFD0]  }
0x28f: {  	s19 =	sadd.s32 $0x40, s19;
	v3 =	vld [tilespmem:s18+$0xFFFFFFC0]  }
0x290: {  	v4 =	vld [tilespmem:s18+$0xFFFFFFE0]  }
0x291: {  	v5 =	vld [tilespmem:s18+$0xFFFFFFF0]  }
0x292: {  	v6 =	vld [tilespmem:s18+$0x0]  }
0x293: {  	v7 =	vld [tilespmem:s18+$0x10]  }
0x294: {  	v2 =	vmax.f32 v3, v2;
	v3 =	vld [tilespmem:s18+$0x20]  }
0x295: {  	v2 =	vmax.f32 v2, v4;
	v4 =	vld [tilespmem:s18+$0x30]  }
0x296: {  	v2 =	vmax.f32 v2, v5  }
0x297: {  	v2 =	vmax.f32 v2, v6  }
0x298: {  	v2 =	vmax.f32 v2, v7  }
0x299: {  	v2 =	vmax.f32 v2, v3  }
0x29a: {  	s17 =	sshra.s32 s17, $0x2;
	v2 =	vmax.f32 v2, v4  }
0x29b: {  	s30 =	simm.s32 $0x0;
	[tilespmem:s17+$0x10000] =	vst v2  }
0x29c: {  	v3 =	vld [tilespmem:s30+$0x10000];
	_ =	sdelay $0x3  }
0x29d: {  	v2 =	vimm.f32 $-Inf  }
0x29e: {  	vm0 =	vge.f32 v3, v2  }
0x29f: {  	v4 =	vsel vm0, $0x3F800000, v0  }
0x2a0: {  	(xrf0) =	vmax.scan.msk.f32 $0xffff, v4;
	_ =	sdelay $0x5  }
0x2a1: {  	v4, _, _ =	vpop (xrf0)  }
0x2a2: {  	(v2sf) =	vpush v4, $0xF;
	_ =	sdelay $0xe  }
0x2a3: {  	s31 =	spop (v2sf)  }
0x2a4: {  	p1 =	sgt.f32 s31, $0.0e+00;
	_ =	sdelay $0x1  }
0x2a5: {  	(xrf1) =	vsort.ascd.msk.f32 @p1 $0xffff, v3, v3;
	_ =	sdelay $0xd  }
0x2a6: {  	v3, _, _ =	vpop @p1 (xrf1)  }
0x2a7: {  	v3 =	vmax.f32 @p1 v2, v3  }
0x2a8: {  	s17 =	simm.s32 $0x40;
	v4 =	vimm.f32 $-Inf;
	(xrf1) =	vsort.dscd.msk.f32 @p1 $0xffff, v3, v3;
	v3 =	vimm.f32 $-Inf  }
.LBB2_28:
0x2a9: {  	_ =	sdelay $0xa  }
0x2aa: {  	s18 =	sshra.s32 s17, $0x2;
	s17 =	sadd.s32 $0x40, s17  }
0x2ab: {  	v5 =	vld [tilespmem:s18+$0x10000];
	p0 =	sne.s32 s17, $0x4000  }
0x2ac: {  	v6 =	vimm.s32 @p1 $0xF;
	v7, _, _ =	vpop @p1 (xrf1)  }
0x2ad: {  	v6 =	vperm.xlane @p1 v7, v6;
	v4 =	vpsel p1, v7, v4;
	_ =	sdelay $0x1  }
0x2ae: {  	v3 =	vpsel p1, v6, v3  }
0x2af: {  	vm0 =	vge.f32 v5, v3  }
0x2b0: {  	v6 =	vsel vm0, $0x3F800000, v0  }
0x2b1: {  	(xrf0) =	vmax.scan.msk.f32 $0xffff, v6;
	_ =	sdelay $0x5  }
0x2b2: {  	v6, _, _ =	vpop (xrf0)  }
0x2b3: {  	(v2sf) =	vpush v6, $0xF;
	_ =	sdelay $0xe  }
0x2b4: {  	s18 =	spop (v2sf)  }
0x2b5: {  	p1 =	sgt.f32 s18, $0.0e+00;
	_ =	sdelay $0x1  }
0x2b6: {  	(xrf1) =	vsort.ascd.msk.f32 @p1 $0xffff, v5, v5;
	_ =	sdelay $0xb  }
.Ltmp13:
0x2b7: {  	(pc) =	sbr.rel @p0 .LBB2_28-.Ltmp13, $4  }
0x2b8: {  	_ = 	snop  }
0x2b9: {  	v5, _, _ =	vpop @p1 (xrf1)  }
0x2ba: {  	v5 =	vmax.f32 @p1 v4, v5  }
0x2bb: {  	(xrf1) =	vsort.dscd.msk.f32 @p1 $0xffff, v5, v5  }
0x2bc: {  	_ =	sdelay $0xa  }
0x2bd: {  	s17 =	simm.s32 $0x0  }
0x2be: {  	v4 =	vld [tilespmem:s17+$0x10000]  }
0x2bf: {  	v5 =	vimm.s32 @p1 $0xF;
	v6, _, _ =	vpop @p1 (xrf1)  }
0x2c0: {  	v5 =	vperm.xlane @p1 v6, v5;
	_ =	sdelay $0x1  }
0x2c1: {  	v3 =	vpsel p1, v5, v3  }
0x2c2: {  	vm0 =	vge.f32 v4, v3  }
0x2c3: {  	v4 =	vsel vm0, $0x3F800000, v0  }
0x2c4: {  	(xrf0) =	vmax.scan.msk.f32 $0xffff, v4;
	_ =	sdelay $0x5  }
0x2c5: {  	v4, _, _ =	vpop (xrf0)  }
0x2c6: {  	(v2sf) =	vpush v4, $0xF;
	_ =	sdelay $0xe  }
0x2c7: {  	s31 =	spop (v2sf)  }
0x2c8: {  	p1 =	sgt.f32 s31, $0.0e+00  }
0x2c9: {  	s17 =	simm.s32 $0x40  }
0x2ca: {  	v4 =	vld @p1 [tilespmem:s17+$0xFFFFFFC0];
	_ =	sdelay $0x4  }
0x2cb: {  	(xrf1) =	vsort.ascd.msk.f32 @p1 $0xffff, v4, v4;
	_ =	sdelay $0x9  }
0x2cc: {  	v4 =	vld @p1 [tilespmem:s17+$0xFFFFFFD0];
	_ =	sdelay $0x3  }
0x2cd: {  	p0 =	por p1, p1;
	v5, _, _ =	vpop @p1 (xrf1)  }
0x2ce: {  	(xrf1) =	vsort.ascd.msk.f32 @p0 $0xffff, v4, v4;
	v5 =	vmax.f32 @p0 v2, v5  }
0x2cf: {  	(xrf1) =	vsort.dscd.msk.f32 @p0 $0xffff, v5, v5;
	_ =	sdelay $0x9  }
0x2d0: {  	v4 =	vld @p0 [tilespmem:s17+$0xFFFFFFE0];
	_ =	sdelay $0x2  }
0x2d1: {  	v5, _, _ =	vpop @p1 (xrf1)  }
0x2d2: {  	v6, _, _ =	vpop @p1 (xrf1)  }
0x2d3: {  	(xrf1) =	vsort.ascd.msk.f32 @p0 $0xffff, v4, v4;
	v5 =	vmax.f32 @p0 v6, v5  }
0x2d4: {  	(xrf1) =	vsort.dscd.msk.f32 @p0 $0xffff, v5, v5;
	_ =	sdelay $0x9  }
0x2d5: {  	v4 =	vld @p0 [tilespmem:s17+$0xFFFFFFF0];
	_ =	sdelay $0x2  }
0x2d6: {  	v5, _, _ =	vpop @p1 (xrf1)  }
0x2d7: {  	v6, _, _ =	vpop @p1 (xrf1)  }
0x2d8: {  	(xrf1) =	vsort.ascd.msk.f32 @p0 $0xffff, v4, v4;
	v5 =	vmax.f32 @p0 v6, v5  }
0x2d9: {  	(xrf1) =	vsort.dscd.msk.f32 @p0 $0xffff, v5, v5;
	_ =	sdelay $0x9  }
0x2da: {  	v4 =	vld @p0 [tilespmem:s17+$0x0];
	_ =	sdelay $0x2  }
0x2db: {  	v5, _, _ =	vpop @p1 (xrf1)  }
0x2dc: {  	v6, _, _ =	vpop @p1 (xrf1)  }
0x2dd: {  	(xrf1) =	vsort.ascd.msk.f32 @p0 $0xffff, v4, v4;
	v5 =	vmax.f32 @p0 v6, v5  }
0x2de: {  	(xrf1) =	vsort.dscd.msk.f32 @p0 $0xffff, v5, v5;
	_ =	sdelay $0x9  }
0x2df: {  	v4 =	vld @p0 [tilespmem:s17+$0x10];
	_ =	sdelay $0x2  }
0x2e0: {  	v5, _, _ =	vpop @p1 (xrf1)  }
0x2e1: {  	v6, _, _ =	vpop @p1 (xrf1)  }
0x2e2: {  	(xrf1) =	vsort.ascd.msk.f32 @p0 $0xffff, v4, v4;
	v5 =	vmax.f32 @p0 v6, v5  }
0x2e3: {  	(xrf1) =	vsort.dscd.msk.f32 @p0 $0xffff, v5, v5;
	_ =	sdelay $0x8  }
0x2e4: {  	s18 =	simm.s32 $0x40;
	v4 =	vld @p0 [tilespmem:s17+$0x20]  }
.LBB2_30:
0x2e5: {  	p3 =	por p1, p1  }
0x2e6: {  	s19 =	sshra.s32 s18, $0x2;
	s18 =	sadd.s32 $0x40, s18  }
0x2e7: {  	p2 =	sne.s32 s18, $0x4000;
	v5 =	vld [tilespmem:s19+$0x10000]  }
0x2e8: {  	v6, _, _ =	vpop @p1 (xrf1)  }
0x2e9: {  	v7, _, _ =	vpop @p1 (xrf1)  }
0x2ea: {  	v6 =	vmax.f32 @p0 v7, v6;
	(xrf1) =	vsort.ascd.msk.f32 @p0 $0xffff, v4, v4  }
0x2eb: {  	(xrf1) =	vsort.dscd.msk.f32 @p0 $0xffff, v6, v6  }
0x2ec: {  	vm0 =	vge.f32 v5, v3  }
0x2ed: {  	v4 =	vsel vm0, $0x3F800000, v0  }
0x2ee: {  	(xrf0) =	vmax.scan.msk.f32 $0xffff, v4;
	_ =	sdelay $0x5  }
0x2ef: {  	v4, _, _ =	vpop (xrf0)  }
0x2f0: {  	(v2sf) =	vpush v4, $0xF;
	v4 =	vld @p0 [tilespmem:s17+$0x30];
	_ =	sdelay $0x2  }
0x2f1: {  	v5, _, _ =	vpop @p1 (xrf1)  }
0x2f2: {  	v6, _, _ =	vpop @p1 (xrf1)  }
0x2f3: {  	v5 =	vmax.f32 @p0 v6, v5;
	(xrf1) =	vsort.ascd.msk.f32 @p0 $0xffff, v4, v4  }
0x2f4: {  	(xrf1) =	vsort.dscd.msk.f32 @p0 $0xffff, v5, v5;
	_ =	sdelay $0x8  }
0x2f5: {  	s19 =	spop (v2sf)  }
0x2f6: {  	p1 =	sgt.f32 s19, $0.0e+00  }
0x2f7: {  	s17 =	sadd.s32 $0x80, s17  }
0x2f8: {  	v4 =	vld @p1 [tilespmem:s17+$0xFFFFFFC0]  }
0x2f9: {  	v5, _, _ =	vpop @p3 (xrf1)  }
0x2fa: {  	v6, _, _ =	vpop @p3 (xrf1)  }
0x2fb: {  	v5 =	vmax.f32 @p0 v6, v5  }
0x2fc: {  	(xrf1) =	vsort.dscd.msk.f32 @p0 $0xffff, v5, v5  }
0x2fd: {  	(xrf1) =	vsort.ascd.msk.f32 @p1 $0xffff, v4, v4;
	_ =	sdelay $0x9  }
0x2fe: {  	v4 =	vld @p1 [tilespmem:s17+$0xFFFFFFD0];
	_ =	sdelay $0x2  }
0x2ff: {  	v5, _, _ =	vpop @p3 (xrf1)  }
0x300: {  	v6, _, _ =	vpop @p1 (xrf1);
	v2 =	vpsel p0, v5, v2;
	p0 =	por p1, p1  }
0x301: {  	v5 =	vmax.f32 @p0 v2, v6;
	(xrf1) =	vsort.ascd.msk.f32 @p0 $0xffff, v4, v4  }
0x302: {  	(xrf1) =	vsort.dscd.msk.f32 @p0 $0xffff, v5, v5;
	_ =	sdelay $0x9  }
0x303: {  	v4 =	vld @p0 [tilespmem:s17+$0xFFFFFFE0];
	_ =	sdelay $0x2  }
0x304: {  	v5, _, _ =	vpop @p1 (xrf1)  }
0x305: {  	v6, _, _ =	vpop @p1 (xrf1)  }
0x306: {  	v5 =	vmax.f32 @p0 v6, v5;
	(xrf1) =	vsort.ascd.msk.f32 @p0 $0xffff, v4, v4  }
0x307: {  	(xrf1) =	vsort.dscd.msk.f32 @p0 $0xffff, v5, v5;
	_ =	sdelay $0x9  }
0x308: {  	v4 =	vld @p0 [tilespmem:s17+$0xFFFFFFF0];
	_ =	sdelay $0x2  }
0x309: {  	v5, _, _ =	vpop @p1 (xrf1)  }
0x30a: {  	v6, _, _ =	vpop @p1 (xrf1)  }
0x30b: {  	v5 =	vmax.f32 @p0 v6, v5;
	(xrf1) =	vsort.ascd.msk.f32 @p0 $0xffff, v4, v4  }
0x30c: {  	(xrf1) =	vsort.dscd.msk.f32 @p0 $0xffff, v5, v5;
	_ =	sdelay $0x9  }
0x30d: {  	v4 =	vld @p0 [tilespmem:s17+$0x0];
	_ =	sdelay $0x2  }
0x30e: {  	v5, _, _ =	vpop @p1 (xrf1)  }
0x30f: {  	v6, _, _ =	vpop @p1 (xrf1)  }
0x310: {  	v5 =	vmax.f32 @p0 v6, v5;
	(xrf1) =	vsort.ascd.msk.f32 @p0 $0xffff, v4, v4  }
0x311: {  	(xrf1) =	vsort.dscd.msk.f32 @p0 $0xffff, v5, v5;
	_ =	sdelay $0x9  }
0x312: {  	v4 =	vld @p0 [tilespmem:s17+$0x10];
	_ =	sdelay $0x2  }
0x313: {  	v5, _, _ =	vpop @p1 (xrf1)  }
0x314: {  	v6, _, _ =	vpop @p1 (xrf1)  }
0x315: {  	v5 =	vmax.f32 @p0 v6, v5;
	(xrf1) =	vsort.ascd.msk.f32 @p0 $0xffff, v4, v4  }
0x316: {  	(xrf1) =	vsort.dscd.msk.f32 @p0 $0xffff, v5, v5;
	_ =	sdelay $0x5  }
.Ltmp14:
0x317: {  	(pc) =	sbr.rel @p2 .LBB2_30-.Ltmp14, $2  }
0x318: {  	_ =	sdelay $0x2  }
0x319: {  	v4 =	vld @p0 [tilespmem:s17+$0x20]  }
0x31a: {  	_ =	sdelay $0x1  }
0x31b: {  	v3, _, _ =	vpop @p1 (xrf1)  }
0x31c: {  	v5, _, _ =	vpop @p1 (xrf1)  }
0x31d: {  	v3 =	vmax.f32 @p0 v5, v3;
	(xrf1) =	vsort.ascd.msk.f32 @p0 $0xffff, v4, v4  }
0x31e: {  	(xrf1) =	vsort.dscd.msk.f32 @p0 $0xffff, v3, v3;
	_ =	sdelay $0x9  }
0x31f: {  	v3 =	vld @p0 [tilespmem:s17+$0x30];
	_ =	sdelay $0x2  }
0x320: {  	v4, _, _ =	vpop @p1 (xrf1)  }
0x321: {  	v5, _, _ =	vpop @p1 (xrf1)  }
0x322: {  	(xrf1) =	vsort.ascd.msk.f32 @p0 $0xffff, v3, v3;
	v4 =	vmax.f32 @p0 v5, v4  }
0x323: {  	(xrf1) =	vsort.dscd.msk.f32 @p0 $0xffff, v4, v4;
	_ =	sdelay $0xc  }
0x324: {  	v3, _, _ =	vpop @p1 (xrf1)  }
0x325: {  	v4, _, _ =	vpop @p1 (xrf1)  }
0x326: {  	v3 =	vmax.f32 @p0 v4, v3  }
0x327: {  	(xrf1) =	vsort.dscd.msk.f32 @p0 $0xffff, v3, v3;
	_ =	sdelay $0xb  }
0x328: {  	s18 =	simm.s32 $0x0  }
0x329: {  	v3 =	vld [tilespmem:s18+$0x70]  }
0x32a: {  	v5 =	vld [tilespmem:s18+$0x0];
	v4, _, _ =	vpop @p1 (xrf1)  }
0x32b: {  	v8 =	vld [tilespmem:s18+$0x10];
	v2 =	vpsel p0, v4, v2  }
0x32c: {  	v7 =	vld [tilespmem:s18+$0x20];
	v2 =	vperm.xlane v2, v1  }
0x32d: {  	v6 =	vld [tilespmem:s18+$0x30]  }
0x32e: {  	v4 =	vld [tilespmem:s18+$0x40];
	vm0 =	vge.f32 v3, v2  }
0x32f: {  	v3 =	vld [tilespmem:s18+$0x50];
	vm1 =	vge.f32 v5, v2;
	v9 =	vsel vm0, $0x3F800000, v0  }
0x330: {  	s19 =	simm.s32 $0x400;
	s17 =	simm.s32 $0x80;
	v5 =	vld [tilespmem:s18+$0x60];
	vm0 =	vge.f32 v8, v2;
	v8 =	vsel vm1, $0x3F800000, v0;
	[tilespmem:s18+$0x8070] =	vst v9  }
.LBB2_32:
0x331: {  	p0 =	sne.s32 s19, $0x1FE00;
	v9 =	vld [tilespmem:s17+$0x70];
	[tilespmem:s18+$0x8000] =	vst v8;
	v8 =	vsel vm0, $0x3F800000, v0;
	vm0 =	vge.f32 v7, v2  }
0x332: {  	v10 =	vld [tilespmem:s17+$0x0];
	[tilespmem:s18+$0x8010] =	vst v8;
	v7 =	vsel vm0, $0x3F800000, v0;
	vm0 =	vge.f32 v6, v2  }
0x333: {  	v11 =	vld [tilespmem:s17+$0x10];
	[tilespmem:s18+$0x8020] =	vst v7;
	v6 =	vsel vm0, $0x3F800000, v0;
	vm0 =	vge.f32 v4, v2  }
.Ltmp15:
0x334: {  	v7 =	vld [tilespmem:s17+$0x20];
	[tilespmem:s18+$0x8030] =	vst v6;
	v4 =	vsel vm0, $0x3F800000, v0;
	vm0 =	vge.f32 v3, v2;
	(pc) =	sbr.rel @p0 .LBB2_32-.Ltmp15, $4  }
0x335: {  	v6 =	vld [tilespmem:s17+$0x30];
	[tilespmem:s18+$0x8040] =	vst v4;
	v3 =	vsel vm0, $0x3F800000, v0;
	vm0 =	vge.f32 v5, v2  }
0x336: {  	v4 =	vld [tilespmem:s17+$0x40];
	vm1 =	vge.f32 v9, v2;
	[tilespmem:s18+$0x8050] =	vst v3;
	v5 =	vsel vm0, $0x3F800000, v0  }
0x337: {  	vm0 =	vge.f32 v10, v2;
	v3 =	vld [tilespmem:s17+$0x50];
	v9 =	vsel vm1, $0x3F800000, v0;
	[tilespmem:s18+$0x8060] =	vst v5;
	s18 =	smov.u32 s17  }
0x338: {  	s17 =	sshra.s32 s19, $0x2;
	s19 =	sadd.s32 $0x200, s19;
	v8 =	vsel vm0, $0x3F800000, v0;
	vm0 =	vge.f32 v11, v2;
	v5 =	vld [tilespmem:s18+$0x60];
	[tilespmem:s18+$0x8070] =	vst v9  }
0x339: {  	v9 =	vld [tilespmem:s17+$0x70];
	[tilespmem:s18+$0x8000] =	vst v8;
	v60 =	vsel vm0, $0x3F800000, v0;
	vm4 =	vge.f32 v7, v2  }
0x33a: {  	v10 =	vld [tilespmem:s17+$0x0];
	[tilespmem:s18+$0x8010] =	vst v60;
	v7 =	vsel vm4, $0x3F800000, v0;
	vm5 =	vge.f32 v6, v2  }
0x33b: {  	v8 =	vld [tilespmem:s17+$0x10];
	[tilespmem:s18+$0x8020] =	vst v7;
	v6 =	vsel vm5, $0x3F800000, v0;
	vm6 =	vge.f32 v4, v2  }
0x33c: {  	v7 =	vld [tilespmem:s17+$0x20];
	[tilespmem:s18+$0x8030] =	vst v6;
	v4 =	vsel vm6, $0x3F800000, v0;
	vm7 =	vge.f32 v3, v2  }
0x33d: {  	v6 =	vld [tilespmem:s17+$0x30];
	[tilespmem:s18+$0x8040] =	vst v4;
	v3 =	vsel vm7, $0x3F800000, v0;
	vm8 =	vge.f32 v5, v2  }
0x33e: {  	v4 =	vld [tilespmem:s17+$0x40];
	[tilespmem:s18+$0x8050] =	vst v3;
	v3 =	vsel vm8, $0x3F800000, v0;
	vm9 =	vge.f32 v9, v2  }
0x33f: {  	v61 =	vld [tilespmem:s17+$0x50];
	[tilespmem:s18+$0x8060] =	vst v3;
	vm1 =	vge.f32 v10, v2;
	v3 =	vsel vm9, $0x3F800000, v0  }
0x340: {  	v62 =	vld [tilespmem:s17+$0x60];
	vm10 =	vge.f32 v8, v2;
	v63 =	vsel vm1, $0x3F800000, v0;
	[tilespmem:s17+$0x8070] =	vst v3  }
0x341: {  	[tilespmem:s17+$0x8000] =	vst v63;
	v3 =	vsel vm10, $0x3F800000, v0;
	vm11 =	vge.f32 v7, v2  }
0x342: {  	[tilespmem:s17+$0x8010] =	vst v3;
	v3 =	vsel vm11, $0x3F800000, v0;
	vm12 =	vge.f32 v6, v2  }
0x343: {  	[tilespmem:s17+$0x8020] =	vst v3;
	v3 =	vsel vm12, $0x3F800000, v0;
	vm13 =	vge.f32 v4, v2  }
0x344: {  	[tilespmem:s17+$0x8030] =	vst v3;
	v3 =	vsel vm13, $0x3F800000, v0;
	vm14 =	vge.f32 v61, v2  }
0x345: {  	s16 =	sadd.s32 $0x1, s16;
	[tilespmem:s17+$0x8040] =	vst v3;
	v3 =	vsel vm14, $0x3F800000, v0;
	vm15 =	vge.f32 v62, v2  }
0x346: {  	p0 =	sne.s32 s16, s11;
	[tilespmem:s17+$0x8050] =	vst v3;
	v2 =	vsel vm15, $0x3F800000, v0  }
.Ltmp16:
0x347: {  	[tilespmem:s17+$0x8060] =	vst v2;
	(pc) =	sbr.rel @p0 .LBB2_1-.Ltmp16, $4  }
0x348: {  	[hbm4b:s10+s12] =	stream.strided.scatter [tilespmem:s15], [sflag:$0x1], $0x8000, s13, s12, $0x38;
	[tilespmem:$0x11000] =	vst v63  }
0x349: {  	_ =	swait.ge [sflag:s14], $0x8000  }
0x34a: {  	[sflag:s14] =	ssyncset.done $0x0  }
0x34b: {  	[sflag:s14] =	ssyncadd.s32 $0xFFFF8000  }
0x34c: {  	_ =	sfence.sel $0x180000  }
0x34d: {  	[bflag:$0x0] =	sbarrier.arrive $0xFFFF  }
0x34e: {  	p0 =	sne.s32 s1, $0x0;
	_ =	strace $0x90000047  }
0x34f: {  	s0 =	sadd.s32 @!p0 $0x100000, s0;
	[bflag:$0x2] =	sbarrier.arrive $0xFFFF  }
0x350: {  	[sflag:s0] =	ssyncadd.tile.s32 @!p0 $0x1;
	_ =	shalt  }
.Lfunc_end2:
_tile_overlayer_lowered:
.L_overlay_start_2:
0x351: {  	(tag) =	ssettag $0x2  }
0x352: {  	s0 =	rddreg [dreg:$0x0];
	s2 =	stileid.u32  }
0x353: {  	s1 =	rddreg [dreg:$0x1];
	p0 =	sne.s32 s2, $0x0  }
0x354: {  	s3 =	rddreg [dreg:$0x2];
	[bflag:$0x3] =	sbarrier.arrive $0xFFFF;
	s2 =	simm.s32 @!p0 $0x1C01  }
0x355: {  	[timem:s3], [sflag:s2] =	dma.local @!p0 [hbm:s0], s1  }
0x356: {  	s0 =	simm.s32 @!p0 $0x1  }
0x357: {  	_ =	swait.ge @!p0 [sflag:s0], s1  }
0x358: {  	s1 =	ssub.s32 @!p0 $0x0, s1;
	[sflag:s0] =	ssyncset.done @!p0 $0x0  }
0x359: {  	[sflag:s0] =	ssyncadd.s32 @!p0 s1  }
0x35a: {  	[bflag:$0x3] =	sbarrier.arrive $0xFFFF  }
0x35b: {  	_ =	shalt  }

</sc_bundles>
